<compile_context>
chip_gen: v7x
topology: tpu7x:2x2x1
jax: 0.10.2.dev20260603
libtpu: 0.0.44.dev20260713+nightly
codegen_flags: <defaults>
</compile_context>

<pallas_src>
import functools

import jax
import jax.numpy as jnp
from jax import lax
from jax.experimental import pallas as pl
from jax.experimental.pallas import tpu as pltpu
from jax.experimental.pallas import tpu_sc as plsc

_EMBED = 32
_SEQ = 200
_BATCH = 4096
_NSPLIT = 2
_BS = _BATCH // _NSPLIT

_NC = 2
_NS = 16
_NW = _NC * _NS
_GI = 128
_KG = 10
_CW = _KG * _GI


@functools.cache
def _make_sc_gather(ntok):
    pw = ntok // _NW
    ng = pw // _GI
    no = ng // _KG
    mesh = plsc.VectorSubcoreMesh(core_axis_name="c", subcore_axis_name="s",
                                  num_cores=_NC, num_subcores=_NS)

    def body(idx_hbm, table_hbm, out_hbm, idx_v, rows_v, gsem, wsem):
        wid = lax.axis_index("s") * _NC + lax.axis_index("c")
        row0 = wid * pw
        pltpu.sync_copy(idx_hbm.at[wid], idx_v)

        def chunk(jj, buf):
            @pl.when(jj >= 2)
            def _():
                pltpu.make_async_copy(
                    rows_v.at[buf], out_hbm.at[pl.ds(row0, _CW)], wsem).wait()

            copies = []
            for g in range(_KG):
                copies.append(pltpu.async_copy(
                    table_hbm.at[idx_v.at[jj * _KG + g]],
                    rows_v.at[buf, pl.ds(g * _GI, _GI), :],
                    gsem))
            for c in copies:
                c.wait()
            pltpu.async_copy(
                rows_v.at[buf], out_hbm.at[pl.ds(row0 + jj * _CW, _CW)], wsem)

        def loop(it, carry):
            chunk(it * 2, 0)
            chunk(it * 2 + 1, 1)
            return carry

        lax.fori_loop(0, no // 2, loop, 0)
        for buf in (0, 1):
            pltpu.make_async_copy(
                rows_v.at[buf], out_hbm.at[pl.ds(row0, _CW)], wsem).wait()

    return pl.kernel(
        body,
        out_type=jax.ShapeDtypeStruct((ntok, _EMBED), jnp.float32),
        mesh=mesh,
        scratch_types=[
            pltpu.VMEM((ng, _GI), jnp.int32),
            pltpu.VMEM((2, _CW, _EMBED), jnp.float32),
            pltpu.SemaphoreType.DMA,
            pltpu.SemaphoreType.DMA,
        ],
        compiler_params=pltpu.CompilerParams(use_tc_tiling_on_sc=False),
    )


_BM = 256


_RPB = _SEQ * _EMBED // 128


def _mlp_body(x_ref, w1_ref, b1_ref, w2_ref, b2_ref, o_ref):
    x = x_ref[...].reshape(_BM, _SEQ * _EMBED)
    h = jnp.dot(x, w1_ref[...], preferred_element_type=jnp.float32)
    h = jnp.maximum(h + b1_ref[...], 0.0)
    o = jnp.dot(h, w2_ref[...], preferred_element_type=jnp.float32) + b2_ref[...]
    o_ref[...] = 1.0 / (1.0 + jnp.exp(-o))


def _tc_mlp(flat128, W1, b1, W2, b2):
    k = _SEQ * _EMBED
    nb = flat128.shape[0] // _RPB
    return pl.pallas_call(
        _mlp_body,
        grid=(nb // _BM,),
        in_specs=[
            pl.BlockSpec((_BM * _RPB, 128), lambda i: (i, 0)),
            pl.BlockSpec((k, 32), lambda i: (0, 0)),
            pl.BlockSpec((1, 32), lambda i: (0, 0)),
            pl.BlockSpec((32, 1), lambda i: (0, 0)),
            pl.BlockSpec((1, 1), lambda i: (0, 0)),
        ],
        out_specs=pl.BlockSpec((_BM, 1), lambda i: (i, 0)),
        out_shape=jax.ShapeDtypeStruct((nb, 1), jnp.float32),
    )(flat128, W1, b1.reshape(1, 32), W2, b2.reshape(1, 1))


def kernel(text, table, W1, b1, W2, b2):
    idx = text.astype(jnp.int32)
    gather = _make_sc_gather(_BS * _SEQ)
    outs = []
    for h in range(_NSPLIT):
        tslice = lax.slice_in_dim(idx, h * _BS, (h + 1) * _BS, axis=0)
        idx3 = tslice.reshape(_NW, (_BS * _SEQ) // (_NW * _GI), _GI)
        emb = gather(idx3, table)
        flat128 = emb.reshape(_BS * _SEQ * _EMBED // 128, 128)
        outs.append(_tc_mlp(flat128, W1, b1, W2, b2))
    return jnp.concatenate(outs, axis=0)

# --- scband reference (transcript-rebuilt; emitter-appended) ---
"""Pipeline reference for scband-is-generated-6150393168589 (READ-ONLY COPY).

The authoritative reference and input builder live on the scoring server;
editing this copy changes nothing except your own understanding.
"""

import jax, jax.numpy as jnp
import numpy as np

VOCAB = 1000000
EMBED = 32
SEQ = 200
BATCH = 4096

def setup_inputs(seed: int = 0) -> dict:
    key = jax.random.key(seed)
    k1, k2, k3, k4, k5, k6 = jax.random.split(key, 6)
    text = jax.random.randint(k1, (BATCH, SEQ), 0, VOCAB, dtype=jnp.int64 if jax.config.jax_enable_x64 else jnp.int32)
    table = jax.random.normal(k2, (VOCAB, EMBED), dtype=jnp.float32) * 0.02
    W1 = jax.random.normal(k3, (EMBED * SEQ, 32), dtype=jnp.float32) * (1.0 / np.sqrt(EMBED * SEQ))
    b1 = jnp.zeros((32,), dtype=jnp.float32)
    W2 = jax.random.normal(k4, (32, 1), dtype=jnp.float32) * (1.0 / np.sqrt(32))
    b2 = jnp.zeros((1,), dtype=jnp.float32)
    return {"text": text, "table": table, "W1": W1, "b1": b1, "W2": W2, "b2": b2}

def reference(text, table, W1, b1, W2, b2):
    # nn.Embedding: gather rows of table
    emb = jnp.take(table, text, axis=0)            # [B, SEQ, EMBED]
    flat = emb.reshape(emb.shape[0], -1)           # [B, SEQ*EMBED]
    h = jnp.maximum(flat @ W1 + b1, 0.0)           # Linear + ReLU
    out = jax.nn.sigmoid(h @ W2 + b2)              # Linear + Sigmoid -> [B, 1]
    return out

if __name__ == "__main__":
    import jax
    _d = setup_inputs()
    print(jax.jit(kernel)(*tuple(_d.values())))

</pallas_src>

<mosaic_0001>
#map = affine_map<(d0, d1) -> (0, 0, 0)>
#map1 = affine_map<(d0, d1) -> (0, 0)>
module attributes {stable_mosaic.version = 14 : i64} {
  func.func @body(%arg0: i32, %arg1: i32, %arg2: memref<32x100x128xi32, #tpu.memory_space<hbm>>, %arg3: memref<1000000x32xf32, #tpu.memory_space<hbm>>, %arg4: memref<409600x32xf32, #tpu.memory_space<hbm>>, %arg5: memref<100x128xi32, #tpu.memory_space<vmem>>, %arg6: memref<2x1280x32xf32, #tpu.memory_space<vmem>>, %arg7: memref<!tpu.dma_semaphore, #tpu.memory_space<semaphore_mem>>, %arg8: memref<!tpu.dma_semaphore, #tpu.memory_space<semaphore_mem>>) attributes {dimension_semantics = [#tpu.dimension_semantics<core_parallel>, #tpu.dimension_semantics<subcore_parallel>], iteration_bounds = array<i64: 2, 16>, scalar_prefetch = 0 : i64, scratch_operands = 4 : i64, tpu.core_type = #tpu.core_type<sc_vector_subcore>, window_params = [{transform_indices = #map}, {transform_indices = #map1}, {transform_indices = #map1}]} {
    %mul3A = arith.constant 2 : i32
    %mul3A_0 = arith.muli %arg1, %mul3A : i32
    %add3A = arith.addi %mul3A_0, %arg0 : i32
    %mul3A_1 = arith.constant 12800 : i32
    %mul3A_2 = arith.muli %add3A, %mul3A_1 : i32
    "tpu.region"() ({
      %run_scoped3A = tpu.sem_alloc : memref<!tpu.dma_semaphore, #tpu.memory_space<semaphore_mem>>
      %dma_start3A = arith.constant 0 : i32
      %dma_start3A_33 = arith.constant 0 : i32
      %dma_start3A_34 = tpu.memref_slice %arg2[%add3A, %dma_start3A, %dma_start3A_33] : memref<32x100x128xi32, #tpu.memory_space<hbm>> -> memref<1x100x128xi32, #tpu.memory_space<hbm>>
      %dma_start3A_35 = tpu.memref_squeeze %dma_start3A_34 : memref<1x100x128xi32, #tpu.memory_space<hbm>> -> memref<100x128xi32, #tpu.memory_space<hbm>>
      %dma_start3A_36 = arith.constant 0 : i32
      %dma_start3A_37 = arith.constant 0 : i32
      %dma_start3A_38 = tpu.memref_slice %arg2[%add3A, %dma_start3A_36, %dma_start3A_37] : memref<32x100x128xi32, #tpu.memory_space<hbm>> -> memref<1x100x128xi32, #tpu.memory_space<hbm>>
      %dma_start3A_39 = tpu.memref_squeeze %dma_start3A_38 : memref<1x100x128xi32, #tpu.memory_space<hbm>> -> memref<100x128xi32, #tpu.memory_space<hbm>>
      tpu.enqueue_dma source(%dma_start3A_39 : memref<100x128xi32, #tpu.memory_space<hbm>>) target(%arg5 : memref<100x128xi32, #tpu.memory_space<vmem>>) target_semaphore(%run_scoped3A : memref<!tpu.dma_semaphore, #tpu.memory_space<semaphore_mem>>)
      %dma_wait3A_40 = arith.constant 0 : i32
      %dma_wait3A_41 = arith.constant 0 : i32
      %dma_wait3A_42 = tpu.memref_slice %arg2[%add3A, %dma_wait3A_40, %dma_wait3A_41] : memref<32x100x128xi32, #tpu.memory_space<hbm>> -> memref<1x100x128xi32, #tpu.memory_space<hbm>>
      %dma_wait3A_43 = tpu.memref_squeeze %dma_wait3A_42 : memref<1x100x128xi32, #tpu.memory_space<hbm>> -> memref<100x128xi32, #tpu.memory_space<hbm>>
      %dma_wait3A_44 = arith.constant 0 : i32
      %dma_wait3A_45 = arith.constant 0 : i32
      %dma_wait3A_46 = tpu.memref_slice %arg2[%add3A, %dma_wait3A_44, %dma_wait3A_45] : memref<32x100x128xi32, #tpu.memory_space<hbm>> -> memref<1x100x128xi32, #tpu.memory_space<hbm>>
      %dma_wait3A_47 = tpu.memref_squeeze %dma_wait3A_46 : memref<1x100x128xi32, #tpu.memory_space<hbm>> -> memref<100x128xi32, #tpu.memory_space<hbm>>
      tpu.wait_dma2 semaphore(%run_scoped3A : memref<!tpu.dma_semaphore, #tpu.memory_space<semaphore_mem>>) src(%dma_wait3A_47 : memref<100x128xi32, #tpu.memory_space<hbm>>) dst(%arg5 : memref<100x128xi32, #tpu.memory_space<vmem>>)
      tpu.yield
    }) : () -> ()
    %scan3A = arith.constant 0 : i32
    %scan3A_3 = arith.constant 0 : i32
    %scan3A_4 = arith.constant 5 : i32
    %scan3A_5 = arith.addi %scan3A_3, %scan3A_4 : i32
    %scan3A_6 = arith.constant 1 : i32
    scf.for %scan3A_33 = %scan3A_3 to %scan3A_5 step %scan3A_6  : i32 {
      %mul3A_34 = arith.constant 2 : i32
      %mul3A_35 = arith.muli %scan3A_33, %mul3A_34 : i32
      %ge3A = arith.constant 2 : i32
      %ge3A_36 = arith.cmpi sge, %mul3A_35, %ge3A : i32
      %convert_element_type3A = arith.extui %ge3A_36 : i1 to i32
      %cond3A = arith.constant 0 : i32
      %cond3A_37 = arith.cmpi ne, %convert_element_type3A, %cond3A : i32
      scf.if %cond3A_37 {
        %dma_wait3A_598 = arith.constant 0 : i32
        %dma_wait3A_599 = arith.constant 0 : i32
        %dma_wait3A_600 = arith.constant 0 : i32
        %dma_wait3A_601 = tpu.memref_slice %arg6[%dma_wait3A_598, %dma_wait3A_599, %dma_wait3A_600] : memref<2x1280x32xf32, #tpu.memory_space<vmem>> -> memref<1x1280x32xf32, #tpu.memory_space<vmem>>
        %dma_wait3A_602 = tpu.memref_squeeze %dma_wait3A_601 : memref<1x1280x32xf32, #tpu.memory_space<vmem>> -> memref<1280x32xf32, #tpu.memory_space<vmem>>
        %dma_wait3A_603 = arith.constant 0 : i32
        %dma_wait3A_604 = tpu.memref_slice %arg4[%mul3A_2, %dma_wait3A_603] : memref<409600x32xf32, #tpu.memory_space<hbm>> -> memref<1280x32xf32, #tpu.memory_space<hbm>>
        %dma_wait3A_605 = arith.constant 0 : i32
        %dma_wait3A_606 = tpu.memref_slice %arg4[%mul3A_2, %dma_wait3A_605] : memref<409600x32xf32, #tpu.memory_space<hbm>> -> memref<1280x32xf32, #tpu.memory_space<hbm>>
        %dma_wait3A_607 = arith.constant 0 : i32
        %dma_wait3A_608 = arith.constant 0 : i32
        %dma_wait3A_609 = tpu.memref_slice %arg6[%dma_wait3A_598, %dma_wait3A_607, %dma_wait3A_608] : memref<2x1280x32xf32, #tpu.memory_space<vmem>> -> memref<1x1280x32xf32, #tpu.memory_space<vmem>>
        %dma_wait3A_610 = tpu.memref_squeeze %dma_wait3A_609 : memref<1x1280x32xf32, #tpu.memory_space<vmem>> -> memref<1280x32xf32, #tpu.memory_space<vmem>>
        tpu.wait_dma2 semaphore(%arg8 : memref<!tpu.dma_semaphore, #tpu.memory_space<semaphore_mem>>) src(%dma_wait3A_610 : memref<1280x32xf32, #tpu.memory_space<vmem>>) dst(%dma_wait3A_606 : memref<1280x32xf32, #tpu.memory_space<hbm>>)
      } else {
      }
      %mul3A_38 = arith.constant 10 : i32
      %mul3A_39 = arith.muli %mul3A_35, %mul3A_38 : i32
      %add3A_40 = arith.constant 0 : i32
      %add3A_41 = arith.addi %mul3A_39, %add3A_40 : i32
      %dma_start3A = arith.constant 0 : i32
      %dma_start3A_42 = arith.constant 0 : i32
      %dma_start3A_43 = arith.constant 0 : i32
      %dma_start3A_44 = tpu.memref_slice %arg6[%dma_start3A, %dma_start3A_42, %dma_start3A_43] : memref<2x1280x32xf32, #tpu.memory_space<vmem>> -> memref<1x128x32xf32, #tpu.memory_space<vmem>>
      %dma_start3A_45 = tpu.memref_squeeze %dma_start3A_44 : memref<1x128x32xf32, #tpu.memory_space<vmem>> -> memref<128x32xf32, #tpu.memory_space<vmem>>
      %dma_start3A_46 = arith.constant 0 : i32
      %dma_start3A_47 = tpu.memref_slice %arg5[%add3A_41, %dma_start3A_46] : memref<100x128xi32, #tpu.memory_space<vmem>> -> memref<1x128xi32, #tpu.memory_space<vmem>>
      %dma_start3A_48 = tpu.memref_squeeze %dma_start3A_47 : memref<1x128xi32, #tpu.memory_space<vmem>> -> memref<128xi32, #tpu.memory_space<vmem>>
      %dma_start3A_49 = arith.constant 0 : i32
      %dma_start3A_50 = arith.constant 0 : i32
      %dma_start3A_51 = tpu.memref_slice %arg3[%dma_start3A_49, %dma_start3A_50] : memref<1000000x32xf32, #tpu.memory_space<hbm>> -> memref<1000000x32xf32, #tpu.memory_space<hbm>>
      tpu.enqueue_indirect_dma source(%dma_start3A_51 : memref<1000000x32xf32, #tpu.memory_space<hbm>>) target(%dma_start3A_45 : memref<128x32xf32, #tpu.memory_space<vmem>>) offsets(%dma_start3A_48 : memref<128xi32, #tpu.memory_space<vmem>>) semaphore(%arg7 : memref<!tpu.dma_semaphore, #tpu.memory_space<semaphore_mem>>)
      %mul3A_52 = arith.constant 10 : i32
      %mul3A_53 = arith.muli %mul3A_35, %mul3A_52 : i32
      %add3A_54 = arith.constant 1 : i32
      %add3A_55 = arith.addi %mul3A_53, %add3A_54 : i32
      %dma_start3A_56 = arith.constant 0 : i32
      %dma_start3A_57 = arith.constant 128 : i32
      %dma_start3A_58 = arith.constant 0 : i32
      %dma_start3A_59 = tpu.memref_slice %arg6[%dma_start3A_56, %dma_start3A_57, %dma_start3A_58] : memref<2x1280x32xf32, #tpu.memory_space<vmem>> -> memref<1x128x32xf32, #tpu.memory_space<vmem>>
      %dma_start3A_60 = tpu.memref_squeeze %dma_start3A_59 : memref<1x128x32xf32, #tpu.memory_space<vmem>> -> memref<128x32xf32, #tpu.memory_space<vmem>>
      %dma_start3A_61 = arith.constant 0 : i32
      %dma_start3A_62 = tpu.memref_slice %arg5[%add3A_55, %dma_start3A_61] : memref<100x128xi32, #tpu.memory_space<vmem>> -> memref<1x128xi32, #tpu.memory_space<vmem>>
      %dma_start3A_63 = tpu.memref_squeeze %dma_start3A_62 : memref<1x128xi32, #tpu.memory_space<vmem>> -> memref<128xi32, #tpu.memory_space<vmem>>
      %dma_start3A_64 = arith.constant 0 : i32
      %dma_start3A_65 = arith.constant 0 : i32
      %dma_start3A_66 = tpu.memref_slice %arg3[%dma_start3A_64, %dma_start3A_65] : memref<1000000x32xf32, #tpu.memory_space<hbm>> -> memref<1000000x32xf32, #tpu.memory_space<hbm>>
      tpu.enqueue_indirect_dma source(%dma_start3A_66 : memref<1000000x32xf32, #tpu.memory_space<hbm>>) target(%dma_start3A_60 : memref<128x32xf32, #tpu.memory_space<vmem>>) offsets(%dma_start3A_63 : memref<128xi32, #tpu.memory_space<vmem>>) semaphore(%arg7 : memref<!tpu.dma_semaphore, #tpu.memory_space<semaphore_mem>>)
      %mul3A_67 = arith.constant 10 : i32
      %mul3A_68 = arith.muli %mul3A_35, %mul3A_67 : i32
      %add3A_69 = arith.constant 2 : i32
      %add3A_70 = arith.addi %mul3A_68, %add3A_69 : i32
      %dma_start3A_71 = arith.constant 0 : i32
      %dma_start3A_72 = arith.constant 256 : i32
      %dma_start3A_73 = arith.constant 0 : i32
      %dma_start3A_74 = tpu.memref_slice %arg6[%dma_start3A_71, %dma_start3A_72, %dma_start3A_73] : memref<2x1280x32xf32, #tpu.memory_space<vmem>> -> memref<1x128x32xf32, #tpu.memory_space<vmem>>
      %dma_start3A_75 = tpu.memref_squeeze %dma_start3A_74 : memref<1x128x32xf32, #tpu.memory_space<vmem>> -> memref<128x32xf32, #tpu.memory_space<vmem>>
      %dma_start3A_76 = arith.constant 0 : i32
      %dma_start3A_77 = tpu.memref_slice %arg5[%add3A_70, %dma_start3A_76] : memref<100x128xi32, #tpu.memory_space<vmem>> -> memref<1x128xi32, #tpu.memory_space<vmem>>
      %dma_start3A_78 = tpu.memref_squeeze %dma_start3A_77 : memref<1x128xi32, #tpu.memory_space<vmem>> -> memref<128xi32, #tpu.memory_space<vmem>>
      %dma_start3A_79 = arith.constant 0 : i32
      %dma_start3A_80 = arith.constant 0 : i32
      %dma_start3A_81 = tpu.memref_slice %arg3[%dma_start3A_79, %dma_start3A_80] : memref<1000000x32xf32, #tpu.memory_space<hbm>> -> memref<1000000x32xf32, #tpu.memory_space<hbm>>
      tpu.enqueue_indirect_dma source(%dma_start3A_81 : memref<1000000x32xf32, #tpu.memory_space<hbm>>) target(%dma_start3A_75 : memref<128x32xf32, #tpu.memory_space<vmem>>) offsets(%dma_start3A_78 : memref<128xi32, #tpu.memory_space<vmem>>) semaphore(%arg7 : memref<!tpu.dma_semaphore, #tpu.memory_space<semaphore_mem>>)
      %mul3A_82 = arith.constant 10 : i32
      %mul3A_83 = arith.muli %mul3A_35, %mul3A_82 : i32
      %add3A_84 = arith.constant 3 : i32
      %add3A_85 = arith.addi %mul3A_83, %add3A_84 : i32
      %dma_start3A_86 = arith.constant 0 : i32
      %dma_start3A_87 = arith.constant 384 : i32
      %dma_start3A_88 = arith.constant 0 : i32
      %dma_start3A_89 = tpu.memref_slice %arg6[%dma_start3A_86, %dma_start3A_87, %dma_start3A_88] : memref<2x1280x32xf32, #tpu.memory_space<vmem>> -> memref<1x128x32xf32, #tpu.memory_space<vmem>>
      %dma_start3A_90 = tpu.memref_squeeze %dma_start3A_89 : memref<1x128x32xf32, #tpu.memory_space<vmem>> -> memref<128x32xf32, #tpu.memory_space<vmem>>
      %dma_start3A_91 = arith.constant 0 : i32
      %dma_start3A_92 = tpu.memref_slice %arg5[%add3A_85, %dma_start3A_91] : memref<100x128xi32, #tpu.memory_space<vmem>> -> memref<1x128xi32, #tpu.memory_space<vmem>>
      %dma_start3A_93 = tpu.memref_squeeze %dma_start3A_92 : memref<1x128xi32, #tpu.memory_space<vmem>> -> memref<128xi32, #tpu.memory_space<vmem>>
      %dma_start3A_94 = arith.constant 0 : i32
      %dma_start3A_95 = arith.constant 0 : i32
      %dma_start3A_96 = tpu.memref_slice %arg3[%dma_start3A_94, %dma_start3A_95] : memref<1000000x32xf32, #tpu.memory_space<hbm>> -> memref<1000000x32xf32, #tpu.memory_space<hbm>>
      tpu.enqueue_indirect_dma source(%dma_start3A_96 : memref<1000000x32xf32, #tpu.memory_space<hbm>>) target(%dma_start3A_90 : memref<128x32xf32, #tpu.memory_space<vmem>>) offsets(%dma_start3A_93 : memref<128xi32, #tpu.memory_space<vmem>>) semaphore(%arg7 : memref<!tpu.dma_semaphore, #tpu.memory_space<semaphore_mem>>)
      %mul3A_97 = arith.constant 10 : i32
      %mul3A_98 = arith.muli %mul3A_35, %mul3A_97 : i32
      %add3A_99 = arith.constant 4 : i32
      %add3A_100 = arith.addi %mul3A_98, %add3A_99 : i32
      %dma_start3A_101 = arith.constant 0 : i32
      %dma_start3A_102 = arith.constant 512 : i32
      %dma_start3A_103 = arith.constant 0 : i32
      %dma_start3A_104 = tpu.memref_slice %arg6[%dma_start3A_101, %dma_start3A_102, %dma_start3A_103] : memref<2x1280x32xf32, #tpu.memory_space<vmem>> -> memref<1x128x32xf32, #tpu.memory_space<vmem>>
      %dma_start3A_105 = tpu.memref_squeeze %dma_start3A_104 : memref<1x128x32xf32, #tpu.memory_space<vmem>> -> memref<128x32xf32, #tpu.memory_space<vmem>>
      %dma_start3A_106 = arith.constant 0 : i32
      %dma_start3A_107 = tpu.memref_slice %arg5[%add3A_100, %dma_start3A_106] : memref<100x128xi32, #tpu.memory_space<vmem>> -> memref<1x128xi32, #tpu.memory_space<vmem>>
      %dma_start3A_108 = tpu.memref_squeeze %dma_start3A_107 : memref<1x128xi32, #tpu.memory_space<vmem>> -> memref<128xi32, #tpu.memory_space<vmem>>
      %dma_start3A_109 = arith.constant 0 : i32
      %dma_start3A_110 = arith.constant 0 : i32
      %dma_start3A_111 = tpu.memref_slice %arg3[%dma_start3A_109, %dma_start3A_110] : memref<1000000x32xf32, #tpu.memory_space<hbm>> -> memref<1000000x32xf32, #tpu.memory_space<hbm>>
      tpu.enqueue_indirect_dma source(%dma_start3A_111 : memref<1000000x32xf32, #tpu.memory_space<hbm>>) target(%dma_start3A_105 : memref<128x32xf32, #tpu.memory_space<vmem>>) offsets(%dma_start3A_108 : memref<128xi32, #tpu.memory_space<vmem>>) semaphore(%arg7 : memref<!tpu.dma_semaphore, #tpu.memory_space<semaphore_mem>>)
      %mul3A_112 = arith.constant 10 : i32
      %mul3A_113 = arith.muli %mul3A_35, %mul3A_112 : i32
      %add3A_114 = arith.constant 5 : i32
      %add3A_115 = arith.addi %mul3A_113, %add3A_114 : i32
      %dma_start3A_116 = arith.constant 0 : i32
      %dma_start3A_117 = arith.constant 640 : i32
      %dma_start3A_118 = arith.constant 0 : i32
      %dma_start3A_119 = tpu.memref_slice %arg6[%dma_start3A_116, %dma_start3A_117, %dma_start3A_118] : memref<2x1280x32xf32, #tpu.memory_space<vmem>> -> memref<1x128x32xf32, #tpu.memory_space<vmem>>
      %dma_start3A_120 = tpu.memref_squeeze %dma_start3A_119 : memref<1x128x32xf32, #tpu.memory_space<vmem>> -> memref<128x32xf32, #tpu.memory_space<vmem>>
      %dma_start3A_121 = arith.constant 0 : i32
      %dma_start3A_122 = tpu.memref_slice %arg5[%add3A_115, %dma_start3A_121] : memref<100x128xi32, #tpu.memory_space<vmem>> -> memref<1x128xi32, #tpu.memory_space<vmem>>
      %dma_start3A_123 = tpu.memref_squeeze %dma_start3A_122 : memref<1x128xi32, #tpu.memory_space<vmem>> -> memref<128xi32, #tpu.memory_space<vmem>>
      %dma_start3A_124 = arith.constant 0 : i32
      %dma_start3A_125 = arith.constant 0 : i32
      %dma_start3A_126 = tpu.memref_slice %arg3[%dma_start3A_124, %dma_start3A_125] : memref<1000000x32xf32, #tpu.memory_space<hbm>> -> memref<1000000x32xf32, #tpu.memory_space<hbm>>
      tpu.enqueue_indirect_dma source(%dma_start3A_126 : memref<1000000x32xf32, #tpu.memory_space<hbm>>) target(%dma_start3A_120 : memref<128x32xf32, #tpu.memory_space<vmem>>) offsets(%dma_start3A_123 : memref<128xi32, #tpu.memory_space<vmem>>) semaphore(%arg7 : memref<!tpu.dma_semaphore, #tpu.memory_space<semaphore_mem>>)
      %mul3A_127 = arith.constant 10 : i32
      %mul3A_128 = arith.muli %mul3A_35, %mul3A_127 : i32
      %add3A_129 = arith.constant 6 : i32
      %add3A_130 = arith.addi %mul3A_128, %add3A_129 : i32
      %dma_start3A_131 = arith.constant 0 : i32
      %dma_start3A_132 = arith.constant 768 : i32
      %dma_start3A_133 = arith.constant 0 : i32
      %dma_start3A_134 = tpu.memref_slice %arg6[%dma_start3A_131, %dma_start3A_132, %dma_start3A_133] : memref<2x1280x32xf32, #tpu.memory_space<vmem>> -> memref<1x128x32xf32, #tpu.memory_space<vmem>>
      %dma_start3A_135 = tpu.memref_squeeze %dma_start3A_134 : memref<1x128x32xf32, #tpu.memory_space<vmem>> -> memref<128x32xf32, #tpu.memory_space<vmem>>
      %dma_start3A_136 = arith.constant 0 : i32
      %dma_start3A_137 = tpu.memref_slice %arg5[%add3A_130, %dma_start3A_136] : memref<100x128xi32, #tpu.memory_space<vmem>> -> memref<1x128xi32, #tpu.memory_space<vmem>>
      %dma_start3A_138 = tpu.memref_squeeze %dma_start3A_137 : memref<1x128xi32, #tpu.memory_space<vmem>> -> memref<128xi32, #tpu.memory_space<vmem>>
      %dma_start3A_139 = arith.constant 0 : i32
      %dma_start3A_140 = arith.constant 0 : i32
      %dma_start3A_141 = tpu.memref_slice %arg3[%dma_start3A_139, %dma_start3A_140] : memref<1000000x32xf32, #tpu.memory_space<hbm>> -> memref<1000000x32xf32, #tpu.memory_space<hbm>>
      tpu.enqueue_indirect_dma source(%dma_start3A_141 : memref<1000000x32xf32, #tpu.memory_space<hbm>>) target(%dma_start3A_135 : memref<128x32xf32, #tpu.memory_space<vmem>>) offsets(%dma_start3A_138 : memref<128xi32, #tpu.memory_space<vmem>>) semaphore(%arg7 : memref<!tpu.dma_semaphore, #tpu.memory_space<semaphore_mem>>)
      %mul3A_142 = arith.constant 10 : i32
      %mul3A_143 = arith.muli %mul3A_35, %mul3A_142 : i32
      %add3A_144 = arith.constant 7 : i32
      %add3A_145 = arith.addi %mul3A_143, %add3A_144 : i32
      %dma_start3A_146 = arith.constant 0 : i32
      %dma_start3A_147 = arith.constant 896 : i32
      %dma_start3A_148 = arith.constant 0 : i32
      %dma_start3A_149 = tpu.memref_slice %arg6[%dma_start3A_146, %dma_start3A_147, %dma_start3A_148] : memref<2x1280x32xf32, #tpu.memory_space<vmem>> -> memref<1x128x32xf32, #tpu.memory_space<vmem>>
      %dma_start3A_150 = tpu.memref_squeeze %dma_start3A_149 : memref<1x128x32xf32, #tpu.memory_space<vmem>> -> memref<128x32xf32, #tpu.memory_space<vmem>>
      %dma_start3A_151 = arith.constant 0 : i32
      %dma_start3A_152 = tpu.memref_slice %arg5[%add3A_145, %dma_start3A_151] : memref<100x128xi32, #tpu.memory_space<vmem>> -> memref<1x128xi32, #tpu.memory_space<vmem>>
      %dma_start3A_153 = tpu.memref_squeeze %dma_start3A_152 : memref<1x128xi32, #tpu.memory_space<vmem>> -> memref<128xi32, #tpu.memory_space<vmem>>
      %dma_start3A_154 = arith.constant 0 : i32
      %dma_start3A_155 = arith.constant 0 : i32
      %dma_start3A_156 = tpu.memref_slice %arg3[%dma_start3A_154, %dma_start3A_155] : memref<1000000x32xf32, #tpu.memory_space<hbm>> -> memref<1000000x32xf32, #tpu.memory_space<hbm>>
      tpu.enqueue_indirect_dma source(%dma_start3A_156 : memref<1000000x32xf32, #tpu.memory_space<hbm>>) target(%dma_start3A_150 : memref<128x32xf32, #tpu.memory_space<vmem>>) offsets(%dma_start3A_153 : memref<128xi32, #tpu.memory_space<vmem>>) semaphore(%arg7 : memref<!tpu.dma_semaphore, #tpu.memory_space<semaphore_mem>>)
      %mul3A_157 = arith.constant 10 : i32
      %mul3A_158 = arith.muli %mul3A_35, %mul3A_157 : i32
      %add3A_159 = arith.constant 8 : i32
      %add3A_160 = arith.addi %mul3A_158, %add3A_159 : i32
      %dma_start3A_161 = arith.constant 0 : i32
      %dma_start3A_162 = arith.constant 1024 : i32
      %dma_start3A_163 = arith.constant 0 : i32
      %dma_start3A_164 = tpu.memref_slice %arg6[%dma_start3A_161, %dma_start3A_162, %dma_start3A_163] : memref<2x1280x32xf32, #tpu.memory_space<vmem>> -> memref<1x128x32xf32, #tpu.memory_space<vmem>>
      %dma_start3A_165 = tpu.memref_squeeze %dma_start3A_164 : memref<1x128x32xf32, #tpu.memory_space<vmem>> -> memref<128x32xf32, #tpu.memory_space<vmem>>
      %dma_start3A_166 = arith.constant 0 : i32
      %dma_start3A_167 = tpu.memref_slice %arg5[%add3A_160, %dma_start3A_166] : memref<100x128xi32, #tpu.memory_space<vmem>> -> memref<1x128xi32, #tpu.memory_space<vmem>>
      %dma_start3A_168 = tpu.memref_squeeze %dma_start3A_167 : memref<1x128xi32, #tpu.memory_space<vmem>> -> memref<128xi32, #tpu.memory_space<vmem>>
      %dma_start3A_169 = arith.constant 0 : i32
      %dma_start3A_170 = arith.constant 0 : i32
      %dma_start3A_171 = tpu.memref_slice %arg3[%dma_start3A_169, %dma_start3A_170] : memref<1000000x32xf32, #tpu.memory_space<hbm>> -> memref<1000000x32xf32, #tpu.memory_space<hbm>>
      tpu.enqueue_indirect_dma source(%dma_start3A_171 : memref<1000000x32xf32, #tpu.memory_space<hbm>>) target(%dma_start3A_165 : memref<128x32xf32, #tpu.memory_space<vmem>>) offsets(%dma_start3A_168 : memref<128xi32, #tpu.memory_space<vmem>>) semaphore(%arg7 : memref<!tpu.dma_semaphore, #tpu.memory_space<semaphore_mem>>)
      %mul3A_172 = arith.constant 10 : i32
      %mul3A_173 = arith.muli %mul3A_35, %mul3A_172 : i32
      %add3A_174 = arith.constant 9 : i32
      %add3A_175 = arith.addi %mul3A_173, %add3A_174 : i32
      %dma_start3A_176 = arith.constant 0 : i32
      %dma_start3A_177 = arith.constant 1152 : i32
      %dma_start3A_178 = arith.constant 0 : i32
      %dma_start3A_179 = tpu.memref_slice %arg6[%dma_start3A_176, %dma_start3A_177, %dma_start3A_178] : memref<2x1280x32xf32, #tpu.memory_space<vmem>> -> memref<1x128x32xf32, #tpu.memory_space<vmem>>
      %dma_start3A_180 = tpu.memref_squeeze %dma_start3A_179 : memref<1x128x32xf32, #tpu.memory_space<vmem>> -> memref<128x32xf32, #tpu.memory_space<vmem>>
      %dma_start3A_181 = arith.constant 0 : i32
      %dma_start3A_182 = tpu.memref_slice %arg5[%add3A_175, %dma_start3A_181] : memref<100x128xi32, #tpu.memory_space<vmem>> -> memref<1x128xi32, #tpu.memory_space<vmem>>
      %dma_start3A_183 = tpu.memref_squeeze %dma_start3A_182 : memref<1x128xi32, #tpu.memory_space<vmem>> -> memref<128xi32, #tpu.memory_space<vmem>>
      %dma_start3A_184 = arith.constant 0 : i32
      %dma_start3A_185 = arith.constant 0 : i32
      %dma_start3A_186 = tpu.memref_slice %arg3[%dma_start3A_184, %dma_start3A_185] : memref<1000000x32xf32, #tpu.memory_space<hbm>> -> memref<1000000x32xf32, #tpu.memory_space<hbm>>
      tpu.enqueue_indirect_dma source(%dma_start3A_186 : memref<1000000x32xf32, #tpu.memory_space<hbm>>) target(%dma_start3A_180 : memref<128x32xf32, #tpu.memory_space<vmem>>) offsets(%dma_start3A_183 : memref<128xi32, #tpu.memory_space<vmem>>) semaphore(%arg7 : memref<!tpu.dma_semaphore, #tpu.memory_space<semaphore_mem>>)
      %dma_wait3A_187 = arith.constant 0 : i32
      %dma_wait3A_188 = arith.constant 0 : i32
      %dma_wait3A_189 = arith.constant 0 : i32
      %dma_wait3A_190 = tpu.memref_slice %arg6[%dma_wait3A_187, %dma_wait3A_188, %dma_wait3A_189] : memref<2x1280x32xf32, #tpu.memory_space<vmem>> -> memref<1x128x32xf32, #tpu.memory_space<vmem>>
      %dma_wait3A_191 = tpu.memref_squeeze %dma_wait3A_190 : memref<1x128x32xf32, #tpu.memory_space<vmem>> -> memref<128x32xf32, #tpu.memory_space<vmem>>
      %dma_wait3A_192 = arith.constant 0 : i32
      %dma_wait3A_193 = tpu.memref_slice %arg5[%add3A_41, %dma_wait3A_192] : memref<100x128xi32, #tpu.memory_space<vmem>> -> memref<1x128xi32, #tpu.memory_space<vmem>>
      %dma_wait3A_194 = tpu.memref_squeeze %dma_wait3A_193 : memref<1x128xi32, #tpu.memory_space<vmem>> -> memref<128xi32, #tpu.memory_space<vmem>>
      %dma_wait3A_195 = arith.constant 0 : i32
      %dma_wait3A_196 = arith.constant 0 : i32
      %dma_wait3A_197 = tpu.memref_slice %arg3[%dma_wait3A_195, %dma_wait3A_196] : memref<1000000x32xf32, #tpu.memory_space<hbm>> -> memref<1000000x32xf32, #tpu.memory_space<hbm>>
      tpu.wait_indirect_dma semaphore(%arg7 : memref<!tpu.dma_semaphore, #tpu.memory_space<semaphore_mem>>) src(%dma_wait3A_197 : memref<1000000x32xf32, #tpu.memory_space<hbm>>) dst(%dma_wait3A_191 : memref<128x32xf32, #tpu.memory_space<vmem>>)
      %dma_wait3A_198 = arith.constant 0 : i32
      %dma_wait3A_199 = arith.constant 128 : i32
      %dma_wait3A_200 = arith.constant 0 : i32
      %dma_wait3A_201 = tpu.memref_slice %arg6[%dma_wait3A_198, %dma_wait3A_199, %dma_wait3A_200] : memref<2x1280x32xf32, #tpu.memory_space<vmem>> -> memref<1x128x32xf32, #tpu.memory_space<vmem>>
      %dma_wait3A_202 = tpu.memref_squeeze %dma_wait3A_201 : memref<1x128x32xf32, #tpu.memory_space<vmem>> -> memref<128x32xf32, #tpu.memory_space<vmem>>
      %dma_wait3A_203 = arith.constant 0 : i32
      %dma_wait3A_204 = tpu.memref_slice %arg5[%add3A_55, %dma_wait3A_203] : memref<100x128xi32, #tpu.memory_space<vmem>> -> memref<1x128xi32, #tpu.memory_space<vmem>>
      %dma_wait3A_205 = tpu.memref_squeeze %dma_wait3A_204 : memref<1x128xi32, #tpu.memory_space<vmem>> -> memref<128xi32, #tpu.memory_space<vmem>>
      %dma_wait3A_206 = arith.constant 0 : i32
      %dma_wait3A_207 = arith.constant 0 : i32
      %dma_wait3A_208 = tpu.memref_slice %arg3[%dma_wait3A_206, %dma_wait3A_207] : memref<1000000x32xf32, #tpu.memory_space<hbm>> -> memref<1000000x32xf32, #tpu.memory_space<hbm>>
      tpu.wait_indirect_dma semaphore(%arg7 : memref<!tpu.dma_semaphore, #tpu.memory_space<semaphore_mem>>) src(%dma_wait3A_208 : memref<1000000x32xf32, #tpu.memory_space<hbm>>) dst(%dma_wait3A_202 : memref<128x32xf32, #tpu.memory_space<vmem>>)
      %dma_wait3A_209 = arith.constant 0 : i32
      %dma_wait3A_210 = arith.constant 256 : i32
      %dma_wait3A_211 = arith.constant 0 : i32
      %dma_wait3A_212 = tpu.memref_slice %arg6[%dma_wait3A_209, %dma_wait3A_210, %dma_wait3A_211] : memref<2x1280x32xf32, #tpu.memory_space<vmem>> -> memref<1x128x32xf32, #tpu.memory_space<vmem>>
      %dma_wait3A_213 = tpu.memref_squeeze %dma_wait3A_212 : memref<1x128x32xf32, #tpu.memory_space<vmem>> -> memref<128x32xf32, #tpu.memory_space<vmem>>
      %dma_wait3A_214 = arith.constant 0 : i32
      %dma_wait3A_215 = tpu.memref_slice %arg5[%add3A_70, %dma_wait3A_214] : memref<100x128xi32, #tpu.memory_space<vmem>> -> memref<1x128xi32, #tpu.memory_space<vmem>>
      %dma_wait3A_216 = tpu.memref_squeeze %dma_wait3A_215 : memref<1x128xi32, #tpu.memory_space<vmem>> -> memref<128xi32, #tpu.memory_space<vmem>>
      %dma_wait3A_217 = arith.constant 0 : i32
      %dma_wait3A_218 = arith.constant 0 : i32
      %dma_wait3A_219 = tpu.memref_slice %arg3[%dma_wait3A_217, %dma_wait3A_218] : memref<1000000x32xf32, #tpu.memory_space<hbm>> -> memref<1000000x32xf32, #tpu.memory_space<hbm>>
      tpu.wait_indirect_dma semaphore(%arg7 : memref<!tpu.dma_semaphore, #tpu.memory_space<semaphore_mem>>) src(%dma_wait3A_219 : memref<1000000x32xf32, #tpu.memory_space<hbm>>) dst(%dma_wait3A_213 : memref<128x32xf32, #tpu.memory_space<vmem>>)
      %dma_wait3A_220 = arith.constant 0 : i32
      %dma_wait3A_221 = arith.constant 384 : i32
      %dma_wait3A_222 = arith.constant 0 : i32
      %dma_wait3A_223 = tpu.memref_slice %arg6[%dma_wait3A_220, %dma_wait3A_221, %dma_wait3A_222] : memref<2x1280x32xf32, #tpu.memory_space<vmem>> -> memref<1x128x32xf32, #tpu.memory_space<vmem>>
      %dma_wait3A_224 = tpu.memref_squeeze %dma_wait3A_223 : memref<1x128x32xf32, #tpu.memory_space<vmem>> -> memref<128x32xf32, #tpu.memory_space<vmem>>
      %dma_wait3A_225 = arith.constant 0 : i32
      %dma_wait3A_226 = tpu.memref_slice %arg5[%add3A_85, %dma_wait3A_225] : memref<100x128xi32, #tpu.memory_space<vmem>> -> memref<1x128xi32, #tpu.memory_space<vmem>>
      %dma_wait3A_227 = tpu.memref_squeeze %dma_wait3A_226 : memref<1x128xi32, #tpu.memory_space<vmem>> -> memref<128xi32, #tpu.memory_space<vmem>>
      %dma_wait3A_228 = arith.constant 0 : i32
      %dma_wait3A_229 = arith.constant 0 : i32
      %dma_wait3A_230 = tpu.memref_slice %arg3[%dma_wait3A_228, %dma_wait3A_229] : memref<1000000x32xf32, #tpu.memory_space<hbm>> -> memref<1000000x32xf32, #tpu.memory_space<hbm>>
      tpu.wait_indirect_dma semaphore(%arg7 : memref<!tpu.dma_semaphore, #tpu.memory_space<semaphore_mem>>) src(%dma_wait3A_230 : memref<1000000x32xf32, #tpu.memory_space<hbm>>) dst(%dma_wait3A_224 : memref<128x32xf32, #tpu.memory_space<vmem>>)
      %dma_wait3A_231 = arith.constant 0 : i32
      %dma_wait3A_232 = arith.constant 512 : i32
      %dma_wait3A_233 = arith.constant 0 : i32
      %dma_wait3A_234 = tpu.memref_slice %arg6[%dma_wait3A_231, %dma_wait3A_232, %dma_wait3A_233] : memref<2x1280x32xf32, #tpu.memory_space<vmem>> -> memref<1x128x32xf32, #tpu.memory_space<vmem>>
      %dma_wait3A_235 = tpu.memref_squeeze %dma_wait3A_234 : memref<1x128x32xf32, #tpu.memory_space<vmem>> -> memref<128x32xf32, #tpu.memory_space<vmem>>
      %dma_wait3A_236 = arith.constant 0 : i32
      %dma_wait3A_237 = tpu.memref_slice %arg5[%add3A_100, %dma_wait3A_236] : memref<100x128xi32, #tpu.memory_space<vmem>> -> memref<1x128xi32, #tpu.memory_space<vmem>>
      %dma_wait3A_238 = tpu.memref_squeeze %dma_wait3A_237 : memref<1x128xi32, #tpu.memory_space<vmem>> -> memref<128xi32, #tpu.memory_space<vmem>>
      %dma_wait3A_239 = arith.constant 0 : i32
      %dma_wait3A_240 = arith.constant 0 : i32
      %dma_wait3A_241 = tpu.memref_slice %arg3[%dma_wait3A_239, %dma_wait3A_240] : memref<1000000x32xf32, #tpu.memory_space<hbm>> -> memref<1000000x32xf32, #tpu.memory_space<hbm>>
      tpu.wait_indirect_dma semaphore(%arg7 : memref<!tpu.dma_semaphore, #tpu.memory_space<semaphore_mem>>) src(%dma_wait3A_241 : memref<1000000x32xf32, #tpu.memory_space<hbm>>) dst(%dma_wait3A_235 : memref<128x32xf32, #tpu.memory_space<vmem>>)
      %dma_wait3A_242 = arith.constant 0 : i32
      %dma_wait3A_243 = arith.constant 640 : i32
      %dma_wait3A_244 = arith.constant 0 : i32
      %dma_wait3A_245 = tpu.memref_slice %arg6[%dma_wait3A_242, %dma_wait3A_243, %dma_wait3A_244] : memref<2x1280x32xf32, #tpu.memory_space<vmem>> -> memref<1x128x32xf32, #tpu.memory_space<vmem>>
      %dma_wait3A_246 = tpu.memref_squeeze %dma_wait3A_245 : memref<1x128x32xf32, #tpu.memory_space<vmem>> -> memref<128x32xf32, #tpu.memory_space<vmem>>
      %dma_wait3A_247 = arith.constant 0 : i32
      %dma_wait3A_248 = tpu.memref_slice %arg5[%add3A_115, %dma_wait3A_247] : memref<100x128xi32, #tpu.memory_space<vmem>> -> memref<1x128xi32, #tpu.memory_space<vmem>>
      %dma_wait3A_249 = tpu.memref_squeeze %dma_wait3A_248 : memref<1x128xi32, #tpu.memory_space<vmem>> -> memref<128xi32, #tpu.memory_space<vmem>>
      %dma_wait3A_250 = arith.constant 0 : i32
      %dma_wait3A_251 = arith.constant 0 : i32
      %dma_wait3A_252 = tpu.memref_slice %arg3[%dma_wait3A_250, %dma_wait3A_251] : memref<1000000x32xf32, #tpu.memory_space<hbm>> -> memref<1000000x32xf32, #tpu.memory_space<hbm>>
      tpu.wait_indirect_dma semaphore(%arg7 : memref<!tpu.dma_semaphore, #tpu.memory_space<semaphore_mem>>) src(%dma_wait3A_252 : memref<1000000x32xf32, #tpu.memory_space<hbm>>) dst(%dma_wait3A_246 : memref<128x32xf32, #tpu.memory_space<vmem>>)
      %dma_wait3A_253 = arith.constant 0 : i32
      %dma_wait3A_254 = arith.constant 768 : i32
      %dma_wait3A_255 = arith.constant 0 : i32
      %dma_wait3A_256 = tpu.memref_slice %arg6[%dma_wait3A_253, %dma_wait3A_254, %dma_wait3A_255] : memref<2x1280x32xf32, #tpu.memory_space<vmem>> -> memref<1x128x32xf32, #tpu.memory_space<vmem>>
      %dma_wait3A_257 = tpu.memref_squeeze %dma_wait3A_256 : memref<1x128x32xf32, #tpu.memory_space<vmem>> -> memref<128x32xf32, #tpu.memory_space<vmem>>
      %dma_wait3A_258 = arith.constant 0 : i32
      %dma_wait3A_259 = tpu.memref_slice %arg5[%add3A_130, %dma_wait3A_258] : memref<100x128xi32, #tpu.memory_space<vmem>> -> memref<1x128xi32, #tpu.memory_space<vmem>>
      %dma_wait3A_260 = tpu.memref_squeeze %dma_wait3A_259 : memref<1x128xi32, #tpu.memory_space<vmem>> -> memref<128xi32, #tpu.memory_space<vmem>>
      %dma_wait3A_261 = arith.constant 0 : i32
      %dma_wait3A_262 = arith.constant 0 : i32
      %dma_wait3A_263 = tpu.memref_slice %arg3[%dma_wait3A_261, %dma_wait3A_262] : memref<1000000x32xf32, #tpu.memory_space<hbm>> -> memref<1000000x32xf32, #tpu.memory_space<hbm>>
      tpu.wait_indirect_dma semaphore(%arg7 : memref<!tpu.dma_semaphore, #tpu.memory_space<semaphore_mem>>) src(%dma_wait3A_263 : memref<1000000x32xf32, #tpu.memory_space<hbm>>) dst(%dma_wait3A_257 : memref<128x32xf32, #tpu.memory_space<vmem>>)
      %dma_wait3A_264 = arith.constant 0 : i32
      %dma_wait3A_265 = arith.constant 896 : i32
      %dma_wait3A_266 = arith.constant 0 : i32
      %dma_wait3A_267 = tpu.memref_slice %arg6[%dma_wait3A_264, %dma_wait3A_265, %dma_wait3A_266] : memref<2x1280x32xf32, #tpu.memory_space<vmem>> -> memref<1x128x32xf32, #tpu.memory_space<vmem>>
      %dma_wait3A_268 = tpu.memref_squeeze %dma_wait3A_267 : memref<1x128x32xf32, #tpu.memory_space<vmem>> -> memref<128x32xf32, #tpu.memory_space<vmem>>
      %dma_wait3A_269 = arith.constant 0 : i32
      %dma_wait3A_270 = tpu.memref_slice %arg5[%add3A_145, %dma_wait3A_269] : memref<100x128xi32, #tpu.memory_space<vmem>> -> memref<1x128xi32, #tpu.memory_space<vmem>>
      %dma_wait3A_271 = tpu.memref_squeeze %dma_wait3A_270 : memref<1x128xi32, #tpu.memory_space<vmem>> -> memref<128xi32, #tpu.memory_space<vmem>>
      %dma_wait3A_272 = arith.constant 0 : i32
      %dma_wait3A_273 = arith.constant 0 : i32
      %dma_wait3A_274 = tpu.memref_slice %arg3[%dma_wait3A_272, %dma_wait3A_273] : memref<1000000x32xf32, #tpu.memory_space<hbm>> -> memref<1000000x32xf32, #tpu.memory_space<hbm>>
      tpu.wait_indirect_dma semaphore(%arg7 : memref<!tpu.dma_semaphore, #tpu.memory_space<semaphore_mem>>) src(%dma_wait3A_274 : memref<1000000x32xf32, #tpu.memory_space<hbm>>) dst(%dma_wait3A_268 : memref<128x32xf32, #tpu.memory_space<vmem>>)
      %dma_wait3A_275 = arith.constant 0 : i32
      %dma_wait3A_276 = arith.constant 1024 : i32
      %dma_wait3A_277 = arith.constant 0 : i32
      %dma_wait3A_278 = tpu.memref_slice %arg6[%dma_wait3A_275, %dma_wait3A_276, %dma_wait3A_277] : memref<2x1280x32xf32, #tpu.memory_space<vmem>> -> memref<1x128x32xf32, #tpu.memory_space<vmem>>
      %dma_wait3A_279 = tpu.memref_squeeze %dma_wait3A_278 : memref<1x128x32xf32, #tpu.memory_space<vmem>> -> memref<128x32xf32, #tpu.memory_space<vmem>>
      %dma_wait3A_280 = arith.constant 0 : i32
      %dma_wait3A_281 = tpu.memref_slice %arg5[%add3A_160, %dma_wait3A_280] : memref<100x128xi32, #tpu.memory_space<vmem>> -> memref<1x128xi32, #tpu.memory_space<vmem>>
      %dma_wait3A_282 = tpu.memref_squeeze %dma_wait3A_281 : memref<1x128xi32, #tpu.memory_space<vmem>> -> memref<128xi32, #tpu.memory_space<vmem>>
      %dma_wait3A_283 = arith.constant 0 : i32
      %dma_wait3A_284 = arith.constant 0 : i32
      %dma_wait3A_285 = tpu.memref_slice %arg3[%dma_wait3A_283, %dma_wait3A_284] : memref<1000000x32xf32, #tpu.memory_space<hbm>> -> memref<1000000x32xf32, #tpu.memory_space<hbm>>
      tpu.wait_indirect_dma semaphore(%arg7 : memref<!tpu.dma_semaphore, #tpu.memory_space<semaphore_mem>>) src(%dma_wait3A_285 : memref<1000000x32xf32, #tpu.memory_space<hbm>>) dst(%dma_wait3A_279 : memref<128x32xf32, #tpu.memory_space<vmem>>)
      %dma_wait3A_286 = arith.constant 0 : i32
      %dma_wait3A_287 = arith.constant 1152 : i32
      %dma_wait3A_288 = arith.constant 0 : i32
      %dma_wait3A_289 = tpu.memref_slice %arg6[%dma_wait3A_286, %dma_wait3A_287, %dma_wait3A_288] : memref<2x1280x32xf32, #tpu.memory_space<vmem>> -> memref<1x128x32xf32, #tpu.memory_space<vmem>>
      %dma_wait3A_290 = tpu.memref_squeeze %dma_wait3A_289 : memref<1x128x32xf32, #tpu.memory_space<vmem>> -> memref<128x32xf32, #tpu.memory_space<vmem>>
      %dma_wait3A_291 = arith.constant 0 : i32
      %dma_wait3A_292 = tpu.memref_slice %arg5[%add3A_175, %dma_wait3A_291] : memref<100x128xi32, #tpu.memory_space<vmem>> -> memref<1x128xi32, #tpu.memory_space<vmem>>
      %dma_wait3A_293 = tpu.memref_squeeze %dma_wait3A_292 : memref<1x128xi32, #tpu.memory_space<vmem>> -> memref<128xi32, #tpu.memory_space<vmem>>
      %dma_wait3A_294 = arith.constant 0 : i32
      %dma_wait3A_295 = arith.constant 0 : i32
      %dma_wait3A_296 = tpu.memref_slice %arg3[%dma_wait3A_294, %dma_wait3A_295] : memref<1000000x32xf32, #tpu.memory_space<hbm>> -> memref<1000000x32xf32, #tpu.memory_space<hbm>>
      tpu.wait_indirect_dma semaphore(%arg7 : memref<!tpu.dma_semaphore, #tpu.memory_space<semaphore_mem>>) src(%dma_wait3A_296 : memref<1000000x32xf32, #tpu.memory_space<hbm>>) dst(%dma_wait3A_290 : memref<128x32xf32, #tpu.memory_space<vmem>>)
      %mul3A_297 = arith.constant 1280 : i32
      %mul3A_298 = arith.muli %mul3A_35, %mul3A_297 : i32
      %add3A_299 = arith.addi %mul3A_2, %mul3A_298 : i32
      %dma_start3A_300 = arith.constant 0 : i32
      %dma_start3A_301 = arith.constant 0 : i32
      %dma_start3A_302 = arith.constant 0 : i32
      %dma_start3A_303 = tpu.memref_slice %arg6[%dma_start3A_300, %dma_start3A_301, %dma_start3A_302] : memref<2x1280x32xf32, #tpu.memory_space<vmem>> -> memref<1x1280x32xf32, #tpu.memory_space<vmem>>
      %dma_start3A_304 = tpu.memref_squeeze %dma_start3A_303 : memref<1x1280x32xf32, #tpu.memory_space<vmem>> -> memref<1280x32xf32, #tpu.memory_space<vmem>>
      %dma_start3A_305 = arith.constant 0 : i32
      %dma_start3A_306 = tpu.memref_slice %arg4[%add3A_299, %dma_start3A_305] : memref<409600x32xf32, #tpu.memory_space<hbm>> -> memref<1280x32xf32, #tpu.memory_space<hbm>>
      %dma_start3A_307 = arith.constant 0 : i32
      %dma_start3A_308 = tpu.memref_slice %arg4[%add3A_299, %dma_start3A_307] : memref<409600x32xf32, #tpu.memory_space<hbm>> -> memref<1280x32xf32, #tpu.memory_space<hbm>>
      %dma_start3A_309 = arith.constant 0 : i32
      %dma_start3A_310 = arith.constant 0 : i32
      %dma_start3A_311 = tpu.memref_slice %arg6[%dma_start3A_300, %dma_start3A_309, %dma_start3A_310] : memref<2x1280x32xf32, #tpu.memory_space<vmem>> -> memref<1x1280x32xf32, #tpu.memory_space<vmem>>
      %dma_start3A_312 = tpu.memref_squeeze %dma_start3A_311 : memref<1x1280x32xf32, #tpu.memory_space<vmem>> -> memref<1280x32xf32, #tpu.memory_space<vmem>>
      tpu.enqueue_dma source(%dma_start3A_312 : memref<1280x32xf32, #tpu.memory_space<vmem>>) target(%dma_start3A_308 : memref<1280x32xf32, #tpu.memory_space<hbm>>) target_semaphore(%arg8 : memref<!tpu.dma_semaphore, #tpu.memory_space<semaphore_mem>>)
      %mul3A_313 = arith.constant 2 : i32
      %mul3A_314 = arith.muli %scan3A_33, %mul3A_313 : i32
      %add3A_315 = arith.constant 1 : i32
      %add3A_316 = arith.addi %mul3A_314, %add3A_315 : i32
      %ge3A_317 = arith.constant 2 : i32
      %ge3A_318 = arith.cmpi sge, %add3A_316, %ge3A_317 : i32
      %convert_element_type3A_319 = arith.extui %ge3A_318 : i1 to i32
      %cond3A_320 = arith.constant 0 : i32
      %cond3A_321 = arith.cmpi ne, %convert_element_type3A_319, %cond3A_320 : i32
      scf.if %cond3A_321 {
        %dma_wait3A_598 = arith.constant 1 : i32
        %dma_wait3A_599 = arith.constant 0 : i32
        %dma_wait3A_600 = arith.constant 0 : i32
        %dma_wait3A_601 = tpu.memref_slice %arg6[%dma_wait3A_598, %dma_wait3A_599, %dma_wait3A_600] : memref<2x1280x32xf32, #tpu.memory_space<vmem>> -> memref<1x1280x32xf32, #tpu.memory_space<vmem>>
        %dma_wait3A_602 = tpu.memref_squeeze %dma_wait3A_601 : memref<1x1280x32xf32, #tpu.memory_space<vmem>> -> memref<1280x32xf32, #tpu.memory_space<vmem>>
        %dma_wait3A_603 = arith.constant 0 : i32
        %dma_wait3A_604 = tpu.memref_slice %arg4[%mul3A_2, %dma_wait3A_603] : memref<409600x32xf32, #tpu.memory_space<hbm>> -> memref<1280x32xf32, #tpu.memory_space<hbm>>
        %dma_wait3A_605 = arith.constant 0 : i32
        %dma_wait3A_606 = tpu.memref_slice %arg4[%mul3A_2, %dma_wait3A_605] : memref<409600x32xf32, #tpu.memory_space<hbm>> -> memref<1280x32xf32, #tpu.memory_space<hbm>>
        %dma_wait3A_607 = arith.constant 0 : i32
        %dma_wait3A_608 = arith.constant 0 : i32
        %dma_wait3A_609 = tpu.memref_slice %arg6[%dma_wait3A_598, %dma_wait3A_607, %dma_wait3A_608] : memref<2x1280x32xf32, #tpu.memory_space<vmem>> -> memref<1x1280x32xf32, #tpu.memory_space<vmem>>
        %dma_wait3A_610 = tpu.memref_squeeze %dma_wait3A_609 : memref<1x1280x32xf32, #tpu.memory_space<vmem>> -> memref<1280x32xf32, #tpu.memory_space<vmem>>
        tpu.wait_dma2 semaphore(%arg8 : memref<!tpu.dma_semaphore, #tpu.memory_space<semaphore_mem>>) src(%dma_wait3A_610 : memref<1280x32xf32, #tpu.memory_space<vmem>>) dst(%dma_wait3A_606 : memref<1280x32xf32, #tpu.memory_space<hbm>>)
      } else {
      }
      %mul3A_322 = arith.constant 10 : i32
      %mul3A_323 = arith.muli %add3A_316, %mul3A_322 : i32
      %add3A_324 = arith.constant 0 : i32
      %add3A_325 = arith.addi %mul3A_323, %add3A_324 : i32
      %dma_start3A_326 = arith.constant 1 : i32
      %dma_start3A_327 = arith.constant 0 : i32
      %dma_start3A_328 = arith.constant 0 : i32
      %dma_start3A_329 = tpu.memref_slice %arg6[%dma_start3A_326, %dma_start3A_327, %dma_start3A_328] : memref<2x1280x32xf32, #tpu.memory_space<vmem>> -> memref<1x128x32xf32, #tpu.memory_space<vmem>>
      %dma_start3A_330 = tpu.memref_squeeze %dma_start3A_329 : memref<1x128x32xf32, #tpu.memory_space<vmem>> -> memref<128x32xf32, #tpu.memory_space<vmem>>
      %dma_start3A_331 = arith.constant 0 : i32
      %dma_start3A_332 = tpu.memref_slice %arg5[%add3A_325, %dma_start3A_331] : memref<100x128xi32, #tpu.memory_space<vmem>> -> memref<1x128xi32, #tpu.memory_space<vmem>>
      %dma_start3A_333 = tpu.memref_squeeze %dma_start3A_332 : memref<1x128xi32, #tpu.memory_space<vmem>> -> memref<128xi32, #tpu.memory_space<vmem>>
      %dma_start3A_334 = arith.constant 0 : i32
      %dma_start3A_335 = arith.constant 0 : i32
      %dma_start3A_336 = tpu.memref_slice %arg3[%dma_start3A_334, %dma_start3A_335] : memref<1000000x32xf32, #tpu.memory_space<hbm>> -> memref<1000000x32xf32, #tpu.memory_space<hbm>>
      tpu.enqueue_indirect_dma source(%dma_start3A_336 : memref<1000000x32xf32, #tpu.memory_space<hbm>>) target(%dma_start3A_330 : memref<128x32xf32, #tpu.memory_space<vmem>>) offsets(%dma_start3A_333 : memref<128xi32, #tpu.memory_space<vmem>>) semaphore(%arg7 : memref<!tpu.dma_semaphore, #tpu.memory_space<semaphore_mem>>)
      %mul3A_337 = arith.constant 10 : i32
      %mul3A_338 = arith.muli %add3A_316, %mul3A_337 : i32
      %add3A_339 = arith.constant 1 : i32
      %add3A_340 = arith.addi %mul3A_338, %add3A_339 : i32
      %dma_start3A_341 = arith.constant 1 : i32
      %dma_start3A_342 = arith.constant 128 : i32
      %dma_start3A_343 = arith.constant 0 : i32
      %dma_start3A_344 = tpu.memref_slice %arg6[%dma_start3A_341, %dma_start3A_342, %dma_start3A_343] : memref<2x1280x32xf32, #tpu.memory_space<vmem>> -> memref<1x128x32xf32, #tpu.memory_space<vmem>>
      %dma_start3A_345 = tpu.memref_squeeze %dma_start3A_344 : memref<1x128x32xf32, #tpu.memory_space<vmem>> -> memref<128x32xf32, #tpu.memory_space<vmem>>
      %dma_start3A_346 = arith.constant 0 : i32
      %dma_start3A_347 = tpu.memref_slice %arg5[%add3A_340, %dma_start3A_346] : memref<100x128xi32, #tpu.memory_space<vmem>> -> memref<1x128xi32, #tpu.memory_space<vmem>>
      %dma_start3A_348 = tpu.memref_squeeze %dma_start3A_347 : memref<1x128xi32, #tpu.memory_space<vmem>> -> memref<128xi32, #tpu.memory_space<vmem>>
      %dma_start3A_349 = arith.constant 0 : i32
      %dma_start3A_350 = arith.constant 0 : i32
      %dma_start3A_351 = tpu.memref_slice %arg3[%dma_start3A_349, %dma_start3A_350] : memref<1000000x32xf32, #tpu.memory_space<hbm>> -> memref<1000000x32xf32, #tpu.memory_space<hbm>>
      tpu.enqueue_indirect_dma source(%dma_start3A_351 : memref<1000000x32xf32, #tpu.memory_space<hbm>>) target(%dma_start3A_345 : memref<128x32xf32, #tpu.memory_space<vmem>>) offsets(%dma_start3A_348 : memref<128xi32, #tpu.memory_space<vmem>>) semaphore(%arg7 : memref<!tpu.dma_semaphore, #tpu.memory_space<semaphore_mem>>)
      %mul3A_352 = arith.constant 10 : i32
      %mul3A_353 = arith.muli %add3A_316, %mul3A_352 : i32
      %add3A_354 = arith.constant 2 : i32
      %add3A_355 = arith.addi %mul3A_353, %add3A_354 : i32
      %dma_start3A_356 = arith.constant 1 : i32
      %dma_start3A_357 = arith.constant 256 : i32
      %dma_start3A_358 = arith.constant 0 : i32
      %dma_start3A_359 = tpu.memref_slice %arg6[%dma_start3A_356, %dma_start3A_357, %dma_start3A_358] : memref<2x1280x32xf32, #tpu.memory_space<vmem>> -> memref<1x128x32xf32, #tpu.memory_space<vmem>>
      %dma_start3A_360 = tpu.memref_squeeze %dma_start3A_359 : memref<1x128x32xf32, #tpu.memory_space<vmem>> -> memref<128x32xf32, #tpu.memory_space<vmem>>
      %dma_start3A_361 = arith.constant 0 : i32
      %dma_start3A_362 = tpu.memref_slice %arg5[%add3A_355, %dma_start3A_361] : memref<100x128xi32, #tpu.memory_space<vmem>> -> memref<1x128xi32, #tpu.memory_space<vmem>>
      %dma_start3A_363 = tpu.memref_squeeze %dma_start3A_362 : memref<1x128xi32, #tpu.memory_space<vmem>> -> memref<128xi32, #tpu.memory_space<vmem>>
      %dma_start3A_364 = arith.constant 0 : i32
      %dma_start3A_365 = arith.constant 0 : i32
      %dma_start3A_366 = tpu.memref_slice %arg3[%dma_start3A_364, %dma_start3A_365] : memref<1000000x32xf32, #tpu.memory_space<hbm>> -> memref<1000000x32xf32, #tpu.memory_space<hbm>>
      tpu.enqueue_indirect_dma source(%dma_start3A_366 : memref<1000000x32xf32, #tpu.memory_space<hbm>>) target(%dma_start3A_360 : memref<128x32xf32, #tpu.memory_space<vmem>>) offsets(%dma_start3A_363 : memref<128xi32, #tpu.memory_space<vmem>>) semaphore(%arg7 : memref<!tpu.dma_semaphore, #tpu.memory_space<semaphore_mem>>)
      %mul3A_367 = arith.constant 10 : i32
      %mul3A_368 = arith.muli %add3A_316, %mul3A_367 : i32
      %add3A_369 = arith.constant 3 : i32
      %add3A_370 = arith.addi %mul3A_368, %add3A_369 : i32
      %dma_start3A_371 = arith.constant 1 : i32
      %dma_start3A_372 = arith.constant 384 : i32
      %dma_start3A_373 = arith.constant 0 : i32
      %dma_start3A_374 = tpu.memref_slice %arg6[%dma_start3A_371, %dma_start3A_372, %dma_start3A_373] : memref<2x1280x32xf32, #tpu.memory_space<vmem>> -> memref<1x128x32xf32, #tpu.memory_space<vmem>>
      %dma_start3A_375 = tpu.memref_squeeze %dma_start3A_374 : memref<1x128x32xf32, #tpu.memory_space<vmem>> -> memref<128x32xf32, #tpu.memory_space<vmem>>
      %dma_start3A_376 = arith.constant 0 : i32
      %dma_start3A_377 = tpu.memref_slice %arg5[%add3A_370, %dma_start3A_376] : memref<100x128xi32, #tpu.memory_space<vmem>> -> memref<1x128xi32, #tpu.memory_space<vmem>>
      %dma_start3A_378 = tpu.memref_squeeze %dma_start3A_377 : memref<1x128xi32, #tpu.memory_space<vmem>> -> memref<128xi32, #tpu.memory_space<vmem>>
      %dma_start3A_379 = arith.constant 0 : i32
      %dma_start3A_380 = arith.constant 0 : i32
      %dma_start3A_381 = tpu.memref_slice %arg3[%dma_start3A_379, %dma_start3A_380] : memref<1000000x32xf32, #tpu.memory_space<hbm>> -> memref<1000000x32xf32, #tpu.memory_space<hbm>>
      tpu.enqueue_indirect_dma source(%dma_start3A_381 : memref<1000000x32xf32, #tpu.memory_space<hbm>>) target(%dma_start3A_375 : memref<128x32xf32, #tpu.memory_space<vmem>>) offsets(%dma_start3A_378 : memref<128xi32, #tpu.memory_space<vmem>>) semaphore(%arg7 : memref<!tpu.dma_semaphore, #tpu.memory_space<semaphore_mem>>)
      %mul3A_382 = arith.constant 10 : i32
      %mul3A_383 = arith.muli %add3A_316, %mul3A_382 : i32
      %add3A_384 = arith.constant 4 : i32
      %add3A_385 = arith.addi %mul3A_383, %add3A_384 : i32
      %dma_start3A_386 = arith.constant 1 : i32
      %dma_start3A_387 = arith.constant 512 : i32
      %dma_start3A_388 = arith.constant 0 : i32
      %dma_start3A_389 = tpu.memref_slice %arg6[%dma_start3A_386, %dma_start3A_387, %dma_start3A_388] : memref<2x1280x32xf32, #tpu.memory_space<vmem>> -> memref<1x128x32xf32, #tpu.memory_space<vmem>>
      %dma_start3A_390 = tpu.memref_squeeze %dma_start3A_389 : memref<1x128x32xf32, #tpu.memory_space<vmem>> -> memref<128x32xf32, #tpu.memory_space<vmem>>
      %dma_start3A_391 = arith.constant 0 : i32
      %dma_start3A_392 = tpu.memref_slice %arg5[%add3A_385, %dma_start3A_391] : memref<100x128xi32, #tpu.memory_space<vmem>> -> memref<1x128xi32, #tpu.memory_space<vmem>>
      %dma_start3A_393 = tpu.memref_squeeze %dma_start3A_392 : memref<1x128xi32, #tpu.memory_space<vmem>> -> memref<128xi32, #tpu.memory_space<vmem>>
      %dma_start3A_394 = arith.constant 0 : i32
      %dma_start3A_395 = arith.constant 0 : i32
      %dma_start3A_396 = tpu.memref_slice %arg3[%dma_start3A_394, %dma_start3A_395] : memref<1000000x32xf32, #tpu.memory_space<hbm>> -> memref<1000000x32xf32, #tpu.memory_space<hbm>>
      tpu.enqueue_indirect_dma source(%dma_start3A_396 : memref<1000000x32xf32, #tpu.memory_space<hbm>>) target(%dma_start3A_390 : memref<128x32xf32, #tpu.memory_space<vmem>>) offsets(%dma_start3A_393 : memref<128xi32, #tpu.memory_space<vmem>>) semaphore(%arg7 : memref<!tpu.dma_semaphore, #tpu.memory_space<semaphore_mem>>)
      %mul3A_397 = arith.constant 10 : i32
      %mul3A_398 = arith.muli %add3A_316, %mul3A_397 : i32
      %add3A_399 = arith.constant 5 : i32
      %add3A_400 = arith.addi %mul3A_398, %add3A_399 : i32
      %dma_start3A_401 = arith.constant 1 : i32
      %dma_start3A_402 = arith.constant 640 : i32
      %dma_start3A_403 = arith.constant 0 : i32
      %dma_start3A_404 = tpu.memref_slice %arg6[%dma_start3A_401, %dma_start3A_402, %dma_start3A_403] : memref<2x1280x32xf32, #tpu.memory_space<vmem>> -> memref<1x128x32xf32, #tpu.memory_space<vmem>>
      %dma_start3A_405 = tpu.memref_squeeze %dma_start3A_404 : memref<1x128x32xf32, #tpu.memory_space<vmem>> -> memref<128x32xf32, #tpu.memory_space<vmem>>
      %dma_start3A_406 = arith.constant 0 : i32
      %dma_start3A_407 = tpu.memref_slice %arg5[%add3A_400, %dma_start3A_406] : memref<100x128xi32, #tpu.memory_space<vmem>> -> memref<1x128xi32, #tpu.memory_space<vmem>>
      %dma_start3A_408 = tpu.memref_squeeze %dma_start3A_407 : memref<1x128xi32, #tpu.memory_space<vmem>> -> memref<128xi32, #tpu.memory_space<vmem>>
      %dma_start3A_409 = arith.constant 0 : i32
      %dma_start3A_410 = arith.constant 0 : i32
      %dma_start3A_411 = tpu.memref_slice %arg3[%dma_start3A_409, %dma_start3A_410] : memref<1000000x32xf32, #tpu.memory_space<hbm>> -> memref<1000000x32xf32, #tpu.memory_space<hbm>>
      tpu.enqueue_indirect_dma source(%dma_start3A_411 : memref<1000000x32xf32, #tpu.memory_space<hbm>>) target(%dma_start3A_405 : memref<128x32xf32, #tpu.memory_space<vmem>>) offsets(%dma_start3A_408 : memref<128xi32, #tpu.memory_space<vmem>>) semaphore(%arg7 : memref<!tpu.dma_semaphore, #tpu.memory_space<semaphore_mem>>)
      %mul3A_412 = arith.constant 10 : i32
      %mul3A_413 = arith.muli %add3A_316, %mul3A_412 : i32
      %add3A_414 = arith.constant 6 : i32
      %add3A_415 = arith.addi %mul3A_413, %add3A_414 : i32
      %dma_start3A_416 = arith.constant 1 : i32
      %dma_start3A_417 = arith.constant 768 : i32
      %dma_start3A_418 = arith.constant 0 : i32
      %dma_start3A_419 = tpu.memref_slice %arg6[%dma_start3A_416, %dma_start3A_417, %dma_start3A_418] : memref<2x1280x32xf32, #tpu.memory_space<vmem>> -> memref<1x128x32xf32, #tpu.memory_space<vmem>>
      %dma_start3A_420 = tpu.memref_squeeze %dma_start3A_419 : memref<1x128x32xf32, #tpu.memory_space<vmem>> -> memref<128x32xf32, #tpu.memory_space<vmem>>
      %dma_start3A_421 = arith.constant 0 : i32
      %dma_start3A_422 = tpu.memref_slice %arg5[%add3A_415, %dma_start3A_421] : memref<100x128xi32, #tpu.memory_space<vmem>> -> memref<1x128xi32, #tpu.memory_space<vmem>>
      %dma_start3A_423 = tpu.memref_squeeze %dma_start3A_422 : memref<1x128xi32, #tpu.memory_space<vmem>> -> memref<128xi32, #tpu.memory_space<vmem>>
      %dma_start3A_424 = arith.constant 0 : i32
      %dma_start3A_425 = arith.constant 0 : i32
      %dma_start3A_426 = tpu.memref_slice %arg3[%dma_start3A_424, %dma_start3A_425] : memref<1000000x32xf32, #tpu.memory_space<hbm>> -> memref<1000000x32xf32, #tpu.memory_space<hbm>>
      tpu.enqueue_indirect_dma source(%dma_start3A_426 : memref<1000000x32xf32, #tpu.memory_space<hbm>>) target(%dma_start3A_420 : memref<128x32xf32, #tpu.memory_space<vmem>>) offsets(%dma_start3A_423 : memref<128xi32, #tpu.memory_space<vmem>>) semaphore(%arg7 : memref<!tpu.dma_semaphore, #tpu.memory_space<semaphore_mem>>)
      %mul3A_427 = arith.constant 10 : i32
      %mul3A_428 = arith.muli %add3A_316, %mul3A_427 : i32
      %add3A_429 = arith.constant 7 : i32
      %add3A_430 = arith.addi %mul3A_428, %add3A_429 : i32
      %dma_start3A_431 = arith.constant 1 : i32
      %dma_start3A_432 = arith.constant 896 : i32
      %dma_start3A_433 = arith.constant 0 : i32
      %dma_start3A_434 = tpu.memref_slice %arg6[%dma_start3A_431, %dma_start3A_432, %dma_start3A_433] : memref<2x1280x32xf32, #tpu.memory_space<vmem>> -> memref<1x128x32xf32, #tpu.memory_space<vmem>>
      %dma_start3A_435 = tpu.memref_squeeze %dma_start3A_434 : memref<1x128x32xf32, #tpu.memory_space<vmem>> -> memref<128x32xf32, #tpu.memory_space<vmem>>
      %dma_start3A_436 = arith.constant 0 : i32
      %dma_start3A_437 = tpu.memref_slice %arg5[%add3A_430, %dma_start3A_436] : memref<100x128xi32, #tpu.memory_space<vmem>> -> memref<1x128xi32, #tpu.memory_space<vmem>>
      %dma_start3A_438 = tpu.memref_squeeze %dma_start3A_437 : memref<1x128xi32, #tpu.memory_space<vmem>> -> memref<128xi32, #tpu.memory_space<vmem>>
      %dma_start3A_439 = arith.constant 0 : i32
      %dma_start3A_440 = arith.constant 0 : i32
      %dma_start3A_441 = tpu.memref_slice %arg3[%dma_start3A_439, %dma_start3A_440] : memref<1000000x32xf32, #tpu.memory_space<hbm>> -> memref<1000000x32xf32, #tpu.memory_space<hbm>>
      tpu.enqueue_indirect_dma source(%dma_start3A_441 : memref<1000000x32xf32, #tpu.memory_space<hbm>>) target(%dma_start3A_435 : memref<128x32xf32, #tpu.memory_space<vmem>>) offsets(%dma_start3A_438 : memref<128xi32, #tpu.memory_space<vmem>>) semaphore(%arg7 : memref<!tpu.dma_semaphore, #tpu.memory_space<semaphore_mem>>)
      %mul3A_442 = arith.constant 10 : i32
      %mul3A_443 = arith.muli %add3A_316, %mul3A_442 : i32
      %add3A_444 = arith.constant 8 : i32
      %add3A_445 = arith.addi %mul3A_443, %add3A_444 : i32
      %dma_start3A_446 = arith.constant 1 : i32
      %dma_start3A_447 = arith.constant 1024 : i32
      %dma_start3A_448 = arith.constant 0 : i32
      %dma_start3A_449 = tpu.memref_slice %arg6[%dma_start3A_446, %dma_start3A_447, %dma_start3A_448] : memref<2x1280x32xf32, #tpu.memory_space<vmem>> -> memref<1x128x32xf32, #tpu.memory_space<vmem>>
      %dma_start3A_450 = tpu.memref_squeeze %dma_start3A_449 : memref<1x128x32xf32, #tpu.memory_space<vmem>> -> memref<128x32xf32, #tpu.memory_space<vmem>>
      %dma_start3A_451 = arith.constant 0 : i32
      %dma_start3A_452 = tpu.memref_slice %arg5[%add3A_445, %dma_start3A_451] : memref<100x128xi32, #tpu.memory_space<vmem>> -> memref<1x128xi32, #tpu.memory_space<vmem>>
      %dma_start3A_453 = tpu.memref_squeeze %dma_start3A_452 : memref<1x128xi32, #tpu.memory_space<vmem>> -> memref<128xi32, #tpu.memory_space<vmem>>
      %dma_start3A_454 = arith.constant 0 : i32
      %dma_start3A_455 = arith.constant 0 : i32
      %dma_start3A_456 = tpu.memref_slice %arg3[%dma_start3A_454, %dma_start3A_455] : memref<1000000x32xf32, #tpu.memory_space<hbm>> -> memref<1000000x32xf32, #tpu.memory_space<hbm>>
      tpu.enqueue_indirect_dma source(%dma_start3A_456 : memref<1000000x32xf32, #tpu.memory_space<hbm>>) target(%dma_start3A_450 : memref<128x32xf32, #tpu.memory_space<vmem>>) offsets(%dma_start3A_453 : memref<128xi32, #tpu.memory_space<vmem>>) semaphore(%arg7 : memref<!tpu.dma_semaphore, #tpu.memory_space<semaphore_mem>>)
      %mul3A_457 = arith.constant 10 : i32
      %mul3A_458 = arith.muli %add3A_316, %mul3A_457 : i32
      %add3A_459 = arith.constant 9 : i32
      %add3A_460 = arith.addi %mul3A_458, %add3A_459 : i32
      %dma_start3A_461 = arith.constant 1 : i32
      %dma_start3A_462 = arith.constant 1152 : i32
      %dma_start3A_463 = arith.constant 0 : i32
      %dma_start3A_464 = tpu.memref_slice %arg6[%dma_start3A_461, %dma_start3A_462, %dma_start3A_463] : memref<2x1280x32xf32, #tpu.memory_space<vmem>> -> memref<1x128x32xf32, #tpu.memory_space<vmem>>
      %dma_start3A_465 = tpu.memref_squeeze %dma_start3A_464 : memref<1x128x32xf32, #tpu.memory_space<vmem>> -> memref<128x32xf32, #tpu.memory_space<vmem>>
      %dma_start3A_466 = arith.constant 0 : i32
      %dma_start3A_467 = tpu.memref_slice %arg5[%add3A_460, %dma_start3A_466] : memref<100x128xi32, #tpu.memory_space<vmem>> -> memref<1x128xi32, #tpu.memory_space<vmem>>
      %dma_start3A_468 = tpu.memref_squeeze %dma_start3A_467 : memref<1x128xi32, #tpu.memory_space<vmem>> -> memref<128xi32, #tpu.memory_space<vmem>>
      %dma_start3A_469 = arith.constant 0 : i32
      %dma_start3A_470 = arith.constant 0 : i32
      %dma_start3A_471 = tpu.memref_slice %arg3[%dma_start3A_469, %dma_start3A_470] : memref<1000000x32xf32, #tpu.memory_space<hbm>> -> memref<1000000x32xf32, #tpu.memory_space<hbm>>
      tpu.enqueue_indirect_dma source(%dma_start3A_471 : memref<1000000x32xf32, #tpu.memory_space<hbm>>) target(%dma_start3A_465 : memref<128x32xf32, #tpu.memory_space<vmem>>) offsets(%dma_start3A_468 : memref<128xi32, #tpu.memory_space<vmem>>) semaphore(%arg7 : memref<!tpu.dma_semaphore, #tpu.memory_space<semaphore_mem>>)
      %dma_wait3A_472 = arith.constant 1 : i32
      %dma_wait3A_473 = arith.constant 0 : i32
      %dma_wait3A_474 = arith.constant 0 : i32
      %dma_wait3A_475 = tpu.memref_slice %arg6[%dma_wait3A_472, %dma_wait3A_473, %dma_wait3A_474] : memref<2x1280x32xf32, #tpu.memory_space<vmem>> -> memref<1x128x32xf32, #tpu.memory_space<vmem>>
      %dma_wait3A_476 = tpu.memref_squeeze %dma_wait3A_475 : memref<1x128x32xf32, #tpu.memory_space<vmem>> -> memref<128x32xf32, #tpu.memory_space<vmem>>
      %dma_wait3A_477 = arith.constant 0 : i32
      %dma_wait3A_478 = tpu.memref_slice %arg5[%add3A_325, %dma_wait3A_477] : memref<100x128xi32, #tpu.memory_space<vmem>> -> memref<1x128xi32, #tpu.memory_space<vmem>>
      %dma_wait3A_479 = tpu.memref_squeeze %dma_wait3A_478 : memref<1x128xi32, #tpu.memory_space<vmem>> -> memref<128xi32, #tpu.memory_space<vmem>>
      %dma_wait3A_480 = arith.constant 0 : i32
      %dma_wait3A_481 = arith.constant 0 : i32
      %dma_wait3A_482 = tpu.memref_slice %arg3[%dma_wait3A_480, %dma_wait3A_481] : memref<1000000x32xf32, #tpu.memory_space<hbm>> -> memref<1000000x32xf32, #tpu.memory_space<hbm>>
      tpu.wait_indirect_dma semaphore(%arg7 : memref<!tpu.dma_semaphore, #tpu.memory_space<semaphore_mem>>) src(%dma_wait3A_482 : memref<1000000x32xf32, #tpu.memory_space<hbm>>) dst(%dma_wait3A_476 : memref<128x32xf32, #tpu.memory_space<vmem>>)
      %dma_wait3A_483 = arith.constant 1 : i32
      %dma_wait3A_484 = arith.constant 128 : i32
      %dma_wait3A_485 = arith.constant 0 : i32
      %dma_wait3A_486 = tpu.memref_slice %arg6[%dma_wait3A_483, %dma_wait3A_484, %dma_wait3A_485] : memref<2x1280x32xf32, #tpu.memory_space<vmem>> -> memref<1x128x32xf32, #tpu.memory_space<vmem>>
      %dma_wait3A_487 = tpu.memref_squeeze %dma_wait3A_486 : memref<1x128x32xf32, #tpu.memory_space<vmem>> -> memref<128x32xf32, #tpu.memory_space<vmem>>
      %dma_wait3A_488 = arith.constant 0 : i32
      %dma_wait3A_489 = tpu.memref_slice %arg5[%add3A_340, %dma_wait3A_488] : memref<100x128xi32, #tpu.memory_space<vmem>> -> memref<1x128xi32, #tpu.memory_space<vmem>>
      %dma_wait3A_490 = tpu.memref_squeeze %dma_wait3A_489 : memref<1x128xi32, #tpu.memory_space<vmem>> -> memref<128xi32, #tpu.memory_space<vmem>>
      %dma_wait3A_491 = arith.constant 0 : i32
      %dma_wait3A_492 = arith.constant 0 : i32
      %dma_wait3A_493 = tpu.memref_slice %arg3[%dma_wait3A_491, %dma_wait3A_492] : memref<1000000x32xf32, #tpu.memory_space<hbm>> -> memref<1000000x32xf32, #tpu.memory_space<hbm>>
      tpu.wait_indirect_dma semaphore(%arg7 : memref<!tpu.dma_semaphore, #tpu.memory_space<semaphore_mem>>) src(%dma_wait3A_493 : memref<1000000x32xf32, #tpu.memory_space<hbm>>) dst(%dma_wait3A_487 : memref<128x32xf32, #tpu.memory_space<vmem>>)
      %dma_wait3A_494 = arith.constant 1 : i32
      %dma_wait3A_495 = arith.constant 256 : i32
      %dma_wait3A_496 = arith.constant 0 : i32
      %dma_wait3A_497 = tpu.memref_slice %arg6[%dma_wait3A_494, %dma_wait3A_495, %dma_wait3A_496] : memref<2x1280x32xf32, #tpu.memory_space<vmem>> -> memref<1x128x32xf32, #tpu.memory_space<vmem>>
      %dma_wait3A_498 = tpu.memref_squeeze %dma_wait3A_497 : memref<1x128x32xf32, #tpu.memory_space<vmem>> -> memref<128x32xf32, #tpu.memory_space<vmem>>
      %dma_wait3A_499 = arith.constant 0 : i32
      %dma_wait3A_500 = tpu.memref_slice %arg5[%add3A_355, %dma_wait3A_499] : memref<100x128xi32, #tpu.memory_space<vmem>> -> memref<1x128xi32, #tpu.memory_space<vmem>>
      %dma_wait3A_501 = tpu.memref_squeeze %dma_wait3A_500 : memref<1x128xi32, #tpu.memory_space<vmem>> -> memref<128xi32, #tpu.memory_space<vmem>>
      %dma_wait3A_502 = arith.constant 0 : i32
      %dma_wait3A_503 = arith.constant 0 : i32
      %dma_wait3A_504 = tpu.memref_slice %arg3[%dma_wait3A_502, %dma_wait3A_503] : memref<1000000x32xf32, #tpu.memory_space<hbm>> -> memref<1000000x32xf32, #tpu.memory_space<hbm>>
      tpu.wait_indirect_dma semaphore(%arg7 : memref<!tpu.dma_semaphore, #tpu.memory_space<semaphore_mem>>) src(%dma_wait3A_504 : memref<1000000x32xf32, #tpu.memory_space<hbm>>) dst(%dma_wait3A_498 : memref<128x32xf32, #tpu.memory_space<vmem>>)
      %dma_wait3A_505 = arith.constant 1 : i32
      %dma_wait3A_506 = arith.constant 384 : i32
      %dma_wait3A_507 = arith.constant 0 : i32
      %dma_wait3A_508 = tpu.memref_slice %arg6[%dma_wait3A_505, %dma_wait3A_506, %dma_wait3A_507] : memref<2x1280x32xf32, #tpu.memory_space<vmem>> -> memref<1x128x32xf32, #tpu.memory_space<vmem>>
      %dma_wait3A_509 = tpu.memref_squeeze %dma_wait3A_508 : memref<1x128x32xf32, #tpu.memory_space<vmem>> -> memref<128x32xf32, #tpu.memory_space<vmem>>
      %dma_wait3A_510 = arith.constant 0 : i32
      %dma_wait3A_511 = tpu.memref_slice %arg5[%add3A_370, %dma_wait3A_510] : memref<100x128xi32, #tpu.memory_space<vmem>> -> memref<1x128xi32, #tpu.memory_space<vmem>>
      %dma_wait3A_512 = tpu.memref_squeeze %dma_wait3A_511 : memref<1x128xi32, #tpu.memory_space<vmem>> -> memref<128xi32, #tpu.memory_space<vmem>>
      %dma_wait3A_513 = arith.constant 0 : i32
      %dma_wait3A_514 = arith.constant 0 : i32
      %dma_wait3A_515 = tpu.memref_slice %arg3[%dma_wait3A_513, %dma_wait3A_514] : memref<1000000x32xf32, #tpu.memory_space<hbm>> -> memref<1000000x32xf32, #tpu.memory_space<hbm>>
      tpu.wait_indirect_dma semaphore(%arg7 : memref<!tpu.dma_semaphore, #tpu.memory_space<semaphore_mem>>) src(%dma_wait3A_515 : memref<1000000x32xf32, #tpu.memory_space<hbm>>) dst(%dma_wait3A_509 : memref<128x32xf32, #tpu.memory_space<vmem>>)
      %dma_wait3A_516 = arith.constant 1 : i32
      %dma_wait3A_517 = arith.constant 512 : i32
      %dma_wait3A_518 = arith.constant 0 : i32
      %dma_wait3A_519 = tpu.memref_slice %arg6[%dma_wait3A_516, %dma_wait3A_517, %dma_wait3A_518] : memref<2x1280x32xf32, #tpu.memory_space<vmem>> -> memref<1x128x32xf32, #tpu.memory_space<vmem>>
      %dma_wait3A_520 = tpu.memref_squeeze %dma_wait3A_519 : memref<1x128x32xf32, #tpu.memory_space<vmem>> -> memref<128x32xf32, #tpu.memory_space<vmem>>
      %dma_wait3A_521 = arith.constant 0 : i32
      %dma_wait3A_522 = tpu.memref_slice %arg5[%add3A_385, %dma_wait3A_521] : memref<100x128xi32, #tpu.memory_space<vmem>> -> memref<1x128xi32, #tpu.memory_space<vmem>>
      %dma_wait3A_523 = tpu.memref_squeeze %dma_wait3A_522 : memref<1x128xi32, #tpu.memory_space<vmem>> -> memref<128xi32, #tpu.memory_space<vmem>>
      %dma_wait3A_524 = arith.constant 0 : i32
      %dma_wait3A_525 = arith.constant 0 : i32
      %dma_wait3A_526 = tpu.memref_slice %arg3[%dma_wait3A_524, %dma_wait3A_525] : memref<1000000x32xf32, #tpu.memory_space<hbm>> -> memref<1000000x32xf32, #tpu.memory_space<hbm>>
      tpu.wait_indirect_dma semaphore(%arg7 : memref<!tpu.dma_semaphore, #tpu.memory_space<semaphore_mem>>) src(%dma_wait3A_526 : memref<1000000x32xf32, #tpu.memory_space<hbm>>) dst(%dma_wait3A_520 : memref<128x32xf32, #tpu.memory_space<vmem>>)
      %dma_wait3A_527 = arith.constant 1 : i32
      %dma_wait3A_528 = arith.constant 640 : i32
      %dma_wait3A_529 = arith.constant 0 : i32
      %dma_wait3A_530 = tpu.memref_slice %arg6[%dma_wait3A_527, %dma_wait3A_528, %dma_wait3A_529] : memref<2x1280x32xf32, #tpu.memory_space<vmem>> -> memref<1x128x32xf32, #tpu.memory_space<vmem>>
      %dma_wait3A_531 = tpu.memref_squeeze %dma_wait3A_530 : memref<1x128x32xf32, #tpu.memory_space<vmem>> -> memref<128x32xf32, #tpu.memory_space<vmem>>
      %dma_wait3A_532 = arith.constant 0 : i32
      %dma_wait3A_533 = tpu.memref_slice %arg5[%add3A_400, %dma_wait3A_532] : memref<100x128xi32, #tpu.memory_space<vmem>> -> memref<1x128xi32, #tpu.memory_space<vmem>>
      %dma_wait3A_534 = tpu.memref_squeeze %dma_wait3A_533 : memref<1x128xi32, #tpu.memory_space<vmem>> -> memref<128xi32, #tpu.memory_space<vmem>>
      %dma_wait3A_535 = arith.constant 0 : i32
      %dma_wait3A_536 = arith.constant 0 : i32
      %dma_wait3A_537 = tpu.memref_slice %arg3[%dma_wait3A_535, %dma_wait3A_536] : memref<1000000x32xf32, #tpu.memory_space<hbm>> -> memref<1000000x32xf32, #tpu.memory_space<hbm>>
      tpu.wait_indirect_dma semaphore(%arg7 : memref<!tpu.dma_semaphore, #tpu.memory_space<semaphore_mem>>) src(%dma_wait3A_537 : memref<1000000x32xf32, #tpu.memory_space<hbm>>) dst(%dma_wait3A_531 : memref<128x32xf32, #tpu.memory_space<vmem>>)
      %dma_wait3A_538 = arith.constant 1 : i32
      %dma_wait3A_539 = arith.constant 768 : i32
      %dma_wait3A_540 = arith.constant 0 : i32
      %dma_wait3A_541 = tpu.memref_slice %arg6[%dma_wait3A_538, %dma_wait3A_539, %dma_wait3A_540] : memref<2x1280x32xf32, #tpu.memory_space<vmem>> -> memref<1x128x32xf32, #tpu.memory_space<vmem>>
      %dma_wait3A_542 = tpu.memref_squeeze %dma_wait3A_541 : memref<1x128x32xf32, #tpu.memory_space<vmem>> -> memref<128x32xf32, #tpu.memory_space<vmem>>
      %dma_wait3A_543 = arith.constant 0 : i32
      %dma_wait3A_544 = tpu.memref_slice %arg5[%add3A_415, %dma_wait3A_543] : memref<100x128xi32, #tpu.memory_space<vmem>> -> memref<1x128xi32, #tpu.memory_space<vmem>>
      %dma_wait3A_545 = tpu.memref_squeeze %dma_wait3A_544 : memref<1x128xi32, #tpu.memory_space<vmem>> -> memref<128xi32, #tpu.memory_space<vmem>>
      %dma_wait3A_546 = arith.constant 0 : i32
      %dma_wait3A_547 = arith.constant 0 : i32
      %dma_wait3A_548 = tpu.memref_slice %arg3[%dma_wait3A_546, %dma_wait3A_547] : memref<1000000x32xf32, #tpu.memory_space<hbm>> -> memref<1000000x32xf32, #tpu.memory_space<hbm>>
      tpu.wait_indirect_dma semaphore(%arg7 : memref<!tpu.dma_semaphore, #tpu.memory_space<semaphore_mem>>) src(%dma_wait3A_548 : memref<1000000x32xf32, #tpu.memory_space<hbm>>) dst(%dma_wait3A_542 : memref<128x32xf32, #tpu.memory_space<vmem>>)
      %dma_wait3A_549 = arith.constant 1 : i32
      %dma_wait3A_550 = arith.constant 896 : i32
      %dma_wait3A_551 = arith.constant 0 : i32
      %dma_wait3A_552 = tpu.memref_slice %arg6[%dma_wait3A_549, %dma_wait3A_550, %dma_wait3A_551] : memref<2x1280x32xf32, #tpu.memory_space<vmem>> -> memref<1x128x32xf32, #tpu.memory_space<vmem>>
      %dma_wait3A_553 = tpu.memref_squeeze %dma_wait3A_552 : memref<1x128x32xf32, #tpu.memory_space<vmem>> -> memref<128x32xf32, #tpu.memory_space<vmem>>
      %dma_wait3A_554 = arith.constant 0 : i32
      %dma_wait3A_555 = tpu.memref_slice %arg5[%add3A_430, %dma_wait3A_554] : memref<100x128xi32, #tpu.memory_space<vmem>> -> memref<1x128xi32, #tpu.memory_space<vmem>>
      %dma_wait3A_556 = tpu.memref_squeeze %dma_wait3A_555 : memref<1x128xi32, #tpu.memory_space<vmem>> -> memref<128xi32, #tpu.memory_space<vmem>>
      %dma_wait3A_557 = arith.constant 0 : i32
      %dma_wait3A_558 = arith.constant 0 : i32
      %dma_wait3A_559 = tpu.memref_slice %arg3[%dma_wait3A_557, %dma_wait3A_558] : memref<1000000x32xf32, #tpu.memory_space<hbm>> -> memref<1000000x32xf32, #tpu.memory_space<hbm>>
      tpu.wait_indirect_dma semaphore(%arg7 : memref<!tpu.dma_semaphore, #tpu.memory_space<semaphore_mem>>) src(%dma_wait3A_559 : memref<1000000x32xf32, #tpu.memory_space<hbm>>) dst(%dma_wait3A_553 : memref<128x32xf32, #tpu.memory_space<vmem>>)
      %dma_wait3A_560 = arith.constant 1 : i32
      %dma_wait3A_561 = arith.constant 1024 : i32
      %dma_wait3A_562 = arith.constant 0 : i32
      %dma_wait3A_563 = tpu.memref_slice %arg6[%dma_wait3A_560, %dma_wait3A_561, %dma_wait3A_562] : memref<2x1280x32xf32, #tpu.memory_space<vmem>> -> memref<1x128x32xf32, #tpu.memory_space<vmem>>
      %dma_wait3A_564 = tpu.memref_squeeze %dma_wait3A_563 : memref<1x128x32xf32, #tpu.memory_space<vmem>> -> memref<128x32xf32, #tpu.memory_space<vmem>>
      %dma_wait3A_565 = arith.constant 0 : i32
      %dma_wait3A_566 = tpu.memref_slice %arg5[%add3A_445, %dma_wait3A_565] : memref<100x128xi32, #tpu.memory_space<vmem>> -> memref<1x128xi32, #tpu.memory_space<vmem>>
      %dma_wait3A_567 = tpu.memref_squeeze %dma_wait3A_566 : memref<1x128xi32, #tpu.memory_space<vmem>> -> memref<128xi32, #tpu.memory_space<vmem>>
      %dma_wait3A_568 = arith.constant 0 : i32
      %dma_wait3A_569 = arith.constant 0 : i32
      %dma_wait3A_570 = tpu.memref_slice %arg3[%dma_wait3A_568, %dma_wait3A_569] : memref<1000000x32xf32, #tpu.memory_space<hbm>> -> memref<1000000x32xf32, #tpu.memory_space<hbm>>
      tpu.wait_indirect_dma semaphore(%arg7 : memref<!tpu.dma_semaphore, #tpu.memory_space<semaphore_mem>>) src(%dma_wait3A_570 : memref<1000000x32xf32, #tpu.memory_space<hbm>>) dst(%dma_wait3A_564 : memref<128x32xf32, #tpu.memory_space<vmem>>)
      %dma_wait3A_571 = arith.constant 1 : i32
      %dma_wait3A_572 = arith.constant 1152 : i32
      %dma_wait3A_573 = arith.constant 0 : i32
      %dma_wait3A_574 = tpu.memref_slice %arg6[%dma_wait3A_571, %dma_wait3A_572, %dma_wait3A_573] : memref<2x1280x32xf32, #tpu.memory_space<vmem>> -> memref<1x128x32xf32, #tpu.memory_space<vmem>>
      %dma_wait3A_575 = tpu.memref_squeeze %dma_wait3A_574 : memref<1x128x32xf32, #tpu.memory_space<vmem>> -> memref<128x32xf32, #tpu.memory_space<vmem>>
      %dma_wait3A_576 = arith.constant 0 : i32
      %dma_wait3A_577 = tpu.memref_slice %arg5[%add3A_460, %dma_wait3A_576] : memref<100x128xi32, #tpu.memory_space<vmem>> -> memref<1x128xi32, #tpu.memory_space<vmem>>
      %dma_wait3A_578 = tpu.memref_squeeze %dma_wait3A_577 : memref<1x128xi32, #tpu.memory_space<vmem>> -> memref<128xi32, #tpu.memory_space<vmem>>
      %dma_wait3A_579 = arith.constant 0 : i32
      %dma_wait3A_580 = arith.constant 0 : i32
      %dma_wait3A_581 = tpu.memref_slice %arg3[%dma_wait3A_579, %dma_wait3A_580] : memref<1000000x32xf32, #tpu.memory_space<hbm>> -> memref<1000000x32xf32, #tpu.memory_space<hbm>>
      tpu.wait_indirect_dma semaphore(%arg7 : memref<!tpu.dma_semaphore, #tpu.memory_space<semaphore_mem>>) src(%dma_wait3A_581 : memref<1000000x32xf32, #tpu.memory_space<hbm>>) dst(%dma_wait3A_575 : memref<128x32xf32, #tpu.memory_space<vmem>>)
      %mul3A_582 = arith.constant 1280 : i32
      %mul3A_583 = arith.muli %add3A_316, %mul3A_582 : i32
      %add3A_584 = arith.addi %mul3A_2, %mul3A_583 : i32
      %dma_start3A_585 = arith.constant 1 : i32
      %dma_start3A_586 = arith.constant 0 : i32
      %dma_start3A_587 = arith.constant 0 : i32
      %dma_start3A_588 = tpu.memref_slice %arg6[%dma_start3A_585, %dma_start3A_586, %dma_start3A_587] : memref<2x1280x32xf32, #tpu.memory_space<vmem>> -> memref<1x1280x32xf32, #tpu.memory_space<vmem>>
      %dma_start3A_589 = tpu.memref_squeeze %dma_start3A_588 : memref<1x1280x32xf32, #tpu.memory_space<vmem>> -> memref<1280x32xf32, #tpu.memory_space<vmem>>
      %dma_start3A_590 = arith.constant 0 : i32
      %dma_start3A_591 = tpu.memref_slice %arg4[%add3A_584, %dma_start3A_590] : memref<409600x32xf32, #tpu.memory_space<hbm>> -> memref<1280x32xf32, #tpu.memory_space<hbm>>
      %dma_start3A_592 = arith.constant 0 : i32
      %dma_start3A_593 = tpu.memref_slice %arg4[%add3A_584, %dma_start3A_592] : memref<409600x32xf32, #tpu.memory_space<hbm>> -> memref<1280x32xf32, #tpu.memory_space<hbm>>
      %dma_start3A_594 = arith.constant 0 : i32
      %dma_start3A_595 = arith.constant 0 : i32
      %dma_start3A_596 = tpu.memref_slice %arg6[%dma_start3A_585, %dma_start3A_594, %dma_start3A_595] : memref<2x1280x32xf32, #tpu.memory_space<vmem>> -> memref<1x1280x32xf32, #tpu.memory_space<vmem>>
      %dma_start3A_597 = tpu.memref_squeeze %dma_start3A_596 : memref<1x1280x32xf32, #tpu.memory_space<vmem>> -> memref<1280x32xf32, #tpu.memory_space<vmem>>
      tpu.enqueue_dma source(%dma_start3A_597 : memref<1280x32xf32, #tpu.memory_space<vmem>>) target(%dma_start3A_593 : memref<1280x32xf32, #tpu.memory_space<hbm>>) target_semaphore(%arg8 : memref<!tpu.dma_semaphore, #tpu.memory_space<semaphore_mem>>)
    }
    %scan3A_7 = arith.constant 5 : i32
    %dma_wait3A = arith.constant 0 : i32
    %dma_wait3A_8 = arith.constant 0 : i32
    %dma_wait3A_9 = arith.constant 0 : i32
    %dma_wait3A_10 = tpu.memref_slice %arg6[%dma_wait3A, %dma_wait3A_8, %dma_wait3A_9] : memref<2x1280x32xf32, #tpu.memory_space<vmem>> -> memref<1x1280x32xf32, #tpu.memory_space<vmem>>
    %dma_wait3A_11 = tpu.memref_squeeze %dma_wait3A_10 : memref<1x1280x32xf32, #tpu.memory_space<vmem>> -> memref<1280x32xf32, #tpu.memory_space<vmem>>
    %dma_wait3A_12 = arith.constant 0 : i32
    %dma_wait3A_13 = tpu.memref_slice %arg4[%mul3A_2, %dma_wait3A_12] : memref<409600x32xf32, #tpu.memory_space<hbm>> -> memref<1280x32xf32, #tpu.memory_space<hbm>>
    %dma_wait3A_14 = arith.constant 0 : i32
    %dma_wait3A_15 = tpu.memref_slice %arg4[%mul3A_2, %dma_wait3A_14] : memref<409600x32xf32, #tpu.memory_space<hbm>> -> memref<1280x32xf32, #tpu.memory_space<hbm>>
    %dma_wait3A_16 = arith.constant 0 : i32
    %dma_wait3A_17 = arith.constant 0 : i32
    %dma_wait3A_18 = tpu.memref_slice %arg6[%dma_wait3A, %dma_wait3A_16, %dma_wait3A_17] : memref<2x1280x32xf32, #tpu.memory_space<vmem>> -> memref<1x1280x32xf32, #tpu.memory_space<vmem>>
    %dma_wait3A_19 = tpu.memref_squeeze %dma_wait3A_18 : memref<1x1280x32xf32, #tpu.memory_space<vmem>> -> memref<1280x32xf32, #tpu.memory_space<vmem>>
    tpu.wait_dma2 semaphore(%arg8 : memref<!tpu.dma_semaphore, #tpu.memory_space<semaphore_mem>>) src(%dma_wait3A_19 : memref<1280x32xf32, #tpu.memory_space<vmem>>) dst(%dma_wait3A_15 : memref<1280x32xf32, #tpu.memory_space<hbm>>)
    %dma_wait3A_20 = arith.constant 1 : i32
    %dma_wait3A_21 = arith.constant 0 : i32
    %dma_wait3A_22 = arith.constant 0 : i32
    %dma_wait3A_23 = tpu.memref_slice %arg6[%dma_wait3A_20, %dma_wait3A_21, %dma_wait3A_22] : memref<2x1280x32xf32, #tpu.memory_space<vmem>> -> memref<1x1280x32xf32, #tpu.memory_space<vmem>>
    %dma_wait3A_24 = tpu.memref_squeeze %dma_wait3A_23 : memref<1x1280x32xf32, #tpu.memory_space<vmem>> -> memref<1280x32xf32, #tpu.memory_space<vmem>>
    %dma_wait3A_25 = arith.constant 0 : i32
    %dma_wait3A_26 = tpu.memref_slice %arg4[%mul3A_2, %dma_wait3A_25] : memref<409600x32xf32, #tpu.memory_space<hbm>> -> memref<1280x32xf32, #tpu.memory_space<hbm>>
    %dma_wait3A_27 = arith.constant 0 : i32
    %dma_wait3A_28 = tpu.memref_slice %arg4[%mul3A_2, %dma_wait3A_27] : memref<409600x32xf32, #tpu.memory_space<hbm>> -> memref<1280x32xf32, #tpu.memory_space<hbm>>
    %dma_wait3A_29 = arith.constant 0 : i32
    %dma_wait3A_30 = arith.constant 0 : i32
    %dma_wait3A_31 = tpu.memref_slice %arg6[%dma_wait3A_20, %dma_wait3A_29, %dma_wait3A_30] : memref<2x1280x32xf32, #tpu.memory_space<vmem>> -> memref<1x1280x32xf32, #tpu.memory_space<vmem>>
    %dma_wait3A_32 = tpu.memref_squeeze %dma_wait3A_31 : memref<1x1280x32xf32, #tpu.memory_space<vmem>> -> memref<1280x32xf32, #tpu.memory_space<vmem>>
    tpu.wait_dma2 semaphore(%arg8 : memref<!tpu.dma_semaphore, #tpu.memory_space<semaphore_mem>>) src(%dma_wait3A_32 : memref<1280x32xf32, #tpu.memory_space<vmem>>) dst(%dma_wait3A_28 : memref<1280x32xf32, #tpu.memory_space<hbm>>)
    return
  }
}

#map = affine_map<(d0, d1) -> (0, 0, 0)>
#map1 = affine_map<(d0, d1) -> (0, 0)>
module attributes {stable_mosaic.version = 14 : i64} {
  func.func @body(%arg0: i32, %arg1: i32, %arg2: memref<32x100x128xi32, #tpu.memory_space<hbm>>, %arg3: memref<1000000x32xf32, #tpu.memory_space<hbm>>, %arg4: memref<409600x32xf32, #tpu.memory_space<hbm>>, %arg5: memref<100x128xi32, #tpu.memory_space<vmem>>, %arg6: memref<2x1280x32xf32, #tpu.memory_space<vmem>>, %arg7: memref<!tpu.dma_semaphore, #tpu.memory_space<semaphore_mem>>, %arg8: memref<!tpu.dma_semaphore, #tpu.memory_space<semaphore_mem>>) attributes {dimension_semantics = [#tpu.dimension_semantics<core_parallel>, #tpu.dimension_semantics<subcore_parallel>], iteration_bounds = array<i64: 2, 16>, scalar_prefetch = 0 : i64, scratch_operands = 4 : i64, tpu.core_type = #tpu.core_type<sc_vector_subcore>, window_params = [{transform_indices = #map}, {transform_indices = #map1}, {transform_indices = #map1}]} {
    %mul3A = arith.constant 2 : i32
    %mul3A_0 = arith.muli %arg1, %mul3A : i32
    %add3A = arith.addi %mul3A_0, %arg0 : i32
    %mul3A_1 = arith.constant 12800 : i32
    %mul3A_2 = arith.muli %add3A, %mul3A_1 : i32
    "tpu.region"() ({
      %run_scoped3A = tpu.sem_alloc : memref<!tpu.dma_semaphore, #tpu.memory_space<semaphore_mem>>
      %dma_start3A = arith.constant 0 : i32
      %dma_start3A_33 = arith.constant 0 : i32
      %dma_start3A_34 = tpu.memref_slice %arg2[%add3A, %dma_start3A, %dma_start3A_33] : memref<32x100x128xi32, #tpu.memory_space<hbm>> -> memref<1x100x128xi32, #tpu.memory_space<hbm>>
      %dma_start3A_35 = tpu.memref_squeeze %dma_start3A_34 : memref<1x100x128xi32, #tpu.memory_space<hbm>> -> memref<100x128xi32, #tpu.memory_space<hbm>>
      %dma_start3A_36 = arith.constant 0 : i32
      %dma_start3A_37 = arith.constant 0 : i32
      %dma_start3A_38 = tpu.memref_slice %arg2[%add3A, %dma_start3A_36, %dma_start3A_37] : memref<32x100x128xi32, #tpu.memory_space<hbm>> -> memref<1x100x128xi32, #tpu.memory_space<hbm>>
      %dma_start3A_39 = tpu.memref_squeeze %dma_start3A_38 : memref<1x100x128xi32, #tpu.memory_space<hbm>> -> memref<100x128xi32, #tpu.memory_space<hbm>>
      tpu.enqueue_dma source(%dma_start3A_39 : memref<100x128xi32, #tpu.memory_space<hbm>>) target(%arg5 : memref<100x128xi32, #tpu.memory_space<vmem>>) target_semaphore(%run_scoped3A : memref<!tpu.dma_semaphore, #tpu.memory_space<semaphore_mem>>)
      %dma_wait3A_40 = arith.constant 0 : i32
      %dma_wait3A_41 = arith.constant 0 : i32
      %dma_wait3A_42 = tpu.memref_slice %arg2[%add3A, %dma_wait3A_40, %dma_wait3A_41] : memref<32x100x128xi32, #tpu.memory_space<hbm>> -> memref<1x100x128xi32, #tpu.memory_space<hbm>>
      %dma_wait3A_43 = tpu.memref_squeeze %dma_wait3A_42 : memref<1x100x128xi32, #tpu.memory_space<hbm>> -> memref<100x128xi32, #tpu.memory_space<hbm>>
      %dma_wait3A_44 = arith.constant 0 : i32
      %dma_wait3A_45 = arith.constant 0 : i32
      %dma_wait3A_46 = tpu.memref_slice %arg2[%add3A, %dma_wait3A_44, %dma_wait3A_45] : memref<32x100x128xi32, #tpu.memory_space<hbm>> -> memref<1x100x128xi32, #tpu.memory_space<hbm>>
      %dma_wait3A_47 = tpu.memref_squeeze %dma_wait3A_46 : memref<1x100x128xi32, #tpu.memory_space<hbm>> -> memref<100x128xi32, #tpu.memory_space<hbm>>
      tpu.wait_dma2 semaphore(%run_scoped3A : memref<!tpu.dma_semaphore, #tpu.memory_space<semaphore_mem>>) src(%dma_wait3A_47 : memref<100x128xi32, #tpu.memory_space<hbm>>) dst(%arg5 : memref<100x128xi32, #tpu.memory_space<vmem>>)
      tpu.yield
    }) : () -> ()
    %scan3A = arith.constant 0 : i32
    %scan3A_3 = arith.constant 0 : i32
    %scan3A_4 = arith.constant 5 : i32
    %scan3A_5 = arith.addi %scan3A_3, %scan3A_4 : i32
    %scan3A_6 = arith.constant 1 : i32
    scf.for %scan3A_33 = %scan3A_3 to %scan3A_5 step %scan3A_6  : i32 {
      %mul3A_34 = arith.constant 2 : i32
      %mul3A_35 = arith.muli %scan3A_33, %mul3A_34 : i32
      %ge3A = arith.constant 2 : i32
      %ge3A_36 = arith.cmpi sge, %mul3A_35, %ge3A : i32
      %convert_element_type3A = arith.extui %ge3A_36 : i1 to i32
      %cond3A = arith.constant 0 : i32
      %cond3A_37 = arith.cmpi ne, %convert_element_type3A, %cond3A : i32
      scf.if %cond3A_37 {
        %dma_wait3A_598 = arith.constant 0 : i32
        %dma_wait3A_599 = arith.constant 0 : i32
        %dma_wait3A_600 = arith.constant 0 : i32
        %dma_wait3A_601 = tpu.memref_slice %arg6[%dma_wait3A_598, %dma_wait3A_599, %dma_wait3A_600] : memref<2x1280x32xf32, #tpu.memory_space<vmem>> -> memref<1x1280x32xf32, #tpu.memory_space<vmem>>
        %dma_wait3A_602 = tpu.memref_squeeze %dma_wait3A_601 : memref<1x1280x32xf32, #tpu.memory_space<vmem>> -> memref<1280x32xf32, #tpu.memory_space<vmem>>
        %dma_wait3A_603 = arith.constant 0 : i32
        %dma_wait3A_604 = tpu.memref_slice %arg4[%mul3A_2, %dma_wait3A_603] : memref<409600x32xf32, #tpu.memory_space<hbm>> -> memref<1280x32xf32, #tpu.memory_space<hbm>>
        %dma_wait3A_605 = arith.constant 0 : i32
        %dma_wait3A_606 = tpu.memref_slice %arg4[%mul3A_2, %dma_wait3A_605] : memref<409600x32xf32, #tpu.memory_space<hbm>> -> memref<1280x32xf32, #tpu.memory_space<hbm>>
        %dma_wait3A_607 = arith.constant 0 : i32
        %dma_wait3A_608 = arith.constant 0 : i32
        %dma_wait3A_609 = tpu.memref_slice %arg6[%dma_wait3A_598, %dma_wait3A_607, %dma_wait3A_608] : memref<2x1280x32xf32, #tpu.memory_space<vmem>> -> memref<1x1280x32xf32, #tpu.memory_space<vmem>>
        %dma_wait3A_610 = tpu.memref_squeeze %dma_wait3A_609 : memref<1x1280x32xf32, #tpu.memory_space<vmem>> -> memref<1280x32xf32, #tpu.memory_space<vmem>>
        tpu.wait_dma2 semaphore(%arg8 : memref<!tpu.dma_semaphore, #tpu.memory_space<semaphore_mem>>) src(%dma_wait3A_610 : memref<1280x32xf32, #tpu.memory_space<vmem>>) dst(%dma_wait3A_606 : memref<1280x32xf32, #tpu.memory_space<hbm>>)
      } else {
      }
      %mul3A_38 = arith.constant 10 : i32
      %mul3A_39 = arith.muli %mul3A_35, %mul3A_38 : i32
      %add3A_40 = arith.constant 0 : i32
      %add3A_41 = arith.addi %mul3A_39, %add3A_40 : i32
      %dma_start3A = arith.constant 0 : i32
      %dma_start3A_42 = arith.constant 0 : i32
      %dma_start3A_43 = arith.constant 0 : i32
      %dma_start3A_44 = tpu.memref_slice %arg6[%dma_start3A, %dma_start3A_42, %dma_start3A_43] : memref<2x1280x32xf32, #tpu.memory_space<vmem>> -> memref<1x128x32xf32, #tpu.memory_space<vmem>>
      %dma_start3A_45 = tpu.memref_squeeze %dma_start3A_44 : memref<1x128x32xf32, #tpu.memory_space<vmem>> -> memref<128x32xf32, #tpu.memory_space<vmem>>
      %dma_start3A_46 = arith.constant 0 : i32
      %dma_start3A_47 = tpu.memref_slice %arg5[%add3A_41, %dma_start3A_46] : memref<100x128xi32, #tpu.memory_space<vmem>> -> memref<1x128xi32, #tpu.memory_space<vmem>>
      %dma_start3A_48 = tpu.memref_squeeze %dma_start3A_47 : memref<1x128xi32, #tpu.memory_space<vmem>> -> memref<128xi32, #tpu.memory_space<vmem>>
      %dma_start3A_49 = arith.constant 0 : i32
      %dma_start3A_50 = arith.constant 0 : i32
      %dma_start3A_51 = tpu.memref_slice %arg3[%dma_start3A_49, %dma_start3A_50] : memref<1000000x32xf32, #tpu.memory_space<hbm>> -> memref<1000000x32xf32, #tpu.memory_space<hbm>>
      tpu.enqueue_indirect_dma source(%dma_start3A_51 : memref<1000000x32xf32, #tpu.memory_space<hbm>>) target(%dma_start3A_45 : memref<128x32xf32, #tpu.memory_space<vmem>>) offsets(%dma_start3A_48 : memref<128xi32, #tpu.memory_space<vmem>>) semaphore(%arg7 : memref<!tpu.dma_semaphore, #tpu.memory_space<semaphore_mem>>)
      %mul3A_52 = arith.constant 10 : i32
      %mul3A_53 = arith.muli %mul3A_35, %mul3A_52 : i32
      %add3A_54 = arith.constant 1 : i32
      %add3A_55 = arith.addi %mul3A_53, %add3A_54 : i32
      %dma_start3A_56 = arith.constant 0 : i32
      %dma_start3A_57 = arith.constant 128 : i32
      %dma_start3A_58 = arith.constant 0 : i32
      %dma_start3A_59 = tpu.memref_slice %arg6[%dma_start3A_56, %dma_start3A_57, %dma_start3A_58] : memref<2x1280x32xf32, #tpu.memory_space<vmem>> -> memref<1x128x32xf32, #tpu.memory_space<vmem>>
      %dma_start3A_60 = tpu.memref_squeeze %dma_start3A_59 : memref<1x128x32xf32, #tpu.memory_space<vmem>> -> memref<128x32xf32, #tpu.memory_space<vmem>>
      %dma_start3A_61 = arith.constant 0 : i32
      %dma_start3A_62 = tpu.memref_slice %arg5[%add3A_55, %dma_start3A_61] : memref<100x128xi32, #tpu.memory_space<vmem>> -> memref<1x128xi32, #tpu.memory_space<vmem>>
      %dma_start3A_63 = tpu.memref_squeeze %dma_start3A_62 : memref<1x128xi32, #tpu.memory_space<vmem>> -> memref<128xi32, #tpu.memory_space<vmem>>
      %dma_start3A_64 = arith.constant 0 : i32
      %dma_start3A_65 = arith.constant 0 : i32
      %dma_start3A_66 = tpu.memref_slice %arg3[%dma_start3A_64, %dma_start3A_65] : memref<1000000x32xf32, #tpu.memory_space<hbm>> -> memref<1000000x32xf32, #tpu.memory_space<hbm>>
      tpu.enqueue_indirect_dma source(%dma_start3A_66 : memref<1000000x32xf32, #tpu.memory_space<hbm>>) target(%dma_start3A_60 : memref<128x32xf32, #tpu.memory_space<vmem>>) offsets(%dma_start3A_63 : memref<128xi32, #tpu.memory_space<vmem>>) semaphore(%arg7 : memref<!tpu.dma_semaphore, #tpu.memory_space<semaphore_mem>>)
      %mul3A_67 = arith.constant 10 : i32
      %mul3A_68 = arith.muli %mul3A_35, %mul3A_67 : i32
      %add3A_69 = arith.constant 2 : i32
      %add3A_70 = arith.addi %mul3A_68, %add3A_69 : i32
      %dma_start3A_71 = arith.constant 0 : i32
      %dma_start3A_72 = arith.constant 256 : i32
      %dma_start3A_73 = arith.constant 0 : i32
      %dma_start3A_74 = tpu.memref_slice %arg6[%dma_start3A_71, %dma_start3A_72, %dma_start3A_73] : memref<2x1280x32xf32, #tpu.memory_space<vmem>> -> memref<1x128x32xf32, #tpu.memory_space<vmem>>
      %dma_start3A_75 = tpu.memref_squeeze %dma_start3A_74 : memref<1x128x32xf32, #tpu.memory_space<vmem>> -> memref<128x32xf32, #tpu.memory_space<vmem>>
      %dma_start3A_76 = arith.constant 0 : i32
      %dma_start3A_77 = tpu.memref_slice %arg5[%add3A_70, %dma_start3A_76] : memref<100x128xi32, #tpu.memory_space<vmem>> -> memref<1x128xi32, #tpu.memory_space<vmem>>
      %dma_start3A_78 = tpu.memref_squeeze %dma_start3A_77 : memref<1x128xi32, #tpu.memory_space<vmem>> -> memref<128xi32, #tpu.memory_space<vmem>>
      %dma_start3A_79 = arith.constant 0 : i32
      %dma_start3A_80 = arith.constant 0 : i32
      %dma_start3A_81 = tpu.memref_slice %arg3[%dma_start3A_79, %dma_start3A_80] : memref<1000000x32xf32, #tpu.memory_space<hbm>> -> memref<1000000x32xf32, #tpu.memory_space<hbm>>
      tpu.enqueue_indirect_dma source(%dma_start3A_81 : memref<1000000x32xf32, #tpu.memory_space<hbm>>) target(%dma_start3A_75 : memref<128x32xf32, #tpu.memory_space<vmem>>) offsets(%dma_start3A_78 : memref<128xi32, #tpu.memory_space<vmem>>) semaphore(%arg7 : memref<!tpu.dma_semaphore, #tpu.memory_space<semaphore_mem>>)
      %mul3A_82 = arith.constant 10 : i32
      %mul3A_83 = arith.muli %mul3A_35, %mul3A_82 : i32
      %add3A_84 = arith.constant 3 : i32
      %add3A_85 = arith.addi %mul3A_83, %add3A_84 : i32
      %dma_start3A_86 = arith.constant 0 : i32
      %dma_start3A_87 = arith.constant 384 : i32
      %dma_start3A_88 = arith.constant 0 : i32
      %dma_start3A_89 = tpu.memref_slice %arg6[%dma_start3A_86, %dma_start3A_87, %dma_start3A_88] : memref<2x1280x32xf32, #tpu.memory_space<vmem>> -> memref<1x128x32xf32, #tpu.memory_space<vmem>>
      %dma_start3A_90 = tpu.memref_squeeze %dma_start3A_89 : memref<1x128x32xf32, #tpu.memory_space<vmem>> -> memref<128x32xf32, #tpu.memory_space<vmem>>
      %dma_start3A_91 = arith.constant 0 : i32
      %dma_start3A_92 = tpu.memref_slice %arg5[%add3A_85, %dma_start3A_91] : memref<100x128xi32, #tpu.memory_space<vmem>> -> memref<1x128xi32, #tpu.memory_space<vmem>>
      %dma_start3A_93 = tpu.memref_squeeze %dma_start3A_92 : memref<1x128xi32, #tpu.memory_space<vmem>> -> memref<128xi32, #tpu.memory_space<vmem>>
      %dma_start3A_94 = arith.constant 0 : i32
      %dma_start3A_95 = arith.constant 0 : i32
      %dma_start3A_96 = tpu.memref_slice %arg3[%dma_start3A_94, %dma_start3A_95] : memref<1000000x32xf32, #tpu.memory_space<hbm>> -> memref<1000000x32xf32, #tpu.memory_space<hbm>>
      tpu.enqueue_indirect_dma source(%dma_start3A_96 : memref<1000000x32xf32, #tpu.memory_space<hbm>>) target(%dma_start3A_90 : memref<128x32xf32, #tpu.memory_space<vmem>>) offsets(%dma_start3A_93 : memref<128xi32, #tpu.memory_space<vmem>>) semaphore(%arg7 : memref<!tpu.dma_semaphore, #tpu.memory_space<semaphore_mem>>)
      %mul3A_97 = arith.constant 10 : i32
      %mul3A_98 = arith.muli %mul3A_35, %mul3A_97 : i32
      %add3A_99 = arith.constant 4 : i32
      %add3A_100 = arith.addi %mul3A_98, %add3A_99 : i32
      %dma_start3A_101 = arith.constant 0 : i32
      %dma_start3A_102 = arith.constant 512 : i32
      %dma_start3A_103 = arith.constant 0 : i32
      %dma_start3A_104 = tpu.memref_slice %arg6[%dma_start3A_101, %dma_start3A_102, %dma_start3A_103] : memref<2x1280x32xf32, #tpu.memory_space<vmem>> -> memref<1x128x32xf32, #tpu.memory_space<vmem>>
      %dma_start3A_105 = tpu.memref_squeeze %dma_start3A_104 : memref<1x128x32xf32, #tpu.memory_space<vmem>> -> memref<128x32xf32, #tpu.memory_space<vmem>>
      %dma_start3A_106 = arith.constant 0 : i32
      %dma_start3A_107 = tpu.memref_slice %arg5[%add3A_100, %dma_start3A_106] : memref<100x128xi32, #tpu.memory_space<vmem>> -> memref<1x128xi32, #tpu.memory_space<vmem>>
      %dma_start3A_108 = tpu.memref_squeeze %dma_start3A_107 : memref<1x128xi32, #tpu.memory_space<vmem>> -> memref<128xi32, #tpu.memory_space<vmem>>
      %dma_start3A_109 = arith.constant 0 : i32
      %dma_start3A_110 = arith.constant 0 : i32
      %dma_start3A_111 = tpu.memref_slice %arg3[%dma_start3A_109, %dma_start3A_110] : memref<1000000x32xf32, #tpu.memory_space<hbm>> -> memref<1000000x32xf32, #tpu.memory_space<hbm>>
      tpu.enqueue_indirect_dma source(%dma_start3A_111 : memref<1000000x32xf32, #tpu.memory_space<hbm>>) target(%dma_start3A_105 : memref<128x32xf32, #tpu.memory_space<vmem>>) offsets(%dma_start3A_108 : memref<128xi32, #tpu.memory_space<vmem>>) semaphore(%arg7 : memref<!tpu.dma_semaphore, #tpu.memory_space<semaphore_mem>>)
      %mul3A_112 = arith.constant 10 : i32
      %mul3A_113 = arith.muli %mul3A_35, %mul3A_112 : i32
      %add3A_114 = arith.constant 5 : i32
      %add3A_115 = arith.addi %mul3A_113, %add3A_114 : i32
      %dma_start3A_116 = arith.constant 0 : i32
      %dma_start3A_117 = arith.constant 640 : i32
      %dma_start3A_118 = arith.constant 0 : i32
      %dma_start3A_119 = tpu.memref_slice %arg6[%dma_start3A_116, %dma_start3A_117, %dma_start3A_118] : memref<2x1280x32xf32, #tpu.memory_space<vmem>> -> memref<1x128x32xf32, #tpu.memory_space<vmem>>
      %dma_start3A_120 = tpu.memref_squeeze %dma_start3A_119 : memref<1x128x32xf32, #tpu.memory_space<vmem>> -> memref<128x32xf32, #tpu.memory_space<vmem>>
      %dma_start3A_121 = arith.constant 0 : i32
      %dma_start3A_122 = tpu.memref_slice %arg5[%add3A_115, %dma_start3A_121] : memref<100x128xi32, #tpu.memory_space<vmem>> -> memref<1x128xi32, #tpu.memory_space<vmem>>
      %dma_start3A_123 = tpu.memref_squeeze %dma_start3A_122 : memref<1x128xi32, #tpu.memory_space<vmem>> -> memref<128xi32, #tpu.memory_space<vmem>>
      %dma_start3A_124 = arith.constant 0 : i32
      %dma_start3A_125 = arith.constant 0 : i32
      %dma_start3A_126 = tpu.memref_slice %arg3[%dma_start3A_124, %dma_start3A_125] : memref<1000000x32xf32, #tpu.memory_space<hbm>> -> memref<1000000x32xf32, #tpu.memory_space<hbm>>
      tpu.enqueue_indirect_dma source(%dma_start3A_126 : memref<1000000x32xf32, #tpu.memory_space<hbm>>) target(%dma_start3A_120 : memref<128x32xf32, #tpu.memory_space<vmem>>) offsets(%dma_start3A_123 : memref<128xi32, #tpu.memory_space<vmem>>) semaphore(%arg7 : memref<!tpu.dma_semaphore, #tpu.memory_space<semaphore_mem>>)
      %mul3A_127 = arith.constant 10 : i32
      %mul3A_128 = arith.muli %mul3A_35, %mul3A_127 : i32
      %add3A_129 = arith.constant 6 : i32
      %add3A_130 = arith.addi %mul3A_128, %add3A_129 : i32
      %dma_start3A_131 = arith.constant 0 : i32
      %dma_start3A_132 = arith.constant 768 : i32
      %dma_start3A_133 = arith.constant 0 : i32
      %dma_start3A_134 = tpu.memref_slice %arg6[%dma_start3A_131, %dma_start3A_132, %dma_start3A_133] : memref<2x1280x32xf32, #tpu.memory_space<vmem>> -> memref<1x128x32xf32, #tpu.memory_space<vmem>>
      %dma_start3A_135 = tpu.memref_squeeze %dma_start3A_134 : memref<1x128x32xf32, #tpu.memory_space<vmem>> -> memref<128x32xf32, #tpu.memory_space<vmem>>
      %dma_start3A_136 = arith.constant 0 : i32
      %dma_start3A_137 = tpu.memref_slice %arg5[%add3A_130, %dma_start3A_136] : memref<100x128xi32, #tpu.memory_space<vmem>> -> memref<1x128xi32, #tpu.memory_space<vmem>>
      %dma_start3A_138 = tpu.memref_squeeze %dma_start3A_137 : memref<1x128xi32, #tpu.memory_space<vmem>> -> memref<128xi32, #tpu.memory_space<vmem>>
      %dma_start3A_139 = arith.constant 0 : i32
      %dma_start3A_140 = arith.constant 0 : i32
      %dma_start3A_141 = tpu.memref_slice %arg3[%dma_start3A_139, %dma_start3A_140] : memref<1000000x32xf32, #tpu.memory_space<hbm>> -> memref<1000000x32xf32, #tpu.memory_space<hbm>>
      tpu.enqueue_indirect_dma source(%dma_start3A_141 : memref<1000000x32xf32, #tpu.memory_space<hbm>>) target(%dma_start3A_135 : memref<128x32xf32, #tpu.memory_space<vmem>>) offsets(%dma_start3A_138 : memref<128xi32, #tpu.memory_space<vmem>>) semaphore(%arg7 : memref<!tpu.dma_semaphore, #tpu.memory_space<semaphore_mem>>)
      %mul3A_142 = arith.constant 10 : i32
      %mul3A_143 = arith.muli %mul3A_35, %mul3A_142 : i32
      %add3A_144 = arith.constant 7 : i32
      %add3A_145 = arith.addi %mul3A_143, %add3A_144 : i32
      %dma_start3A_146 = arith.constant 0 : i32
      %dma_start3A_147 = arith.constant 896 : i32
      %dma_start3A_148 = arith.constant 0 : i32
      %dma_start3A_149 = tpu.memref_slice %arg6[%dma_start3A_146, %dma_start3A_147, %dma_start3A_148] : memref<2x1280x32xf32, #tpu.memory_space<vmem>> -> memref<1x128x32xf32, #tpu.memory_space<vmem>>
      %dma_start3A_150 = tpu.memref_squeeze %dma_start3A_149 : memref<1x128x32xf32, #tpu.memory_space<vmem>> -> memref<128x32xf32, #tpu.memory_space<vmem>>
      %dma_start3A_151 = arith.constant 0 : i32
      %dma_start3A_152 = tpu.memref_slice %arg5[%add3A_145, %dma_start3A_151] : memref<100x128xi32, #tpu.memory_space<vmem>> -> memref<1x128xi32, #tpu.memory_space<vmem>>
      %dma_start3A_153 = tpu.memref_squeeze %dma_start3A_152 : memref<1x128xi32, #tpu.memory_space<vmem>> -> memref<128xi32, #tpu.memory_space<vmem>>
      %dma_start3A_154 = arith.constant 0 : i32
      %dma_start3A_155 = arith.constant 0 : i32
      %dma_start3A_156 = tpu.memref_slice %arg3[%dma_start3A_154, %dma_start3A_155] : memref<1000000x32xf32, #tpu.memory_space<hbm>> -> memref<1000000x32xf32, #tpu.memory_space<hbm>>
      tpu.enqueue_indirect_dma source(%dma_start3A_156 : memref<1000000x32xf32, #tpu.memory_space<hbm>>) target(%dma_start3A_150 : memref<128x32xf32, #tpu.memory_space<vmem>>) offsets(%dma_start3A_153 : memref<128xi32, #tpu.memory_space<vmem>>) semaphore(%arg7 : memref<!tpu.dma_semaphore, #tpu.memory_space<semaphore_mem>>)
      %mul3A_157 = arith.constant 10 : i32
      %mul3A_158 = arith.muli %mul3A_35, %mul3A_157 : i32
      %add3A_159 = arith.constant 8 : i32
      %add3A_160 = arith.addi %mul3A_158, %add3A_159 : i32
      %dma_start3A_161 = arith.constant 0 : i32
      %dma_start3A_162 = arith.constant 1024 : i32
      %dma_start3A_163 = arith.constant 0 : i32
      %dma_start3A_164 = tpu.memref_slice %arg6[%dma_start3A_161, %dma_start3A_162, %dma_start3A_163] : memref<2x1280x32xf32, #tpu.memory_space<vmem>> -> memref<1x128x32xf32, #tpu.memory_space<vmem>>
      %dma_start3A_165 = tpu.memref_squeeze %dma_start3A_164 : memref<1x128x32xf32, #tpu.memory_space<vmem>> -> memref<128x32xf32, #tpu.memory_space<vmem>>
      %dma_start3A_166 = arith.constant 0 : i32
      %dma_start3A_167 = tpu.memref_slice %arg5[%add3A_160, %dma_start3A_166] : memref<100x128xi32, #tpu.memory_space<vmem>> -> memref<1x128xi32, #tpu.memory_space<vmem>>
      %dma_start3A_168 = tpu.memref_squeeze %dma_start3A_167 : memref<1x128xi32, #tpu.memory_space<vmem>> -> memref<128xi32, #tpu.memory_space<vmem>>
      %dma_start3A_169 = arith.constant 0 : i32
      %dma_start3A_170 = arith.constant 0 : i32
      %dma_start3A_171 = tpu.memref_slice %arg3[%dma_start3A_169, %dma_start3A_170] : memref<1000000x32xf32, #tpu.memory_space<hbm>> -> memref<1000000x32xf32, #tpu.memory_space<hbm>>
      tpu.enqueue_indirect_dma source(%dma_start3A_171 : memref<1000000x32xf32, #tpu.memory_space<hbm>>) target(%dma_start3A_165 : memref<128x32xf32, #tpu.memory_space<vmem>>) offsets(%dma_start3A_168 : memref<128xi32, #tpu.memory_space<vmem>>) semaphore(%arg7 : memref<!tpu.dma_semaphore, #tpu.memory_space<semaphore_mem>>)
      %mul3A_172 = arith.constant 10 : i32
      %mul3A_173 = arith.muli %mul3A_35, %mul3A_172 : i32
      %add3A_174 = arith.constant 9 : i32
      %add3A_175 = arith.addi %mul3A_173, %add3A_174 : i32
      %dma_start3A_176 = arith.constant 0 : i32
      %dma_start3A_177 = arith.constant 1152 : i32
      %dma_start3A_178 = arith.constant 0 : i32
      %dma_start3A_179 = tpu.memref_slice %arg6[%dma_start3A_176, %dma_start3A_177, %dma_start3A_178] : memref<2x1280x32xf32, #tpu.memory_space<vmem>> -> memref<1x128x32xf32, #tpu.memory_space<vmem>>
      %dma_start3A_180 = tpu.memref_squeeze %dma_start3A_179 : memref<1x128x32xf32, #tpu.memory_space<vmem>> -> memref<128x32xf32, #tpu.memory_space<vmem>>
      %dma_start3A_181 = arith.constant 0 : i32
      %dma_start3A_182 = tpu.memref_slice %arg5[%add3A_175, %dma_start3A_181] : memref<100x128xi32, #tpu.memory_space<vmem>> -> memref<1x128xi32, #tpu.memory_space<vmem>>
      %dma_start3A_183 = tpu.memref_squeeze %dma_start3A_182 : memref<1x128xi32, #tpu.memory_space<vmem>> -> memref<128xi32, #tpu.memory_space<vmem>>
      %dma_start3A_184 = arith.constant 0 : i32
      %dma_start3A_185 = arith.constant 0 : i32
      %dma_start3A_186 = tpu.memref_slice %arg3[%dma_start3A_184, %dma_start3A_185] : memref<1000000x32xf32, #tpu.memory_space<hbm>> -> memref<1000000x32xf32, #tpu.memory_space<hbm>>
      tpu.enqueue_indirect_dma source(%dma_start3A_186 : memref<1000000x32xf32, #tpu.memory_space<hbm>>) target(%dma_start3A_180 : memref<128x32xf32, #tpu.memory_space<vmem>>) offsets(%dma_start3A_183 : memref<128xi32, #tpu.memory_space<vmem>>) semaphore(%arg7 : memref<!tpu.dma_semaphore, #tpu.memory_space<semaphore_mem>>)
      %dma_wait3A_187 = arith.constant 0 : i32
      %dma_wait3A_188 = arith.constant 0 : i32
      %dma_wait3A_189 = arith.constant 0 : i32
      %dma_wait3A_190 = tpu.memref_slice %arg6[%dma_wait3A_187, %dma_wait3A_188, %dma_wait3A_189] : memref<2x1280x32xf32, #tpu.memory_space<vmem>> -> memref<1x128x32xf32, #tpu.memory_space<vmem>>
      %dma_wait3A_191 = tpu.memref_squeeze %dma_wait3A_190 : memref<1x128x32xf32, #tpu.memory_space<vmem>> -> memref<128x32xf32, #tpu.memory_space<vmem>>
      %dma_wait3A_192 = arith.constant 0 : i32
      %dma_wait3A_193 = tpu.memref_slice %arg5[%add3A_41, %dma_wait3A_192] : memref<100x128xi32, #tpu.memory_space<vmem>> -> memref<1x128xi32, #tpu.memory_space<vmem>>
      %dma_wait3A_194 = tpu.memref_squeeze %dma_wait3A_193 : memref<1x128xi32, #tpu.memory_space<vmem>> -> memref<128xi32, #tpu.memory_space<vmem>>
      %dma_wait3A_195 = arith.constant 0 : i32
      %dma_wait3A_196 = arith.constant 0 : i32
      %dma_wait3A_197 = tpu.memref_slice %arg3[%dma_wait3A_195, %dma_wait3A_196] : memref<1000000x32xf32, #tpu.memory_space<hbm>> -> memref<1000000x32xf32, #tpu.memory_space<hbm>>
      tpu.wait_indirect_dma semaphore(%arg7 : memref<!tpu.dma_semaphore, #tpu.memory_space<semaphore_mem>>) src(%dma_wait3A_197 : memref<1000000x32xf32, #tpu.memory_space<hbm>>) dst(%dma_wait3A_191 : memref<128x32xf32, #tpu.memory_space<vmem>>)
      %dma_wait3A_198 = arith.constant 0 : i32
      %dma_wait3A_199 = arith.constant 128 : i32
      %dma_wait3A_200 = arith.constant 0 : i32
      %dma_wait3A_201 = tpu.memref_slice %arg6[%dma_wait3A_198, %dma_wait3A_199, %dma_wait3A_200] : memref<2x1280x32xf32, #tpu.memory_space<vmem>> -> memref<1x128x32xf32, #tpu.memory_space<vmem>>
      %dma_wait3A_202 = tpu.memref_squeeze %dma_wait3A_201 : memref<1x128x32xf32, #tpu.memory_space<vmem>> -> memref<128x32xf32, #tpu.memory_space<vmem>>
      %dma_wait3A_203 = arith.constant 0 : i32
      %dma_wait3A_204 = tpu.memref_slice %arg5[%add3A_55, %dma_wait3A_203] : memref<100x128xi32, #tpu.memory_space<vmem>> -> memref<1x128xi32, #tpu.memory_space<vmem>>
      %dma_wait3A_205 = tpu.memref_squeeze %dma_wait3A_204 : memref<1x128xi32, #tpu.memory_space<vmem>> -> memref<128xi32, #tpu.memory_space<vmem>>
      %dma_wait3A_206 = arith.constant 0 : i32
      %dma_wait3A_207 = arith.constant 0 : i32
      %dma_wait3A_208 = tpu.memref_slice %arg3[%dma_wait3A_206, %dma_wait3A_207] : memref<1000000x32xf32, #tpu.memory_space<hbm>> -> memref<1000000x32xf32, #tpu.memory_space<hbm>>
      tpu.wait_indirect_dma semaphore(%arg7 : memref<!tpu.dma_semaphore, #tpu.memory_space<semaphore_mem>>) src(%dma_wait3A_208 : memref<1000000x32xf32, #tpu.memory_space<hbm>>) dst(%dma_wait3A_202 : memref<128x32xf32, #tpu.memory_space<vmem>>)
      %dma_wait3A_209 = arith.constant 0 : i32
      %dma_wait3A_210 = arith.constant 256 : i32
      %dma_wait3A_211 = arith.constant 0 : i32
      %dma_wait3A_212 = tpu.memref_slice %arg6[%dma_wait3A_209, %dma_wait3A_210, %dma_wait3A_211] : memref<2x1280x32xf32, #tpu.memory_space<vmem>> -> memref<1x128x32xf32, #tpu.memory_space<vmem>>
      %dma_wait3A_213 = tpu.memref_squeeze %dma_wait3A_212 : memref<1x128x32xf32, #tpu.memory_space<vmem>> -> memref<128x32xf32, #tpu.memory_space<vmem>>
      %dma_wait3A_214 = arith.constant 0 : i32
      %dma_wait3A_215 = tpu.memref_slice %arg5[%add3A_70, %dma_wait3A_214] : memref<100x128xi32, #tpu.memory_space<vmem>> -> memref<1x128xi32, #tpu.memory_space<vmem>>
      %dma_wait3A_216 = tpu.memref_squeeze %dma_wait3A_215 : memref<1x128xi32, #tpu.memory_space<vmem>> -> memref<128xi32, #tpu.memory_space<vmem>>
      %dma_wait3A_217 = arith.constant 0 : i32
      %dma_wait3A_218 = arith.constant 0 : i32
      %dma_wait3A_219 = tpu.memref_slice %arg3[%dma_wait3A_217, %dma_wait3A_218] : memref<1000000x32xf32, #tpu.memory_space<hbm>> -> memref<1000000x32xf32, #tpu.memory_space<hbm>>
      tpu.wait_indirect_dma semaphore(%arg7 : memref<!tpu.dma_semaphore, #tpu.memory_space<semaphore_mem>>) src(%dma_wait3A_219 : memref<1000000x32xf32, #tpu.memory_space<hbm>>) dst(%dma_wait3A_213 : memref<128x32xf32, #tpu.memory_space<vmem>>)
      %dma_wait3A_220 = arith.constant 0 : i32
      %dma_wait3A_221 = arith.constant 384 : i32
      %dma_wait3A_222 = arith.constant 0 : i32
      %dma_wait3A_223 = tpu.memref_slice %arg6[%dma_wait3A_220, %dma_wait3A_221, %dma_wait3A_222] : memref<2x1280x32xf32, #tpu.memory_space<vmem>> -> memref<1x128x32xf32, #tpu.memory_space<vmem>>
      %dma_wait3A_224 = tpu.memref_squeeze %dma_wait3A_223 : memref<1x128x32xf32, #tpu.memory_space<vmem>> -> memref<128x32xf32, #tpu.memory_space<vmem>>
      %dma_wait3A_225 = arith.constant 0 : i32
      %dma_wait3A_226 = tpu.memref_slice %arg5[%add3A_85, %dma_wait3A_225] : memref<100x128xi32, #tpu.memory_space<vmem>> -> memref<1x128xi32, #tpu.memory_space<vmem>>
      %dma_wait3A_227 = tpu.memref_squeeze %dma_wait3A_226 : memref<1x128xi32, #tpu.memory_space<vmem>> -> memref<128xi32, #tpu.memory_space<vmem>>
      %dma_wait3A_228 = arith.constant 0 : i32
      %dma_wait3A_229 = arith.constant 0 : i32
      %dma_wait3A_230 = tpu.memref_slice %arg3[%dma_wait3A_228, %dma_wait3A_229] : memref<1000000x32xf32, #tpu.memory_space<hbm>> -> memref<1000000x32xf32, #tpu.memory_space<hbm>>
      tpu.wait_indirect_dma semaphore(%arg7 : memref<!tpu.dma_semaphore, #tpu.memory_space<semaphore_mem>>) src(%dma_wait3A_230 : memref<1000000x32xf32, #tpu.memory_space<hbm>>) dst(%dma_wait3A_224 : memref<128x32xf32, #tpu.memory_space<vmem>>)
      %dma_wait3A_231 = arith.constant 0 : i32
      %dma_wait3A_232 = arith.constant 512 : i32
      %dma_wait3A_233 = arith.constant 0 : i32
      %dma_wait3A_234 = tpu.memref_slice %arg6[%dma_wait3A_231, %dma_wait3A_232, %dma_wait3A_233] : memref<2x1280x32xf32, #tpu.memory_space<vmem>> -> memref<1x128x32xf32, #tpu.memory_space<vmem>>
      %dma_wait3A_235 = tpu.memref_squeeze %dma_wait3A_234 : memref<1x128x32xf32, #tpu.memory_space<vmem>> -> memref<128x32xf32, #tpu.memory_space<vmem>>
      %dma_wait3A_236 = arith.constant 0 : i32
      %dma_wait3A_237 = tpu.memref_slice %arg5[%add3A_100, %dma_wait3A_236] : memref<100x128xi32, #tpu.memory_space<vmem>> -> memref<1x128xi32, #tpu.memory_space<vmem>>
      %dma_wait3A_238 = tpu.memref_squeeze %dma_wait3A_237 : memref<1x128xi32, #tpu.memory_space<vmem>> -> memref<128xi32, #tpu.memory_space<vmem>>
      %dma_wait3A_239 = arith.constant 0 : i32
      %dma_wait3A_240 = arith.constant 0 : i32
      %dma_wait3A_241 = tpu.memref_slice %arg3[%dma_wait3A_239, %dma_wait3A_240] : memref<1000000x32xf32, #tpu.memory_space<hbm>> -> memref<1000000x32xf32, #tpu.memory_space<hbm>>
      tpu.wait_indirect_dma semaphore(%arg7 : memref<!tpu.dma_semaphore, #tpu.memory_space<semaphore_mem>>) src(%dma_wait3A_241 : memref<1000000x32xf32, #tpu.memory_space<hbm>>) dst(%dma_wait3A_235 : memref<128x32xf32, #tpu.memory_space<vmem>>)
      %dma_wait3A_242 = arith.constant 0 : i32
      %dma_wait3A_243 = arith.constant 640 : i32
      %dma_wait3A_244 = arith.constant 0 : i32
      %dma_wait3A_245 = tpu.memref_slice %arg6[%dma_wait3A_242, %dma_wait3A_243, %dma_wait3A_244] : memref<2x1280x32xf32, #tpu.memory_space<vmem>> -> memref<1x128x32xf32, #tpu.memory_space<vmem>>
      %dma_wait3A_246 = tpu.memref_squeeze %dma_wait3A_245 : memref<1x128x32xf32, #tpu.memory_space<vmem>> -> memref<128x32xf32, #tpu.memory_space<vmem>>
      %dma_wait3A_247 = arith.constant 0 : i32
      %dma_wait3A_248 = tpu.memref_slice %arg5[%add3A_115, %dma_wait3A_247] : memref<100x128xi32, #tpu.memory_space<vmem>> -> memref<1x128xi32, #tpu.memory_space<vmem>>
      %dma_wait3A_249 = tpu.memref_squeeze %dma_wait3A_248 : memref<1x128xi32, #tpu.memory_space<vmem>> -> memref<128xi32, #tpu.memory_space<vmem>>
      %dma_wait3A_250 = arith.constant 0 : i32
      %dma_wait3A_251 = arith.constant 0 : i32
      %dma_wait3A_252 = tpu.memref_slice %arg3[%dma_wait3A_250, %dma_wait3A_251] : memref<1000000x32xf32, #tpu.memory_space<hbm>> -> memref<1000000x32xf32, #tpu.memory_space<hbm>>
      tpu.wait_indirect_dma semaphore(%arg7 : memref<!tpu.dma_semaphore, #tpu.memory_space<semaphore_mem>>) src(%dma_wait3A_252 : memref<1000000x32xf32, #tpu.memory_space<hbm>>) dst(%dma_wait3A_246 : memref<128x32xf32, #tpu.memory_space<vmem>>)
      %dma_wait3A_253 = arith.constant 0 : i32
      %dma_wait3A_254 = arith.constant 768 : i32
      %dma_wait3A_255 = arith.constant 0 : i32
      %dma_wait3A_256 = tpu.memref_slice %arg6[%dma_wait3A_253, %dma_wait3A_254, %dma_wait3A_255] : memref<2x1280x32xf32, #tpu.memory_space<vmem>> -> memref<1x128x32xf32, #tpu.memory_space<vmem>>
      %dma_wait3A_257 = tpu.memref_squeeze %dma_wait3A_256 : memref<1x128x32xf32, #tpu.memory_space<vmem>> -> memref<128x32xf32, #tpu.memory_space<vmem>>
      %dma_wait3A_258 = arith.constant 0 : i32
      %dma_wait3A_259 = tpu.memref_slice %arg5[%add3A_130, %dma_wait3A_258] : memref<100x128xi32, #tpu.memory_space<vmem>> -> memref<1x128xi32, #tpu.memory_space<vmem>>
      %dma_wait3A_260 = tpu.memref_squeeze %dma_wait3A_259 : memref<1x128xi32, #tpu.memory_space<vmem>> -> memref<128xi32, #tpu.memory_space<vmem>>
      %dma_wait3A_261 = arith.constant 0 : i32
      %dma_wait3A_262 = arith.constant 0 : i32
      %dma_wait3A_263 = tpu.memref_slice %arg3[%dma_wait3A_261, %dma_wait3A_262] : memref<1000000x32xf32, #tpu.memory_space<hbm>> -> memref<1000000x32xf32, #tpu.memory_space<hbm>>
      tpu.wait_indirect_dma semaphore(%arg7 : memref<!tpu.dma_semaphore, #tpu.memory_space<semaphore_mem>>) src(%dma_wait3A_263 : memref<1000000x32xf32, #tpu.memory_space<hbm>>) dst(%dma_wait3A_257 : memref<128x32xf32, #tpu.memory_space<vmem>>)
      %dma_wait3A_264 = arith.constant 0 : i32
      %dma_wait3A_265 = arith.constant 896 : i32
      %dma_wait3A_266 = arith.constant 0 : i32
      %dma_wait3A_267 = tpu.memref_slice %arg6[%dma_wait3A_264, %dma_wait3A_265, %dma_wait3A_266] : memref<2x1280x32xf32, #tpu.memory_space<vmem>> -> memref<1x128x32xf32, #tpu.memory_space<vmem>>
      %dma_wait3A_268 = tpu.memref_squeeze %dma_wait3A_267 : memref<1x128x32xf32, #tpu.memory_space<vmem>> -> memref<128x32xf32, #tpu.memory_space<vmem>>
      %dma_wait3A_269 = arith.constant 0 : i32
      %dma_wait3A_270 = tpu.memref_slice %arg5[%add3A_145, %dma_wait3A_269] : memref<100x128xi32, #tpu.memory_space<vmem>> -> memref<1x128xi32, #tpu.memory_space<vmem>>
      %dma_wait3A_271 = tpu.memref_squeeze %dma_wait3A_270 : memref<1x128xi32, #tpu.memory_space<vmem>> -> memref<128xi32, #tpu.memory_space<vmem>>
      %dma_wait3A_272 = arith.constant 0 : i32
      %dma_wait3A_273 = arith.constant 0 : i32
      %dma_wait3A_274 = tpu.memref_slice %arg3[%dma_wait3A_272, %dma_wait3A_273] : memref<1000000x32xf32, #tpu.memory_space<hbm>> -> memref<1000000x32xf32, #tpu.memory_space<hbm>>
      tpu.wait_indirect_dma semaphore(%arg7 : memref<!tpu.dma_semaphore, #tpu.memory_space<semaphore_mem>>) src(%dma_wait3A_274 : memref<1000000x32xf32, #tpu.memory_space<hbm>>) dst(%dma_wait3A_268 : memref<128x32xf32, #tpu.memory_space<vmem>>)
      %dma_wait3A_275 = arith.constant 0 : i32
      %dma_wait3A_276 = arith.constant 1024 : i32
      %dma_wait3A_277 = arith.constant 0 : i32
      %dma_wait3A_278 = tpu.memref_slice %arg6[%dma_wait3A_275, %dma_wait3A_276, %dma_wait3A_277] : memref<2x1280x32xf32, #tpu.memory_space<vmem>> -> memref<1x128x32xf32, #tpu.memory_space<vmem>>
      %dma_wait3A_279 = tpu.memref_squeeze %dma_wait3A_278 : memref<1x128x32xf32, #tpu.memory_space<vmem>> -> memref<128x32xf32, #tpu.memory_space<vmem>>
      %dma_wait3A_280 = arith.constant 0 : i32
      %dma_wait3A_281 = tpu.memref_slice %arg5[%add3A_160, %dma_wait3A_280] : memref<100x128xi32, #tpu.memory_space<vmem>> -> memref<1x128xi32, #tpu.memory_space<vmem>>
      %dma_wait3A_282 = tpu.memref_squeeze %dma_wait3A_281 : memref<1x128xi32, #tpu.memory_space<vmem>> -> memref<128xi32, #tpu.memory_space<vmem>>
      %dma_wait3A_283 = arith.constant 0 : i32
      %dma_wait3A_284 = arith.constant 0 : i32
      %dma_wait3A_285 = tpu.memref_slice %arg3[%dma_wait3A_283, %dma_wait3A_284] : memref<1000000x32xf32, #tpu.memory_space<hbm>> -> memref<1000000x32xf32, #tpu.memory_space<hbm>>
      tpu.wait_indirect_dma semaphore(%arg7 : memref<!tpu.dma_semaphore, #tpu.memory_space<semaphore_mem>>) src(%dma_wait3A_285 : memref<1000000x32xf32, #tpu.memory_space<hbm>>) dst(%dma_wait3A_279 : memref<128x32xf32, #tpu.memory_space<vmem>>)
      %dma_wait3A_286 = arith.constant 0 : i32
      %dma_wait3A_287 = arith.constant 1152 : i32
      %dma_wait3A_288 = arith.constant 0 : i32
      %dma_wait3A_289 = tpu.memref_slice %arg6[%dma_wait3A_286, %dma_wait3A_287, %dma_wait3A_288] : memref<2x1280x32xf32, #tpu.memory_space<vmem>> -> memref<1x128x32xf32, #tpu.memory_space<vmem>>
      %dma_wait3A_290 = tpu.memref_squeeze %dma_wait3A_289 : memref<1x128x32xf32, #tpu.memory_space<vmem>> -> memref<128x32xf32, #tpu.memory_space<vmem>>
      %dma_wait3A_291 = arith.constant 0 : i32
      %dma_wait3A_292 = tpu.memref_slice %arg5[%add3A_175, %dma_wait3A_291] : memref<100x128xi32, #tpu.memory_space<vmem>> -> memref<1x128xi32, #tpu.memory_space<vmem>>
      %dma_wait3A_293 = tpu.memref_squeeze %dma_wait3A_292 : memref<1x128xi32, #tpu.memory_space<vmem>> -> memref<128xi32, #tpu.memory_space<vmem>>
      %dma_wait3A_294 = arith.constant 0 : i32
      %dma_wait3A_295 = arith.constant 0 : i32
      %dma_wait3A_296 = tpu.memref_slice %arg3[%dma_wait3A_294, %dma_wait3A_295] : memref<1000000x32xf32, #tpu.memory_space<hbm>> -> memref<1000000x32xf32, #tpu.memory_space<hbm>>
      tpu.wait_indirect_dma semaphore(%arg7 : memref<!tpu.dma_semaphore, #tpu.memory_space<semaphore_mem>>) src(%dma_wait3A_296 : memref<1000000x32xf32, #tpu.memory_space<hbm>>) dst(%dma_wait3A_290 : memref<128x32xf32, #tpu.memory_space<vmem>>)
      %mul3A_297 = arith.constant 1280 : i32
      %mul3A_298 = arith.muli %mul3A_35, %mul3A_297 : i32
      %add3A_299 = arith.addi %mul3A_2, %mul3A_298 : i32
      %dma_start3A_300 = arith.constant 0 : i32
      %dma_start3A_301 = arith.constant 0 : i32
      %dma_start3A_302 = arith.constant 0 : i32
      %dma_start3A_303 = tpu.memref_slice %arg6[%dma_start3A_300, %dma_start3A_301, %dma_start3A_302] : memref<2x1280x32xf32, #tpu.memory_space<vmem>> -> memref<1x1280x32xf32, #tpu.memory_space<vmem>>
      %dma_start3A_304 = tpu.memref_squeeze %dma_start3A_303 : memref<1x1280x32xf32, #tpu.memory_space<vmem>> -> memref<1280x32xf32, #tpu.memory_space<vmem>>
      %dma_start3A_305 = arith.constant 0 : i32
      %dma_start3A_306 = tpu.memref_slice %arg4[%add3A_299, %dma_start3A_305] : memref<409600x32xf32, #tpu.memory_space<hbm>> -> memref<1280x32xf32, #tpu.memory_space<hbm>>
      %dma_start3A_307 = arith.constant 0 : i32
      %dma_start3A_308 = tpu.memref_slice %arg4[%add3A_299, %dma_start3A_307] : memref<409600x32xf32, #tpu.memory_space<hbm>> -> memref<1280x32xf32, #tpu.memory_space<hbm>>
      %dma_start3A_309 = arith.constant 0 : i32
      %dma_start3A_310 = arith.constant 0 : i32
      %dma_start3A_311 = tpu.memref_slice %arg6[%dma_start3A_300, %dma_start3A_309, %dma_start3A_310] : memref<2x1280x32xf32, #tpu.memory_space<vmem>> -> memref<1x1280x32xf32, #tpu.memory_space<vmem>>
      %dma_start3A_312 = tpu.memref_squeeze %dma_start3A_311 : memref<1x1280x32xf32, #tpu.memory_space<vmem>> -> memref<1280x32xf32, #tpu.memory_space<vmem>>
      tpu.enqueue_dma source(%dma_start3A_312 : memref<1280x32xf32, #tpu.memory_space<vmem>>) target(%dma_start3A_308 : memref<1280x32xf32, #tpu.memory_space<hbm>>) target_semaphore(%arg8 : memref<!tpu.dma_semaphore, #tpu.memory_space<semaphore_mem>>)
      %mul3A_313 = arith.constant 2 : i32
      %mul3A_314 = arith.muli %scan3A_33, %mul3A_313 : i32
      %add3A_315 = arith.constant 1 : i32
      %add3A_316 = arith.addi %mul3A_314, %add3A_315 : i32
      %ge3A_317 = arith.constant 2 : i32
      %ge3A_318 = arith.cmpi sge, %add3A_316, %ge3A_317 : i32
      %convert_element_type3A_319 = arith.extui %ge3A_318 : i1 to i32
      %cond3A_320 = arith.constant 0 : i32
      %cond3A_321 = arith.cmpi ne, %convert_element_type3A_319, %cond3A_320 : i32
      scf.if %cond3A_321 {
        %dma_wait3A_598 = arith.constant 1 : i32
        %dma_wait3A_599 = arith.constant 0 : i32
        %dma_wait3A_600 = arith.constant 0 : i32
        %dma_wait3A_601 = tpu.memref_slice %arg6[%dma_wait3A_598, %dma_wait3A_599, %dma_wait3A_600] : memref<2x1280x32xf32, #tpu.memory_space<vmem>> -> memref<1x1280x32xf32, #tpu.memory_space<vmem>>
        %dma_wait3A_602 = tpu.memref_squeeze %dma_wait3A_601 : memref<1x1280x32xf32, #tpu.memory_space<vmem>> -> memref<1280x32xf32, #tpu.memory_space<vmem>>
        %dma_wait3A_603 = arith.constant 0 : i32
        %dma_wait3A_604 = tpu.memref_slice %arg4[%mul3A_2, %dma_wait3A_603] : memref<409600x32xf32, #tpu.memory_space<hbm>> -> memref<1280x32xf32, #tpu.memory_space<hbm>>
        %dma_wait3A_605 = arith.constant 0 : i32
        %dma_wait3A_606 = tpu.memref_slice %arg4[%mul3A_2, %dma_wait3A_605] : memref<409600x32xf32, #tpu.memory_space<hbm>> -> memref<1280x32xf32, #tpu.memory_space<hbm>>
        %dma_wait3A_607 = arith.constant 0 : i32
        %dma_wait3A_608 = arith.constant 0 : i32
        %dma_wait3A_609 = tpu.memref_slice %arg6[%dma_wait3A_598, %dma_wait3A_607, %dma_wait3A_608] : memref<2x1280x32xf32, #tpu.memory_space<vmem>> -> memref<1x1280x32xf32, #tpu.memory_space<vmem>>
        %dma_wait3A_610 = tpu.memref_squeeze %dma_wait3A_609 : memref<1x1280x32xf32, #tpu.memory_space<vmem>> -> memref<1280x32xf32, #tpu.memory_space<vmem>>
        tpu.wait_dma2 semaphore(%arg8 : memref<!tpu.dma_semaphore, #tpu.memory_space<semaphore_mem>>) src(%dma_wait3A_610 : memref<1280x32xf32, #tpu.memory_space<vmem>>) dst(%dma_wait3A_606 : memref<1280x32xf32, #tpu.memory_space<hbm>>)
      } else {
      }
      %mul3A_322 = arith.constant 10 : i32
      %mul3A_323 = arith.muli %add3A_316, %mul3A_322 : i32
      %add3A_324 = arith.constant 0 : i32
      %add3A_325 = arith.addi %mul3A_323, %add3A_324 : i32
      %dma_start3A_326 = arith.constant 1 : i32
      %dma_start3A_327 = arith.constant 0 : i32
      %dma_start3A_328 = arith.constant 0 : i32
      %dma_start3A_329 = tpu.memref_slice %arg6[%dma_start3A_326, %dma_start3A_327, %dma_start3A_328] : memref<2x1280x32xf32, #tpu.memory_space<vmem>> -> memref<1x128x32xf32, #tpu.memory_space<vmem>>
      %dma_start3A_330 = tpu.memref_squeeze %dma_start3A_329 : memref<1x128x32xf32, #tpu.memory_space<vmem>> -> memref<128x32xf32, #tpu.memory_space<vmem>>
      %dma_start3A_331 = arith.constant 0 : i32
      %dma_start3A_332 = tpu.memref_slice %arg5[%add3A_325, %dma_start3A_331] : memref<100x128xi32, #tpu.memory_space<vmem>> -> memref<1x128xi32, #tpu.memory_space<vmem>>
      %dma_start3A_333 = tpu.memref_squeeze %dma_start3A_332 : memref<1x128xi32, #tpu.memory_space<vmem>> -> memref<128xi32, #tpu.memory_space<vmem>>
      %dma_start3A_334 = arith.constant 0 : i32
      %dma_start3A_335 = arith.constant 0 : i32
      %dma_start3A_336 = tpu.memref_slice %arg3[%dma_start3A_334, %dma_start3A_335] : memref<1000000x32xf32, #tpu.memory_space<hbm>> -> memref<1000000x32xf32, #tpu.memory_space<hbm>>
      tpu.enqueue_indirect_dma source(%dma_start3A_336 : memref<1000000x32xf32, #tpu.memory_space<hbm>>) target(%dma_start3A_330 : memref<128x32xf32, #tpu.memory_space<vmem>>) offsets(%dma_start3A_333 : memref<128xi32, #tpu.memory_space<vmem>>) semaphore(%arg7 : memref<!tpu.dma_semaphore, #tpu.memory_space<semaphore_mem>>)
      %mul3A_337 = arith.constant 10 : i32
      %mul3A_338 = arith.muli %add3A_316, %mul3A_337 : i32
      %add3A_339 = arith.constant 1 : i32
      %add3A_340 = arith.addi %mul3A_338, %add3A_339 : i32
      %dma_start3A_341 = arith.constant 1 : i32
      %dma_start3A_342 = arith.constant 128 : i32
      %dma_start3A_343 = arith.constant 0 : i32
      %dma_start3A_344 = tpu.memref_slice %arg6[%dma_start3A_341, %dma_start3A_342, %dma_start3A_343] : memref<2x1280x32xf32, #tpu.memory_space<vmem>> -> memref<1x128x32xf32, #tpu.memory_space<vmem>>
      %dma_start3A_345 = tpu.memref_squeeze %dma_start3A_344 : memref<1x128x32xf32, #tpu.memory_space<vmem>> -> memref<128x32xf32, #tpu.memory_space<vmem>>
      %dma_start3A_346 = arith.constant 0 : i32
      %dma_start3A_347 = tpu.memref_slice %arg5[%add3A_340, %dma_start3A_346] : memref<100x128xi32, #tpu.memory_space<vmem>> -> memref<1x128xi32, #tpu.memory_space<vmem>>
      %dma_start3A_348 = tpu.memref_squeeze %dma_start3A_347 : memref<1x128xi32, #tpu.memory_space<vmem>> -> memref<128xi32, #tpu.memory_space<vmem>>
      %dma_start3A_349 = arith.constant 0 : i32
      %dma_start3A_350 = arith.constant 0 : i32
      %dma_start3A_351 = tpu.memref_slice %arg3[%dma_start3A_349, %dma_start3A_350] : memref<1000000x32xf32, #tpu.memory_space<hbm>> -> memref<1000000x32xf32, #tpu.memory_space<hbm>>
      tpu.enqueue_indirect_dma source(%dma_start3A_351 : memref<1000000x32xf32, #tpu.memory_space<hbm>>) target(%dma_start3A_345 : memref<128x32xf32, #tpu.memory_space<vmem>>) offsets(%dma_start3A_348 : memref<128xi32, #tpu.memory_space<vmem>>) semaphore(%arg7 : memref<!tpu.dma_semaphore, #tpu.memory_space<semaphore_mem>>)
      %mul3A_352 = arith.constant 10 : i32
      %mul3A_353 = arith.muli %add3A_316, %mul3A_352 : i32
      %add3A_354 = arith.constant 2 : i32
      %add3A_355 = arith.addi %mul3A_353, %add3A_354 : i32
      %dma_start3A_356 = arith.constant 1 : i32
      %dma_start3A_357 = arith.constant 256 : i32
      %dma_start3A_358 = arith.constant 0 : i32
      %dma_start3A_359 = tpu.memref_slice %arg6[%dma_start3A_356, %dma_start3A_357, %dma_start3A_358] : memref<2x1280x32xf32, #tpu.memory_space<vmem>> -> memref<1x128x32xf32, #tpu.memory_space<vmem>>
      %dma_start3A_360 = tpu.memref_squeeze %dma_start3A_359 : memref<1x128x32xf32, #tpu.memory_space<vmem>> -> memref<128x32xf32, #tpu.memory_space<vmem>>
      %dma_start3A_361 = arith.constant 0 : i32
      %dma_start3A_362 = tpu.memref_slice %arg5[%add3A_355, %dma_start3A_361] : memref<100x128xi32, #tpu.memory_space<vmem>> -> memref<1x128xi32, #tpu.memory_space<vmem>>
      %dma_start3A_363 = tpu.memref_squeeze %dma_start3A_362 : memref<1x128xi32, #tpu.memory_space<vmem>> -> memref<128xi32, #tpu.memory_space<vmem>>
      %dma_start3A_364 = arith.constant 0 : i32
      %dma_start3A_365 = arith.constant 0 : i32
      %dma_start3A_366 = tpu.memref_slice %arg3[%dma_start3A_364, %dma_start3A_365] : memref<1000000x32xf32, #tpu.memory_space<hbm>> -> memref<1000000x32xf32, #tpu.memory_space<hbm>>
      tpu.enqueue_indirect_dma source(%dma_start3A_366 : memref<1000000x32xf32, #tpu.memory_space<hbm>>) target(%dma_start3A_360 : memref<128x32xf32, #tpu.memory_space<vmem>>) offsets(%dma_start3A_363 : memref<128xi32, #tpu.memory_space<vmem>>) semaphore(%arg7 : memref<!tpu.dma_semaphore, #tpu.memory_space<semaphore_mem>>)
      %mul3A_367 = arith.constant 10 : i32
      %mul3A_368 = arith.muli %add3A_316, %mul3A_367 : i32
      %add3A_369 = arith.constant 3 : i32
      %add3A_370 = arith.addi %mul3A_368, %add3A_369 : i32
      %dma_start3A_371 = arith.constant 1 : i32
      %dma_start3A_372 = arith.constant 384 : i32
      %dma_start3A_373 = arith.constant 0 : i32
      %dma_start3A_374 = tpu.memref_slice %arg6[%dma_start3A_371, %dma_start3A_372, %dma_start3A_373] : memref<2x1280x32xf32, #tpu.memory_space<vmem>> -> memref<1x128x32xf32, #tpu.memory_space<vmem>>
      %dma_start3A_375 = tpu.memref_squeeze %dma_start3A_374 : memref<1x128x32xf32, #tpu.memory_space<vmem>> -> memref<128x32xf32, #tpu.memory_space<vmem>>
      %dma_start3A_376 = arith.constant 0 : i32
      %dma_start3A_377 = tpu.memref_slice %arg5[%add3A_370, %dma_start3A_376] : memref<100x128xi32, #tpu.memory_space<vmem>> -> memref<1x128xi32, #tpu.memory_space<vmem>>
      %dma_start3A_378 = tpu.memref_squeeze %dma_start3A_377 : memref<1x128xi32, #tpu.memory_space<vmem>> -> memref<128xi32, #tpu.memory_space<vmem>>
      %dma_start3A_379 = arith.constant 0 : i32
      %dma_start3A_380 = arith.constant 0 : i32
      %dma_start3A_381 = tpu.memref_slice %arg3[%dma_start3A_379, %dma_start3A_380] : memref<1000000x32xf32, #tpu.memory_space<hbm>> -> memref<1000000x32xf32, #tpu.memory_space<hbm>>
      tpu.enqueue_indirect_dma source(%dma_start3A_381 : memref<1000000x32xf32, #tpu.memory_space<hbm>>) target(%dma_start3A_375 : memref<128x32xf32, #tpu.memory_space<vmem>>) offsets(%dma_start3A_378 : memref<128xi32, #tpu.memory_space<vmem>>) semaphore(%arg7 : memref<!tpu.dma_semaphore, #tpu.memory_space<semaphore_mem>>)
      %mul3A_382 = arith.constant 10 : i32
      %mul3A_383 = arith.muli %add3A_316, %mul3A_382 : i32
      %add3A_384 = arith.constant 4 : i32
      %add3A_385 = arith.addi %mul3A_383, %add3A_384 : i32
      %dma_start3A_386 = arith.constant 1 : i32
      %dma_start3A_387 = arith.constant 512 : i32
      %dma_start3A_388 = arith.constant 0 : i32
      %dma_start3A_389 = tpu.memref_slice %arg6[%dma_start3A_386, %dma_start3A_387, %dma_start3A_388] : memref<2x1280x32xf32, #tpu.memory_space<vmem>> -> memref<1x128x32xf32, #tpu.memory_space<vmem>>
      %dma_start3A_390 = tpu.memref_squeeze %dma_start3A_389 : memref<1x128x32xf32, #tpu.memory_space<vmem>> -> memref<128x32xf32, #tpu.memory_space<vmem>>
      %dma_start3A_391 = arith.constant 0 : i32
      %dma_start3A_392 = tpu.memref_slice %arg5[%add3A_385, %dma_start3A_391] : memref<100x128xi32, #tpu.memory_space<vmem>> -> memref<1x128xi32, #tpu.memory_space<vmem>>
      %dma_start3A_393 = tpu.memref_squeeze %dma_start3A_392 : memref<1x128xi32, #tpu.memory_space<vmem>> -> memref<128xi32, #tpu.memory_space<vmem>>
      %dma_start3A_394 = arith.constant 0 : i32
      %dma_start3A_395 = arith.constant 0 : i32
      %dma_start3A_396 = tpu.memref_slice %arg3[%dma_start3A_394, %dma_start3A_395] : memref<1000000x32xf32, #tpu.memory_space<hbm>> -> memref<1000000x32xf32, #tpu.memory_space<hbm>>
      tpu.enqueue_indirect_dma source(%dma_start3A_396 : memref<1000000x32xf32, #tpu.memory_space<hbm>>) target(%dma_start3A_390 : memref<128x32xf32, #tpu.memory_space<vmem>>) offsets(%dma_start3A_393 : memref<128xi32, #tpu.memory_space<vmem>>) semaphore(%arg7 : memref<!tpu.dma_semaphore, #tpu.memory_space<semaphore_mem>>)
      %mul3A_397 = arith.constant 10 : i32
      %mul3A_398 = arith.muli %add3A_316, %mul3A_397 : i32
      %add3A_399 = arith.constant 5 : i32
      %add3A_400 = arith.addi %mul3A_398, %add3A_399 : i32
      %dma_start3A_401 = arith.constant 1 : i32
      %dma_start3A_402 = arith.constant 640 : i32
      %dma_start3A_403 = arith.constant 0 : i32
      %dma_start3A_404 = tpu.memref_slice %arg6[%dma_start3A_401, %dma_start3A_402, %dma_start3A_403] : memref<2x1280x32xf32, #tpu.memory_space<vmem>> -> memref<1x128x32xf32, #tpu.memory_space<vmem>>
      %dma_start3A_405 = tpu.memref_squeeze %dma_start3A_404 : memref<1x128x32xf32, #tpu.memory_space<vmem>> -> memref<128x32xf32, #tpu.memory_space<vmem>>
      %dma_start3A_406 = arith.constant 0 : i32
      %dma_start3A_407 = tpu.memref_slice %arg5[%add3A_400, %dma_start3A_406] : memref<100x128xi32, #tpu.memory_space<vmem>> -> memref<1x128xi32, #tpu.memory_space<vmem>>
      %dma_start3A_408 = tpu.memref_squeeze %dma_start3A_407 : memref<1x128xi32, #tpu.memory_space<vmem>> -> memref<128xi32, #tpu.memory_space<vmem>>
      %dma_start3A_409 = arith.constant 0 : i32
      %dma_start3A_410 = arith.constant 0 : i32
      %dma_start3A_411 = tpu.memref_slice %arg3[%dma_start3A_409, %dma_start3A_410] : memref<1000000x32xf32, #tpu.memory_space<hbm>> -> memref<1000000x32xf32, #tpu.memory_space<hbm>>
      tpu.enqueue_indirect_dma source(%dma_start3A_411 : memref<1000000x32xf32, #tpu.memory_space<hbm>>) target(%dma_start3A_405 : memref<128x32xf32, #tpu.memory_space<vmem>>) offsets(%dma_start3A_408 : memref<128xi32, #tpu.memory_space<vmem>>) semaphore(%arg7 : memref<!tpu.dma_semaphore, #tpu.memory_space<semaphore_mem>>)
      %mul3A_412 = arith.constant 10 : i32
      %mul3A_413 = arith.muli %add3A_316, %mul3A_412 : i32
      %add3A_414 = arith.constant 6 : i32
      %add3A_415 = arith.addi %mul3A_413, %add3A_414 : i32
      %dma_start3A_416 = arith.constant 1 : i32
      %dma_start3A_417 = arith.constant 768 : i32
      %dma_start3A_418 = arith.constant 0 : i32
      %dma_start3A_419 = tpu.memref_slice %arg6[%dma_start3A_416, %dma_start3A_417, %dma_start3A_418] : memref<2x1280x32xf32, #tpu.memory_space<vmem>> -> memref<1x128x32xf32, #tpu.memory_space<vmem>>
      %dma_start3A_420 = tpu.memref_squeeze %dma_start3A_419 : memref<1x128x32xf32, #tpu.memory_space<vmem>> -> memref<128x32xf32, #tpu.memory_space<vmem>>
      %dma_start3A_421 = arith.constant 0 : i32
      %dma_start3A_422 = tpu.memref_slice %arg5[%add3A_415, %dma_start3A_421] : memref<100x128xi32, #tpu.memory_space<vmem>> -> memref<1x128xi32, #tpu.memory_space<vmem>>
      %dma_start3A_423 = tpu.memref_squeeze %dma_start3A_422 : memref<1x128xi32, #tpu.memory_space<vmem>> -> memref<128xi32, #tpu.memory_space<vmem>>
      %dma_start3A_424 = arith.constant 0 : i32
      %dma_start3A_425 = arith.constant 0 : i32
      %dma_start3A_426 = tpu.memref_slice %arg3[%dma_start3A_424, %dma_start3A_425] : memref<1000000x32xf32, #tpu.memory_space<hbm>> -> memref<1000000x32xf32, #tpu.memory_space<hbm>>
      tpu.enqueue_indirect_dma source(%dma_start3A_426 : memref<1000000x32xf32, #tpu.memory_space<hbm>>) target(%dma_start3A_420 : memref<128x32xf32, #tpu.memory_space<vmem>>) offsets(%dma_start3A_423 : memref<128xi32, #tpu.memory_space<vmem>>) semaphore(%arg7 : memref<!tpu.dma_semaphore, #tpu.memory_space<semaphore_mem>>)
      %mul3A_427 = arith.constant 10 : i32
      %mul3A_428 = arith.muli %add3A_316, %mul3A_427 : i32
      %add3A_429 = arith.constant 7 : i32
      %add3A_430 = arith.addi %mul3A_428, %add3A_429 : i32
      %dma_start3A_431 = arith.constant 1 : i32
      %dma_start3A_432 = arith.constant 896 : i32
      %dma_start3A_433 = arith.constant 0 : i32
      %dma_start3A_434 = tpu.memref_slice %arg6[%dma_start3A_431, %dma_start3A_432, %dma_start3A_433] : memref<2x1280x32xf32, #tpu.memory_space<vmem>> -> memref<1x128x32xf32, #tpu.memory_space<vmem>>
      %dma_start3A_435 = tpu.memref_squeeze %dma_start3A_434 : memref<1x128x32xf32, #tpu.memory_space<vmem>> -> memref<128x32xf32, #tpu.memory_space<vmem>>
      %dma_start3A_436 = arith.constant 0 : i32
      %dma_start3A_437 = tpu.memref_slice %arg5[%add3A_430, %dma_start3A_436] : memref<100x128xi32, #tpu.memory_space<vmem>> -> memref<1x128xi32, #tpu.memory_space<vmem>>
      %dma_start3A_438 = tpu.memref_squeeze %dma_start3A_437 : memref<1x128xi32, #tpu.memory_space<vmem>> -> memref<128xi32, #tpu.memory_space<vmem>>
      %dma_start3A_439 = arith.constant 0 : i32
      %dma_start3A_440 = arith.constant 0 : i32
      %dma_start3A_441 = tpu.memref_slice %arg3[%dma_start3A_439, %dma_start3A_440] : memref<1000000x32xf32, #tpu.memory_space<hbm>> -> memref<1000000x32xf32, #tpu.memory_space<hbm>>
      tpu.enqueue_indirect_dma source(%dma_start3A_441 : memref<1000000x32xf32, #tpu.memory_space<hbm>>) target(%dma_start3A_435 : memref<128x32xf32, #tpu.memory_space<vmem>>) offsets(%dma_start3A_438 : memref<128xi32, #tpu.memory_space<vmem>>) semaphore(%arg7 : memref<!tpu.dma_semaphore, #tpu.memory_space<semaphore_mem>>)
      %mul3A_442 = arith.constant 10 : i32
      %mul3A_443 = arith.muli %add3A_316, %mul3A_442 : i32
      %add3A_444 = arith.constant 8 : i32
      %add3A_445 = arith.addi %mul3A_443, %add3A_444 : i32
      %dma_start3A_446 = arith.constant 1 : i32
      %dma_start3A_447 = arith.constant 1024 : i32
      %dma_start3A_448 = arith.constant 0 : i32
      %dma_start3A_449 = tpu.memref_slice %arg6[%dma_start3A_446, %dma_start3A_447, %dma_start3A_448] : memref<2x1280x32xf32, #tpu.memory_space<vmem>> -> memref<1x128x32xf32, #tpu.memory_space<vmem>>
      %dma_start3A_450 = tpu.memref_squeeze %dma_start3A_449 : memref<1x128x32xf32, #tpu.memory_space<vmem>> -> memref<128x32xf32, #tpu.memory_space<vmem>>
      %dma_start3A_451 = arith.constant 0 : i32
      %dma_start3A_452 = tpu.memref_slice %arg5[%add3A_445, %dma_start3A_451] : memref<100x128xi32, #tpu.memory_space<vmem>> -> memref<1x128xi32, #tpu.memory_space<vmem>>
      %dma_start3A_453 = tpu.memref_squeeze %dma_start3A_452 : memref<1x128xi32, #tpu.memory_space<vmem>> -> memref<128xi32, #tpu.memory_space<vmem>>
      %dma_start3A_454 = arith.constant 0 : i32
      %dma_start3A_455 = arith.constant 0 : i32
      %dma_start3A_456 = tpu.memref_slice %arg3[%dma_start3A_454, %dma_start3A_455] : memref<1000000x32xf32, #tpu.memory_space<hbm>> -> memref<1000000x32xf32, #tpu.memory_space<hbm>>
      tpu.enqueue_indirect_dma source(%dma_start3A_456 : memref<1000000x32xf32, #tpu.memory_space<hbm>>) target(%dma_start3A_450 : memref<128x32xf32, #tpu.memory_space<vmem>>) offsets(%dma_start3A_453 : memref<128xi32, #tpu.memory_space<vmem>>) semaphore(%arg7 : memref<!tpu.dma_semaphore, #tpu.memory_space<semaphore_mem>>)
      %mul3A_457 = arith.constant 10 : i32
      %mul3A_458 = arith.muli %add3A_316, %mul3A_457 : i32
      %add3A_459 = arith.constant 9 : i32
      %add3A_460 = arith.addi %mul3A_458, %add3A_459 : i32
      %dma_start3A_461 = arith.constant 1 : i32
      %dma_start3A_462 = arith.constant 1152 : i32
      %dma_start3A_463 = arith.constant 0 : i32
      %dma_start3A_464 = tpu.memref_slice %arg6[%dma_start3A_461, %dma_start3A_462, %dma_start3A_463] : memref<2x1280x32xf32, #tpu.memory_space<vmem>> -> memref<1x128x32xf32, #tpu.memory_space<vmem>>
      %dma_start3A_465 = tpu.memref_squeeze %dma_start3A_464 : memref<1x128x32xf32, #tpu.memory_space<vmem>> -> memref<128x32xf32, #tpu.memory_space<vmem>>
      %dma_start3A_466 = arith.constant 0 : i32
      %dma_start3A_467 = tpu.memref_slice %arg5[%add3A_460, %dma_start3A_466] : memref<100x128xi32, #tpu.memory_space<vmem>> -> memref<1x128xi32, #tpu.memory_space<vmem>>
      %dma_start3A_468 = tpu.memref_squeeze %dma_start3A_467 : memref<1x128xi32, #tpu.memory_space<vmem>> -> memref<128xi32, #tpu.memory_space<vmem>>
      %dma_start3A_469 = arith.constant 0 : i32
      %dma_start3A_470 = arith.constant 0 : i32
      %dma_start3A_471 = tpu.memref_slice %arg3[%dma_start3A_469, %dma_start3A_470] : memref<1000000x32xf32, #tpu.memory_space<hbm>> -> memref<1000000x32xf32, #tpu.memory_space<hbm>>
      tpu.enqueue_indirect_dma source(%dma_start3A_471 : memref<1000000x32xf32, #tpu.memory_space<hbm>>) target(%dma_start3A_465 : memref<128x32xf32, #tpu.memory_space<vmem>>) offsets(%dma_start3A_468 : memref<128xi32, #tpu.memory_space<vmem>>) semaphore(%arg7 : memref<!tpu.dma_semaphore, #tpu.memory_space<semaphore_mem>>)
      %dma_wait3A_472 = arith.constant 1 : i32
      %dma_wait3A_473 = arith.constant 0 : i32
      %dma_wait3A_474 = arith.constant 0 : i32
      %dma_wait3A_475 = tpu.memref_slice %arg6[%dma_wait3A_472, %dma_wait3A_473, %dma_wait3A_474] : memref<2x1280x32xf32, #tpu.memory_space<vmem>> -> memref<1x128x32xf32, #tpu.memory_space<vmem>>
      %dma_wait3A_476 = tpu.memref_squeeze %dma_wait3A_475 : memref<1x128x32xf32, #tpu.memory_space<vmem>> -> memref<128x32xf32, #tpu.memory_space<vmem>>
      %dma_wait3A_477 = arith.constant 0 : i32
      %dma_wait3A_478 = tpu.memref_slice %arg5[%add3A_325, %dma_wait3A_477] : memref<100x128xi32, #tpu.memory_space<vmem>> -> memref<1x128xi32, #tpu.memory_space<vmem>>
      %dma_wait3A_479 = tpu.memref_squeeze %dma_wait3A_478 : memref<1x128xi32, #tpu.memory_space<vmem>> -> memref<128xi32, #tpu.memory_space<vmem>>
      %dma_wait3A_480 = arith.constant 0 : i32
      %dma_wait3A_481 = arith.constant 0 : i32
      %dma_wait3A_482 = tpu.memref_slice %arg3[%dma_wait3A_480, %dma_wait3A_481] : memref<1000000x32xf32, #tpu.memory_space<hbm>> -> memref<1000000x32xf32, #tpu.memory_space<hbm>>
      tpu.wait_indirect_dma semaphore(%arg7 : memref<!tpu.dma_semaphore, #tpu.memory_space<semaphore_mem>>) src(%dma_wait3A_482 : memref<1000000x32xf32, #tpu.memory_space<hbm>>) dst(%dma_wait3A_476 : memref<128x32xf32, #tpu.memory_space<vmem>>)
      %dma_wait3A_483 = arith.constant 1 : i32
      %dma_wait3A_484 = arith.constant 128 : i32
      %dma_wait3A_485 = arith.constant 0 : i32
      %dma_wait3A_486 = tpu.memref_slice %arg6[%dma_wait3A_483, %dma_wait3A_484, %dma_wait3A_485] : memref<2x1280x32xf32, #tpu.memory_space<vmem>> -> memref<1x128x32xf32, #tpu.memory_space<vmem>>
      %dma_wait3A_487 = tpu.memref_squeeze %dma_wait3A_486 : memref<1x128x32xf32, #tpu.memory_space<vmem>> -> memref<128x32xf32, #tpu.memory_space<vmem>>
      %dma_wait3A_488 = arith.constant 0 : i32
      %dma_wait3A_489 = tpu.memref_slice %arg5[%add3A_340, %dma_wait3A_488] : memref<100x128xi32, #tpu.memory_space<vmem>> -> memref<1x128xi32, #tpu.memory_space<vmem>>
      %dma_wait3A_490 = tpu.memref_squeeze %dma_wait3A_489 : memref<1x128xi32, #tpu.memory_space<vmem>> -> memref<128xi32, #tpu.memory_space<vmem>>
      %dma_wait3A_491 = arith.constant 0 : i32
      %dma_wait3A_492 = arith.constant 0 : i32
      %dma_wait3A_493 = tpu.memref_slice %arg3[%dma_wait3A_491, %dma_wait3A_492] : memref<1000000x32xf32, #tpu.memory_space<hbm>> -> memref<1000000x32xf32, #tpu.memory_space<hbm>>
      tpu.wait_indirect_dma semaphore(%arg7 : memref<!tpu.dma_semaphore, #tpu.memory_space<semaphore_mem>>) src(%dma_wait3A_493 : memref<1000000x32xf32, #tpu.memory_space<hbm>>) dst(%dma_wait3A_487 : memref<128x32xf32, #tpu.memory_space<vmem>>)
      %dma_wait3A_494 = arith.constant 1 : i32
      %dma_wait3A_495 = arith.constant 256 : i32
      %dma_wait3A_496 = arith.constant 0 : i32
      %dma_wait3A_497 = tpu.memref_slice %arg6[%dma_wait3A_494, %dma_wait3A_495, %dma_wait3A_496] : memref<2x1280x32xf32, #tpu.memory_space<vmem>> -> memref<1x128x32xf32, #tpu.memory_space<vmem>>
      %dma_wait3A_498 = tpu.memref_squeeze %dma_wait3A_497 : memref<1x128x32xf32, #tpu.memory_space<vmem>> -> memref<128x32xf32, #tpu.memory_space<vmem>>
      %dma_wait3A_499 = arith.constant 0 : i32
      %dma_wait3A_500 = tpu.memref_slice %arg5[%add3A_355, %dma_wait3A_499] : memref<100x128xi32, #tpu.memory_space<vmem>> -> memref<1x128xi32, #tpu.memory_space<vmem>>
      %dma_wait3A_501 = tpu.memref_squeeze %dma_wait3A_500 : memref<1x128xi32, #tpu.memory_space<vmem>> -> memref<128xi32, #tpu.memory_space<vmem>>
      %dma_wait3A_502 = arith.constant 0 : i32
      %dma_wait3A_503 = arith.constant 0 : i32
      %dma_wait3A_504 = tpu.memref_slice %arg3[%dma_wait3A_502, %dma_wait3A_503] : memref<1000000x32xf32, #tpu.memory_space<hbm>> -> memref<1000000x32xf32, #tpu.memory_space<hbm>>
      tpu.wait_indirect_dma semaphore(%arg7 : memref<!tpu.dma_semaphore, #tpu.memory_space<semaphore_mem>>) src(%dma_wait3A_504 : memref<1000000x32xf32, #tpu.memory_space<hbm>>) dst(%dma_wait3A_498 : memref<128x32xf32, #tpu.memory_space<vmem>>)
      %dma_wait3A_505 = arith.constant 1 : i32
      %dma_wait3A_506 = arith.constant 384 : i32
      %dma_wait3A_507 = arith.constant 0 : i32
      %dma_wait3A_508 = tpu.memref_slice %arg6[%dma_wait3A_505, %dma_wait3A_506, %dma_wait3A_507] : memref<2x1280x32xf32, #tpu.memory_space<vmem>> -> memref<1x128x32xf32, #tpu.memory_space<vmem>>
      %dma_wait3A_509 = tpu.memref_squeeze %dma_wait3A_508 : memref<1x128x32xf32, #tpu.memory_space<vmem>> -> memref<128x32xf32, #tpu.memory_space<vmem>>
      %dma_wait3A_510 = arith.constant 0 : i32
      %dma_wait3A_511 = tpu.memref_slice %arg5[%add3A_370, %dma_wait3A_510] : memref<100x128xi32, #tpu.memory_space<vmem>> -> memref<1x128xi32, #tpu.memory_space<vmem>>
      %dma_wait3A_512 = tpu.memref_squeeze %dma_wait3A_511 : memref<1x128xi32, #tpu.memory_space<vmem>> -> memref<128xi32, #tpu.memory_space<vmem>>
      %dma_wait3A_513 = arith.constant 0 : i32
      %dma_wait3A_514 = arith.constant 0 : i32
      %dma_wait3A_515 = tpu.memref_slice %arg3[%dma_wait3A_513, %dma_wait3A_514] : memref<1000000x32xf32, #tpu.memory_space<hbm>> -> memref<1000000x32xf32, #tpu.memory_space<hbm>>
      tpu.wait_indirect_dma semaphore(%arg7 : memref<!tpu.dma_semaphore, #tpu.memory_space<semaphore_mem>>) src(%dma_wait3A_515 : memref<1000000x32xf32, #tpu.memory_space<hbm>>) dst(%dma_wait3A_509 : memref<128x32xf32, #tpu.memory_space<vmem>>)
      %dma_wait3A_516 = arith.constant 1 : i32
      %dma_wait3A_517 = arith.constant 512 : i32
      %dma_wait3A_518 = arith.constant 0 : i32
      %dma_wait3A_519 = tpu.memref_slice %arg6[%dma_wait3A_516, %dma_wait3A_517, %dma_wait3A_518] : memref<2x1280x32xf32, #tpu.memory_space<vmem>> -> memref<1x128x32xf32, #tpu.memory_space<vmem>>
      %dma_wait3A_520 = tpu.memref_squeeze %dma_wait3A_519 : memref<1x128x32xf32, #tpu.memory_space<vmem>> -> memref<128x32xf32, #tpu.memory_space<vmem>>
      %dma_wait3A_521 = arith.constant 0 : i32
      %dma_wait3A_522 = tpu.memref_slice %arg5[%add3A_385, %dma_wait3A_521] : memref<100x128xi32, #tpu.memory_space<vmem>> -> memref<1x128xi32, #tpu.memory_space<vmem>>
      %dma_wait3A_523 = tpu.memref_squeeze %dma_wait3A_522 : memref<1x128xi32, #tpu.memory_space<vmem>> -> memref<128xi32, #tpu.memory_space<vmem>>
      %dma_wait3A_524 = arith.constant 0 : i32
      %dma_wait3A_525 = arith.constant 0 : i32
      %dma_wait3A_526 = tpu.memref_slice %arg3[%dma_wait3A_524, %dma_wait3A_525] : memref<1000000x32xf32, #tpu.memory_space<hbm>> -> memref<1000000x32xf32, #tpu.memory_space<hbm>>
      tpu.wait_indirect_dma semaphore(%arg7 : memref<!tpu.dma_semaphore, #tpu.memory_space<semaphore_mem>>) src(%dma_wait3A_526 : memref<1000000x32xf32, #tpu.memory_space<hbm>>) dst(%dma_wait3A_520 : memref<128x32xf32, #tpu.memory_space<vmem>>)
      %dma_wait3A_527 = arith.constant 1 : i32
      %dma_wait3A_528 = arith.constant 640 : i32
      %dma_wait3A_529 = arith.constant 0 : i32
      %dma_wait3A_530 = tpu.memref_slice %arg6[%dma_wait3A_527, %dma_wait3A_528, %dma_wait3A_529] : memref<2x1280x32xf32, #tpu.memory_space<vmem>> -> memref<1x128x32xf32, #tpu.memory_space<vmem>>
      %dma_wait3A_531 = tpu.memref_squeeze %dma_wait3A_530 : memref<1x128x32xf32, #tpu.memory_space<vmem>> -> memref<128x32xf32, #tpu.memory_space<vmem>>
      %dma_wait3A_532 = arith.constant 0 : i32
      %dma_wait3A_533 = tpu.memref_slice %arg5[%add3A_400, %dma_wait3A_532] : memref<100x128xi32, #tpu.memory_space<vmem>> -> memref<1x128xi32, #tpu.memory_space<vmem>>
      %dma_wait3A_534 = tpu.memref_squeeze %dma_wait3A_533 : memref<1x128xi32, #tpu.memory_space<vmem>> -> memref<128xi32, #tpu.memory_space<vmem>>
      %dma_wait3A_535 = arith.constant 0 : i32
      %dma_wait3A_536 = arith.constant 0 : i32
      %dma_wait3A_537 = tpu.memref_slice %arg3[%dma_wait3A_535, %dma_wait3A_536] : memref<1000000x32xf32, #tpu.memory_space<hbm>> -> memref<1000000x32xf32, #tpu.memory_space<hbm>>
      tpu.wait_indirect_dma semaphore(%arg7 : memref<!tpu.dma_semaphore, #tpu.memory_space<semaphore_mem>>) src(%dma_wait3A_537 : memref<1000000x32xf32, #tpu.memory_space<hbm>>) dst(%dma_wait3A_531 : memref<128x32xf32, #tpu.memory_space<vmem>>)
      %dma_wait3A_538 = arith.constant 1 : i32
      %dma_wait3A_539 = arith.constant 768 : i32
      %dma_wait3A_540 = arith.constant 0 : i32
      %dma_wait3A_541 = tpu.memref_slice %arg6[%dma_wait3A_538, %dma_wait3A_539, %dma_wait3A_540] : memref<2x1280x32xf32, #tpu.memory_space<vmem>> -> memref<1x128x32xf32, #tpu.memory_space<vmem>>
      %dma_wait3A_542 = tpu.memref_squeeze %dma_wait3A_541 : memref<1x128x32xf32, #tpu.memory_space<vmem>> -> memref<128x32xf32, #tpu.memory_space<vmem>>
      %dma_wait3A_543 = arith.constant 0 : i32
      %dma_wait3A_544 = tpu.memref_slice %arg5[%add3A_415, %dma_wait3A_543] : memref<100x128xi32, #tpu.memory_space<vmem>> -> memref<1x128xi32, #tpu.memory_space<vmem>>
      %dma_wait3A_545 = tpu.memref_squeeze %dma_wait3A_544 : memref<1x128xi32, #tpu.memory_space<vmem>> -> memref<128xi32, #tpu.memory_space<vmem>>
      %dma_wait3A_546 = arith.constant 0 : i32
      %dma_wait3A_547 = arith.constant 0 : i32
      %dma_wait3A_548 = tpu.memref_slice %arg3[%dma_wait3A_546, %dma_wait3A_547] : memref<1000000x32xf32, #tpu.memory_space<hbm>> -> memref<1000000x32xf32, #tpu.memory_space<hbm>>
      tpu.wait_indirect_dma semaphore(%arg7 : memref<!tpu.dma_semaphore, #tpu.memory_space<semaphore_mem>>) src(%dma_wait3A_548 : memref<1000000x32xf32, #tpu.memory_space<hbm>>) dst(%dma_wait3A_542 : memref<128x32xf32, #tpu.memory_space<vmem>>)
      %dma_wait3A_549 = arith.constant 1 : i32
      %dma_wait3A_550 = arith.constant 896 : i32
      %dma_wait3A_551 = arith.constant 0 : i32
      %dma_wait3A_552 = tpu.memref_slice %arg6[%dma_wait3A_549, %dma_wait3A_550, %dma_wait3A_551] : memref<2x1280x32xf32, #tpu.memory_space<vmem>> -> memref<1x128x32xf32, #tpu.memory_space<vmem>>
      %dma_wait3A_553 = tpu.memref_squeeze %dma_wait3A_552 : memref<1x128x32xf32, #tpu.memory_space<vmem>> -> memref<128x32xf32, #tpu.memory_space<vmem>>
      %dma_wait3A_554 = arith.constant 0 : i32
      %dma_wait3A_555 = tpu.memref_slice %arg5[%add3A_430, %dma_wait3A_554] : memref<100x128xi32, #tpu.memory_space<vmem>> -> memref<1x128xi32, #tpu.memory_space<vmem>>
      %dma_wait3A_556 = tpu.memref_squeeze %dma_wait3A_555 : memref<1x128xi32, #tpu.memory_space<vmem>> -> memref<128xi32, #tpu.memory_space<vmem>>
      %dma_wait3A_557 = arith.constant 0 : i32
      %dma_wait3A_558 = arith.constant 0 : i32
      %dma_wait3A_559 = tpu.memref_slice %arg3[%dma_wait3A_557, %dma_wait3A_558] : memref<1000000x32xf32, #tpu.memory_space<hbm>> -> memref<1000000x32xf32, #tpu.memory_space<hbm>>
      tpu.wait_indirect_dma semaphore(%arg7 : memref<!tpu.dma_semaphore, #tpu.memory_space<semaphore_mem>>) src(%dma_wait3A_559 : memref<1000000x32xf32, #tpu.memory_space<hbm>>) dst(%dma_wait3A_553 : memref<128x32xf32, #tpu.memory_space<vmem>>)
      %dma_wait3A_560 = arith.constant 1 : i32
      %dma_wait3A_561 = arith.constant 1024 : i32
      %dma_wait3A_562 = arith.constant 0 : i32
      %dma_wait3A_563 = tpu.memref_slice %arg6[%dma_wait3A_560, %dma_wait3A_561, %dma_wait3A_562] : memref<2x1280x32xf32, #tpu.memory_space<vmem>> -> memref<1x128x32xf32, #tpu.memory_space<vmem>>
      %dma_wait3A_564 = tpu.memref_squeeze %dma_wait3A_563 : memref<1x128x32xf32, #tpu.memory_space<vmem>> -> memref<128x32xf32, #tpu.memory_space<vmem>>
      %dma_wait3A_565 = arith.constant 0 : i32
      %dma_wait3A_566 = tpu.memref_slice %arg5[%add3A_445, %dma_wait3A_565] : memref<100x128xi32, #tpu.memory_space<vmem>> -> memref<1x128xi32, #tpu.memory_space<vmem>>
      %dma_wait3A_567 = tpu.memref_squeeze %dma_wait3A_566 : memref<1x128xi32, #tpu.memory_space<vmem>> -> memref<128xi32, #tpu.memory_space<vmem>>
      %dma_wait3A_568 = arith.constant 0 : i32
      %dma_wait3A_569 = arith.constant 0 : i32
      %dma_wait3A_570 = tpu.memref_slice %arg3[%dma_wait3A_568, %dma_wait3A_569] : memref<1000000x32xf32, #tpu.memory_space<hbm>> -> memref<1000000x32xf32, #tpu.memory_space<hbm>>
      tpu.wait_indirect_dma semaphore(%arg7 : memref<!tpu.dma_semaphore, #tpu.memory_space<semaphore_mem>>) src(%dma_wait3A_570 : memref<1000000x32xf32, #tpu.memory_space<hbm>>) dst(%dma_wait3A_564 : memref<128x32xf32, #tpu.memory_space<vmem>>)
      %dma_wait3A_571 = arith.constant 1 : i32
      %dma_wait3A_572 = arith.constant 1152 : i32
      %dma_wait3A_573 = arith.constant 0 : i32
      %dma_wait3A_574 = tpu.memref_slice %arg6[%dma_wait3A_571, %dma_wait3A_572, %dma_wait3A_573] : memref<2x1280x32xf32, #tpu.memory_space<vmem>> -> memref<1x128x32xf32, #tpu.memory_space<vmem>>
      %dma_wait3A_575 = tpu.memref_squeeze %dma_wait3A_574 : memref<1x128x32xf32, #tpu.memory_space<vmem>> -> memref<128x32xf32, #tpu.memory_space<vmem>>
      %dma_wait3A_576 = arith.constant 0 : i32
      %dma_wait3A_577 = tpu.memref_slice %arg5[%add3A_460, %dma_wait3A_576] : memref<100x128xi32, #tpu.memory_space<vmem>> -> memref<1x128xi32, #tpu.memory_space<vmem>>
      %dma_wait3A_578 = tpu.memref_squeeze %dma_wait3A_577 : memref<1x128xi32, #tpu.memory_space<vmem>> -> memref<128xi32, #tpu.memory_space<vmem>>
      %dma_wait3A_579 = arith.constant 0 : i32
      %dma_wait3A_580 = arith.constant 0 : i32
      %dma_wait3A_581 = tpu.memref_slice %arg3[%dma_wait3A_579, %dma_wait3A_580] : memref<1000000x32xf32, #tpu.memory_space<hbm>> -> memref<1000000x32xf32, #tpu.memory_space<hbm>>
      tpu.wait_indirect_dma semaphore(%arg7 : memref<!tpu.dma_semaphore, #tpu.memory_space<semaphore_mem>>) src(%dma_wait3A_581 : memref<1000000x32xf32, #tpu.memory_space<hbm>>) dst(%dma_wait3A_575 : memref<128x32xf32, #tpu.memory_space<vmem>>)
      %mul3A_582 = arith.constant 1280 : i32
      %mul3A_583 = arith.muli %add3A_316, %mul3A_582 : i32
      %add3A_584 = arith.addi %mul3A_2, %mul3A_583 : i32
      %dma_start3A_585 = arith.constant 1 : i32
      %dma_start3A_586 = arith.constant 0 : i32
      %dma_start3A_587 = arith.constant 0 : i32
      %dma_start3A_588 = tpu.memref_slice %arg6[%dma_start3A_585, %dma_start3A_586, %dma_start3A_587] : memref<2x1280x32xf32, #tpu.memory_space<vmem>> -> memref<1x1280x32xf32, #tpu.memory_space<vmem>>
      %dma_start3A_589 = tpu.memref_squeeze %dma_start3A_588 : memref<1x1280x32xf32, #tpu.memory_space<vmem>> -> memref<1280x32xf32, #tpu.memory_space<vmem>>
      %dma_start3A_590 = arith.constant 0 : i32
      %dma_start3A_591 = tpu.memref_slice %arg4[%add3A_584, %dma_start3A_590] : memref<409600x32xf32, #tpu.memory_space<hbm>> -> memref<1280x32xf32, #tpu.memory_space<hbm>>
      %dma_start3A_592 = arith.constant 0 : i32
      %dma_start3A_593 = tpu.memref_slice %arg4[%add3A_584, %dma_start3A_592] : memref<409600x32xf32, #tpu.memory_space<hbm>> -> memref<1280x32xf32, #tpu.memory_space<hbm>>
      %dma_start3A_594 = arith.constant 0 : i32
      %dma_start3A_595 = arith.constant 0 : i32
      %dma_start3A_596 = tpu.memref_slice %arg6[%dma_start3A_585, %dma_start3A_594, %dma_start3A_595] : memref<2x1280x32xf32, #tpu.memory_space<vmem>> -> memref<1x1280x32xf32, #tpu.memory_space<vmem>>
      %dma_start3A_597 = tpu.memref_squeeze %dma_start3A_596 : memref<1x1280x32xf32, #tpu.memory_space<vmem>> -> memref<1280x32xf32, #tpu.memory_space<vmem>>
      tpu.enqueue_dma source(%dma_start3A_597 : memref<1280x32xf32, #tpu.memory_space<vmem>>) target(%dma_start3A_593 : memref<1280x32xf32, #tpu.memory_space<hbm>>) target_semaphore(%arg8 : memref<!tpu.dma_semaphore, #tpu.memory_space<semaphore_mem>>)
    }
    %scan3A_7 = arith.constant 5 : i32
    %dma_wait3A = arith.constant 0 : i32
    %dma_wait3A_8 = arith.constant 0 : i32
    %dma_wait3A_9 = arith.constant 0 : i32
    %dma_wait3A_10 = tpu.memref_slice %arg6[%dma_wait3A, %dma_wait3A_8, %dma_wait3A_9] : memref<2x1280x32xf32, #tpu.memory_space<vmem>> -> memref<1x1280x32xf32, #tpu.memory_space<vmem>>
    %dma_wait3A_11 = tpu.memref_squeeze %dma_wait3A_10 : memref<1x1280x32xf32, #tpu.memory_space<vmem>> -> memref<1280x32xf32, #tpu.memory_space<vmem>>
    %dma_wait3A_12 = arith.constant 0 : i32
    %dma_wait3A_13 = tpu.memref_slice %arg4[%mul3A_2, %dma_wait3A_12] : memref<409600x32xf32, #tpu.memory_space<hbm>> -> memref<1280x32xf32, #tpu.memory_space<hbm>>
    %dma_wait3A_14 = arith.constant 0 : i32
    %dma_wait3A_15 = tpu.memref_slice %arg4[%mul3A_2, %dma_wait3A_14] : memref<409600x32xf32, #tpu.memory_space<hbm>> -> memref<1280x32xf32, #tpu.memory_space<hbm>>
    %dma_wait3A_16 = arith.constant 0 : i32
    %dma_wait3A_17 = arith.constant 0 : i32
    %dma_wait3A_18 = tpu.memref_slice %arg6[%dma_wait3A, %dma_wait3A_16, %dma_wait3A_17] : memref<2x1280x32xf32, #tpu.memory_space<vmem>> -> memref<1x1280x32xf32, #tpu.memory_space<vmem>>
    %dma_wait3A_19 = tpu.memref_squeeze %dma_wait3A_18 : memref<1x1280x32xf32, #tpu.memory_space<vmem>> -> memref<1280x32xf32, #tpu.memory_space<vmem>>
    tpu.wait_dma2 semaphore(%arg8 : memref<!tpu.dma_semaphore, #tpu.memory_space<semaphore_mem>>) src(%dma_wait3A_19 : memref<1280x32xf32, #tpu.memory_space<vmem>>) dst(%dma_wait3A_15 : memref<1280x32xf32, #tpu.memory_space<hbm>>)
    %dma_wait3A_20 = arith.constant 1 : i32
    %dma_wait3A_21 = arith.constant 0 : i32
    %dma_wait3A_22 = arith.constant 0 : i32
    %dma_wait3A_23 = tpu.memref_slice %arg6[%dma_wait3A_20, %dma_wait3A_21, %dma_wait3A_22] : memref<2x1280x32xf32, #tpu.memory_space<vmem>> -> memref<1x1280x32xf32, #tpu.memory_space<vmem>>
    %dma_wait3A_24 = tpu.memref_squeeze %dma_wait3A_23 : memref<1x1280x32xf32, #tpu.memory_space<vmem>> -> memref<1280x32xf32, #tpu.memory_space<vmem>>
    %dma_wait3A_25 = arith.constant 0 : i32
    %dma_wait3A_26 = tpu.memref_slice %arg4[%mul3A_2, %dma_wait3A_25] : memref<409600x32xf32, #tpu.memory_space<hbm>> -> memref<1280x32xf32, #tpu.memory_space<hbm>>
    %dma_wait3A_27 = arith.constant 0 : i32
    %dma_wait3A_28 = tpu.memref_slice %arg4[%mul3A_2, %dma_wait3A_27] : memref<409600x32xf32, #tpu.memory_space<hbm>> -> memref<1280x32xf32, #tpu.memory_space<hbm>>
    %dma_wait3A_29 = arith.constant 0 : i32
    %dma_wait3A_30 = arith.constant 0 : i32
    %dma_wait3A_31 = tpu.memref_slice %arg6[%dma_wait3A_20, %dma_wait3A_29, %dma_wait3A_30] : memref<2x1280x32xf32, #tpu.memory_space<vmem>> -> memref<1x1280x32xf32, #tpu.memory_space<vmem>>
    %dma_wait3A_32 = tpu.memref_squeeze %dma_wait3A_31 : memref<1x1280x32xf32, #tpu.memory_space<vmem>> -> memref<1280x32xf32, #tpu.memory_space<vmem>>
    tpu.wait_dma2 semaphore(%arg8 : memref<!tpu.dma_semaphore, #tpu.memory_space<semaphore_mem>>) src(%dma_wait3A_32 : memref<1280x32xf32, #tpu.memory_space<vmem>>) dst(%dma_wait3A_28 : memref<1280x32xf32, #tpu.memory_space<hbm>>)
    return
  }
}

module attributes {stable_mosaic.version = 14 : i64} {
  func.func @_mlp_body(%arg0: i32, %arg1: memref<12800x128xf32, #tpu.memory_space<vmem>>, %arg2: memref<6400x32xf32, #tpu.memory_space<vmem>>, %arg3: memref<1x32xf32, #tpu.memory_space<vmem>>, %arg4: memref<32x1xf32, #tpu.memory_space<vmem>>, %arg5: memref<1x1xf32, #tpu.memory_space<vmem>>, %arg6: memref<256x1xf32, #tpu.memory_space<vmem>>) attributes {dimension_semantics = [#tpu.dimension_semantics<arbitrary>], iteration_bounds = array<i64: 8>, scalar_prefetch = 0 : i64, scratch_operands = 0 : i64, tpu.core_type = #tpu.core_type<tc>, window_params = [{transform_indices = @transform_0, window_bounds = array<i64: 12800, 128>}, {pipeline_mode = #tpu.pipeline_mode<synchronous>, transform_indices = @transform_1, window_bounds = array<i64: 6400, 32>}, {pipeline_mode = #tpu.pipeline_mode<synchronous>, transform_indices = @transform_2, window_bounds = array<i64: 1, 32>}, {pipeline_mode = #tpu.pipeline_mode<synchronous>, transform_indices = @transform_3, window_bounds = array<i64: 32, 1>}, {pipeline_mode = #tpu.pipeline_mode<synchronous>, transform_indices = @transform_4, window_bounds = array<i64: 1, 1>}, {transform_indices = @transform_5, window_bounds = array<i64: 256, 1>}]} {
    %get3A = arith.constant 0 : index
    %get3A_0 = arith.constant 0 : index
    %get3A_1 = vector.load %arg1[%get3A, %get3A_0] : memref<12800x128xf32, #tpu.memory_space<vmem>>, vector<12800x128xf32>
    %reshape3A = vector.shape_cast %get3A_1 : vector<12800x128xf32> to vector<256x6400xf32>
    %get3A_2 = arith.constant 0 : index
    %get3A_3 = arith.constant 0 : index
    %get3A_4 = vector.load %arg2[%get3A_2, %get3A_3] : memref<6400x32xf32, #tpu.memory_space<vmem>>, vector<6400x32xf32>
    %dot_general3A = arith.constant dense<0.000000e+00> : vector<256x32xf32>
    %dot_general3A_5 = tpu.matmul %reshape3A, %get3A_4, %dot_general3A {dimension_numbers = #tpu.dot_dimension_numbers<[1], [0], [0], [1], [0, 0, 1, 1], [], []>, transpose_lhs_hint = false} : vector<256x6400xf32>, vector<6400x32xf32>, vector<256x32xf32> -> vector<256x32xf32>
    %get3A_6 = arith.constant 0 : index
    %get3A_7 = arith.constant 0 : index
    %get3A_8 = vector.load %arg3[%get3A_6, %get3A_7] : memref<1x32xf32, #tpu.memory_space<vmem>>, vector<1x32xf32>
    %add3A = vector.broadcast %get3A_8 : vector<1x32xf32> to vector<256x32xf32>
    %add3A_9 = arith.addf %dot_general3A_5, %add3A : vector<256x32xf32>
    %max3A = arith.constant 0.000000e+00 : f32
    %max3A_10 = vector.broadcast %max3A : f32 to vector<256x32xf32>
    %max3A_11 = arith.maximumf %add3A_9, %max3A_10 : vector<256x32xf32>
    %get3A_12 = arith.constant 0 : index
    %get3A_13 = arith.constant 0 : index
    %get3A_14 = vector.load %arg4[%get3A_12, %get3A_13] : memref<32x1xf32, #tpu.memory_space<vmem>>, vector<32x1xf32>
    %dot_general3A_15 = arith.constant dense<0.000000e+00> : vector<256x1xf32>
    %dot_general3A_16 = tpu.matmul %max3A_11, %get3A_14, %dot_general3A_15 {dimension_numbers = #tpu.dot_dimension_numbers<[1], [0], [0], [1], [0, 0, 1, 1], [], []>, transpose_lhs_hint = false} : vector<256x32xf32>, vector<32x1xf32>, vector<256x1xf32> -> vector<256x1xf32>
    %get3A_17 = arith.constant 0 : index
    %get3A_18 = arith.constant 0 : index
    %get3A_19 = vector.load %arg5[%get3A_17, %get3A_18] : memref<1x1xf32, #tpu.memory_space<vmem>>, vector<1x1xf32>
    %add3A_20 = vector.broadcast %get3A_19 : vector<1x1xf32> to vector<256x1xf32>
    %add3A_21 = arith.addf %dot_general3A_16, %add3A_20 : vector<256x1xf32>
    %neg3A = arith.constant 0.000000e+00 : f32
    %neg3A_22 = vector.broadcast %neg3A : f32 to vector<256x1xf32>
    %neg3A_23 = arith.subf %neg3A_22, %add3A_21 : vector<256x1xf32>
    %exp3A = math.exp %neg3A_23 : vector<256x1xf32>
    %add3A_24 = arith.constant 1.000000e+00 : f32
    %add3A_25 = vector.broadcast %add3A_24 : f32 to vector<256x1xf32>
    %add3A_26 = arith.addf %add3A_25, %exp3A : vector<256x1xf32>
    %div3A = arith.constant 1.000000e+00 : f32
    %div3A_27 = vector.broadcast %div3A : f32 to vector<256x1xf32>
    %div3A_28 = arith.divf %div3A_27, %add3A_26 : vector<256x1xf32>
    %swap3A = arith.constant 0 : index
    %swap3A_29 = arith.constant 0 : index
    %swap3A_30 = vector.load %arg6[%swap3A, %swap3A_29] : memref<256x1xf32, #tpu.memory_space<vmem>>, vector<256x1xf32>
    tpu.vector_store %arg6[%swap3A, %swap3A_29], %div3A_28 {strides = array<i32>} : memref<256x1xf32, #tpu.memory_space<vmem>>, vector<256x1xf32>,
    return
  }
  func.func @transform_0(%arg0: i32) -> (i32, i32) {
    %c0_i32 = arith.constant 0 : i32
    %c0_i32_0 = arith.constant 0 : i32
    return %arg0, %c0_i32 : i32, i32
  }
  func.func @transform_1(%arg0: i32) -> (i32, i32) {
    %c0_i32 = arith.constant 0 : i32
    %c0_i32_0 = arith.constant 0 : i32
    %c0_i32_1 = arith.constant 0 : i32
    return %c0_i32, %c0_i32_0 : i32, i32
  }
  func.func @transform_2(%arg0: i32) -> (i32, i32) {
    %c0_i32 = arith.constant 0 : i32
    %c0_i32_0 = arith.constant 0 : i32
    %c0_i32_1 = arith.constant 0 : i32
    return %c0_i32, %c0_i32_0 : i32, i32
  }
  func.func @transform_3(%arg0: i32) -> (i32, i32) {
    %c0_i32 = arith.constant 0 : i32
    %c0_i32_0 = arith.constant 0 : i32
    %c0_i32_1 = arith.constant 0 : i32
    return %c0_i32, %c0_i32_0 : i32, i32
  }
  func.func @transform_4(%arg0: i32) -> (i32, i32) {
    %c0_i32 = arith.constant 0 : i32
    %c0_i32_0 = arith.constant 0 : i32
    %c0_i32_1 = arith.constant 0 : i32
    return %c0_i32, %c0_i32_0 : i32, i32
  }
  func.func @transform_5(%arg0: i32) -> (i32, i32) {
    %c0_i32 = arith.constant 0 : i32
    %c0_i32_0 = arith.constant 0 : i32
    return %arg0, %c0_i32 : i32, i32
  }
}

</mosaic_0001>

<sc_bundles>
// kernel: kernel.6.cloned.1.call-start
scs
__scs_entry_jumppad:
0x0: {  	(pc) =	sbr.rel $0x88, $3  }
0x1: {  	(tag) =	ssettag $0x0;
	lr =	simm.s32 $0x1  }
0x2: {  	[smem:$0x3F9B] =	sst lr;
	_ =	strace $0xD0000000  }
0x3: {  	_ = 	snop  }
0x4: {  	_ = 	snop  }
0x5: {  	_ = 	snop  }
0x6: {  	_ = 	snop  }
0x7: {  	_ = 	snop  }
__scs_overlays_trampoline_lowered:
0x8: {  	[smem:$0x3FAA] =	sst s0  }
0x9: {  	[smem:$0x3FAB] =	sst s1  }
0xa: {  	[smem:$0x3FAC] =	sst s2  }
0xb: {  	[smem:$0x3FAD] =	sst s3  }
0xc: {  	[smem:$0x3FAE] =	sst s4  }
0xd: {  	[smem:$0x3FAF] =	sst s5  }
0xe: {  	[smem:$0x3FB0] =	sst s6  }
0xf: {  	[smem:$0x3FB1] =	sst s7  }
0x10: {  	[smem:$0x3FB2] =	sst s8  }
0x11: {  	[smem:$0x3FB3] =	sst s9;
	s0 =	simm.s32 @!p0 $0x0  }
0x12: {  	s1 =	sld [smem:$0x3F99];
	s0 =	simm.s32 @p0 $0x1  }
0x13: {  	[smem:$0x3FB4] =	sst s0;
	s0 =	simm.s32 @!p1 $0x0  }
0x14: {  	s2 =	sld [smem:$0x3F98];
	s0 =	simm.s32 @p1 $0x1  }
0x15: {  	[smem:$0x3FB5] =	sst s0;
	s0 =	simm.s32 @!p2 $0x0  }
0x16: {  	s3 =	sld [smem:$0x3FDB];
	s0 =	simm.s32 @p2 $0x1  }
0x17: {  	s4 =	simm.s32 $0x1BF5;
	[smem:$0x3FB7] =	sst s0  }
0x18: {  	s0 =	sld [smem:$0x3F9A];
	_ =	swait.ge [sflag:s4], $0x0  }
0x19: {  	s7 =	sld [smem:$0x3F9B]  }
0x1a: {  	s8 =	sadd.s32 $0xFFFFE003, lr  }
0x1b: {  	s9 =	sadd.s32 $0xFFFFFEF7, lr;
	s5 =	simm.s32 $0xFFFFFFFF;
	p2 =	slt.u32 s8, $0xFFFFF086  }
0x1c: {  	p1 =	slt.u32 s9, $0xF7A;
	s5 =	simm.s32 @!p2 $0x0  }
0x1d: {  	s5 =	simm.s32 @p1 $0x1;
	p0 =	seq.s32 s7, s2  }
0x1e: {  	s7 =	smul.u32 @!p0 $0xF7A, s2;
	p2 =	seq.s32 @!p0 s5, $0x0  }
0x1f: {  	s9 =	smul.u32 $0xF7A, s1;
	s8 =	simm.s32 @!p0 $0x1BF5;
	p2 =	por !p2, p0  }
0x20: {  	[sflag:s8] =	ssyncset.s32 @!p0 $0xFFFFF086;
	s6 =	sadd.s32 @!p0 s3, s7;
	s7 =	simm.s32 @!p0 $0x108  }
0x21: {  	s3 =	sadd.s32 s3, s9;
	s6 =	sadd.s32 @!p0 $0x88, s6;
	s7 =	simm.s32 @p2 $0x1082  }
0x22: {  	[simem:s7], [sflag:s8] =	dma.local @!p0 [hbm:s6], $0xF7A  }
0x23: {  	s9 =	sor.u32 $0xD0000000, s2;
	s6 =	simm.s32 $0x108;
	_ =	swait.ge @!p0 [sflag:s8], $0x0  }
0x24: {  	s3 =	sadd.s32 $0x88, s3;
	s6 =	simm.s32 @!p1 $0x1082;
	[sflag:s4] =	ssyncset.s32 $0xFFFFF086  }
0x25: {  	[simem:s6], [sflag:s4] =	dma.local [hbm:s3], $0xF7A  }
0x26: {  	[smem:$0x3F9B] =	sst s1;
	(tag) =	ssettag s2;
	_ =	strace s9  }
0x27: {  	s1 =	sld [smem:$0x3FAB]  }
0x28: {  	s2 =	sld [smem:$0x3FAC]  }
0x29: {  	s4 =	sld [smem:$0x3FAE]  }
0x2a: {  	p0 =	seq.s32 s5, $0x0;
	s5 =	sld [smem:$0x3FAF]  }
0x2b: {  	s6 =	sld [smem:$0x3FB0]  }
0x2c: {  	s7 =	sld [smem:$0x3FB1]  }
0x2d: {  	s3 =	simm.s32 $0x108;
	s8 =	sld [smem:$0x3FB2]  }
0x2e: {  	s3 =	simm.s32 @!p0 $0x1082;
	s9 =	sld [smem:$0x3FB3]  }
0x2f: {  	lr =	sadd.s32 s0, s3;
	s0 =	sld [smem:$0x3FAA]  }
0x30: {  	s3 =	sld [smem:$0x3FAD]  }
0x31: {  	[smem:$0x3FB6] =	sst s10  }
0x32: {  	s10 =	sld [smem:$0x3FB4];
	_ =	sdelay $0x3  }
0x33: {  	p0 =	seq.s32 s10, $0x1;
	s10 =	sld [smem:$0x3FB6];
	_ =	sdelay $0x3  }
0x34: {  	[smem:$0x3FB6] =	sst s10  }
0x35: {  	s10 =	sld [smem:$0x3FB5];
	_ =	sdelay $0x3  }
0x36: {  	p1 =	seq.s32 s10, $0x1;
	s10 =	sld [smem:$0x3FB6];
	_ =	sdelay $0x3  }
0x37: {  	[smem:$0x3FB6] =	sst s10  }
0x38: {  	s10 =	sld [smem:$0x3FB7]  }
0x39: {  	_ = 	snop;
	(pc) =	sbr.ind lr, $3  }
0x3a: {  	_ = 	snop  }
0x3b: {  	_ = 	snop  }
0x3c: {  	p2 =	seq.s32 s10, $0x1;
	s10 =	sld [smem:$0x3FB6]  }
0x3d: {  	_ =	shalt  }
0x3e: {  	_ =	shalt  }
0x3f: {  	_ =	shalt  }
0x40: {  	_ =	shalt  }
0x41: {  	_ =	shalt  }
0x42: {  	_ =	shalt  }
0x43: {  	_ =	shalt  }
0x44: {  	_ =	shalt  }
0x45: {  	_ =	shalt  }
0x46: {  	_ =	shalt  }
0x47: {  	_ =	shalt  }
0x48: {  	_ =	shalt  }
0x49: {  	_ =	shalt  }
0x4a: {  	_ =	shalt  }
0x4b: {  	_ =	shalt  }
0x4c: {  	_ =	shalt  }
0x4d: {  	_ =	shalt  }
0x4e: {  	_ =	shalt  }
0x4f: {  	_ =	shalt  }
0x50: {  	_ =	shalt  }
0x51: {  	_ =	shalt  }
0x52: {  	_ =	shalt  }
0x53: {  	_ =	shalt  }
0x54: {  	_ =	shalt  }
0x55: {  	_ =	shalt  }
0x56: {  	_ =	shalt  }
0x57: {  	_ =	shalt  }
0x58: {  	_ =	shalt  }
0x59: {  	_ =	shalt  }
0x5a: {  	_ =	shalt  }
0x5b: {  	_ =	shalt  }
0x5c: {  	_ =	shalt  }
0x5d: {  	_ =	shalt  }
0x5e: {  	_ =	shalt  }
0x5f: {  	_ =	shalt  }
0x60: {  	_ =	shalt  }
0x61: {  	_ =	shalt  }
0x62: {  	_ =	shalt  }
0x63: {  	_ =	shalt  }
0x64: {  	_ =	shalt  }
0x65: {  	_ =	shalt  }
0x66: {  	_ =	shalt  }
0x67: {  	_ =	shalt  }
0x68: {  	_ =	shalt  }
0x69: {  	_ =	shalt  }
0x6a: {  	_ =	shalt  }
0x6b: {  	_ =	shalt  }
0x6c: {  	_ =	shalt  }
0x6d: {  	_ =	shalt  }
0x6e: {  	_ =	shalt  }
0x6f: {  	_ =	shalt  }
0x70: {  	_ =	shalt  }
0x71: {  	_ =	shalt  }
0x72: {  	_ =	shalt  }
0x73: {  	_ =	shalt  }
0x74: {  	_ =	shalt  }
0x75: {  	_ =	shalt  }
0x76: {  	_ =	shalt  }
0x77: {  	_ =	shalt  }
0x78: {  	_ =	shalt  }
0x79: {  	_ =	shalt  }
0x7a: {  	_ =	shalt  }
0x7b: {  	_ =	shalt  }
0x7c: {  	_ =	shalt  }
0x7d: {  	_ =	shalt  }
0x7e: {  	_ =	shalt  }
0x7f: {  	_ =	shalt  }
0x80: {  	_ =	shalt  }
0x81: {  	_ =	shalt  }
0x82: {  	_ =	shalt  }
0x83: {  	_ =	shalt  }
0x84: {  	_ =	shalt  }
0x85: {  	_ =	shalt  }
0x86: {  	_ =	shalt  }
0x87: {  	_ =	shalt  }
.Lfunc_end0:
.L_simem_size_0:
called_computation_lowered:
.L_overlay_start_0:
0x88: {  	s2 =	sld [smem:$0x3FD9]  }
0x89: {  	s3 =	sld [smem:$0x3FFE];
	_ =	sdelay $0x1  }
0x8a: {  	s1 =	srdreg.scid  }
0x8b: {  	s0 =	sand.u32 $0x1, s1  }
0x8c: {  	s16 =	sshll.u32 s0, $0xA;
	s2 =	sadd.s32 s3, s2  }
0x8d: {  	s2 =	sadd.s32 s2, s16  }
0x8e: {  	[smem:$0x3FC2] =	sst s2  }
0x8f: {  	_ = 	snop  }
0x90: {  	(tm) =	ssettm $0x1  }
0x91: {  	s17 =	sld [smem:$0x3FFB];
	_ =	sdelay $0x3  }
0x92: {  	_ =	strace s17  }
0x93: {  	s2 =	sld [smem:$0x3FFC];
	_ =	sdelay $0x3  }
0x94: {  	_ =	strace s2  }
0x95: {  	s2 =	sld [smem:$0x3FFD];
	_ =	sdelay $0x3  }
0x96: {  	_ =	strace s2  }
0x97: {  	_ =	strace $0x8FFFFFFF  }
0x98: {  	s18 =	sld [smem:$0x3FDB];
	_ =	sdelay $0x1  }
0x99: {  	s19 =	simm.s32 $_scs_section_size  }
0x9a: {  	s4 =	simm.s32 $_size__tile_overlayer_lowered;
	s5 =	simm.s32 $_tile_overlayer_lowered  }
0x9b: {  	s22 =	simm.s32 $0x1BFF;
	s21 =	sshll.u32 s5, $0x1;
	s2 =	sadd.s32 s19, s18  }
0x9c: {  	s6 =	simm.s32 $0x0;
	s20 =	sshll.u32 s4, $0x1;
	s4 =	sadd.s32 s21, s2  }
0x9d: {  	[timem:s6], [sflag:s22] =	dma.local [hbm:s4], s20  }
0x9e: {  	_ =	swait.ge [sflag:s22], s20  }
0x9f: {  	s3 =	ssub.s32 $0x0, s20;
	[sflag:s22] =	ssyncset.done $0x0  }
0xa0: {  	[sflag:s22] =	ssyncadd.s32 s3;
	_ =	sdelay $0x1  }
0xa1: {  	s23 =	simm.s32 $0x1B8B  }
0xa2: {  	_ =	swait.ge [sflag:s23], $0x1  }
0xa3: {  	[sflag:s23] =	ssyncset.done $0x0  }
0xa4: {  	s25 =	simm.s32 $0x1B8E;
	s24 =	sld [smem:$0x3FFE];
	[sflag:s23] =	ssyncadd.s32 $0xFFFFFFFF  }
0xa5: {  	s26 =	simm.s32 $execute0_lowered;
	[smem:$0x3FD2] =	sst s25  }
0xa6: {  	s4 =	sshll.u32 s26, $0x1;
	_ =	strace $0x80000046;
	[dreg:$0x1] =	wrdreg $0xFFFFFFFF  }
0xa7: {  	s28 =	simm.s32 $_size_execute0_lowered;
	s2 =	sadd.s32 s2, s4;
	[dreg:$0x0] =	wrdreg $0x0  }
0xa8: {  	s4 =	sshll.u32 s28, $0x1;
	[dreg:$0x2] =	wrdreg s2  }
0xa9: {  	[dreg:$0x3] =	wrdreg s4  }
0xaa: {  	[dreg:$0x4] =	wrdreg $0xC0  }
0xab: {  	_ =	task [dreg:s6], $0x5FFFF  }
0xac: {  	[dreg:$0x1] =	wrdreg $0xFFFFFFFF  }
0xad: {  	[dreg:$0x0] =	wrdreg $0x60  }
0xae: {  	[dreg:$0x2] =	wrdreg s24  }
0xaf: {  	[dreg:$0x3] =	wrdreg $0x9  }
0xb0: {  	_ =	task.clear_ibuf [dreg:s6], $0x4FFFF;
	_ =	strace $0x90000046  }
0xb1: {  	s29 =	simm.s32 $0x9;
	_ =	strace $0x80000048  }
0xb2: {  	_ =	swait.ge [sflag:s29], $0x1  }
0xb3: {  	[sflag:s29] =	ssyncadd.s32 $0xFFFFFFFF  }
0xb4: {  	_ =	strace $0x90000048  }
0xb5: {  	_ =	sfence  }
0xb6: {  	s30 =	sld [smem:$0x0];
	_ =	sdelay $0x2  }
0xb7: {  	s31 =	sshll.u32 s1, $0xD;
	s1 =	sshrl.u32 s1, $0x2  }
0xb8: {  	s3 =	sand.u32 $0x4000, s31;
	s1 =	sadd.s32 s1, s30  }
0xb9: {  	s0 =	sor.u32 s3, s0;
	s1 =	sshll.u32 s1, $0x11  }
0xba: {  	s0 =	sor.u32 s1, s0  }
0xbb: {  	s0 =	sadd.s32 $0x8F2B, s0  }
0xbc: {  	[sflag:s0] =	ssyncadd.remote.s32 $0x1  }
0xbd: {  	_ =	sfence.sel $0xFFFF  }
0xbe: {  	[dreg:$0x0] =	wrdreg $0xFFFFFFFF;
	(pc) =	sbr.abs _section_cstart, $3  }
0xbf: {  	[dreg:$0x1] =	wrdreg $0xFFFFFFFF  }
0xc0: {  	_ =	task.clear_ibuf [dreg:s6], $0x2FFFF;
	_ =	strace $0x9FFFFFFF  }
0xc1: {  	(tm) =	ssettm $0x7FFFFFFF  }
tec
execute0_lowered:
.L_overlay_start_1:
0x0: {  	(tag) =	ssettag $0x1  }
0x1: {  	s1 =	srdreg.scid;
	s5 =	rddreg [dreg:$0x0]  }
0x2: {  	s2 =	simm.s32 $0x0;
	s4 =	sand.u32 $0x1, s1;
	s1 =	rddreg [dreg:$0x1]  }
0x3: {  	s17 =	simm.s32 $0x4200;
	[smem:$0x7FF] =	sst s2  }
0x4: {  	s18 =	simm.s32 $0x5200;
	_ =	strace $0x80000047;
	[dreg:$0x4] =	wrdreg s17  }
0x5: {  	s19 =	simm.s32 $0x6200;
	[dreg:$0x5] =	wrdreg s18  }
0x6: {  	s20 =	simm.s32 $0x7200;
	[dreg:$0x6] =	wrdreg s19  }
0x7: {  	s0 =	stileid.u32;
	s21 =	simm.s32 $0x8200;
	[dreg:$0x7] =	wrdreg s20  }
0x8: {  	s22 =	simm.s32 $0x9200;
	s23 =	simm.s32 $0xA200;
	[dreg:$0x8] =	wrdreg s21  }
0x9: {  	s25 =	simm.s32 $0xB200;
	s26 =	simm.s32 $0xC200;
	[dreg:$0x9] =	wrdreg s22  }
0xa: {  	s28 =	simm.s32 $0xE200;
	s29 =	simm.s32 $0xF200;
	[dreg:$0xa] =	wrdreg s23  }
0xb: {  	s30 =	simm.s32 $0x10200;
	s31 =	simm.s32 $0x11200;
	[dreg:$0xb] =	wrdreg s25  }
0xc: {  	s11 =	simm.s32 $0x12200;
	s10 =	simm.s32 $0xD200;
	[dreg:$0xc] =	wrdreg s26  }
0xd: {  	s12 =	simm.s32 $0x14200;
	s3 =	smul.u32 $0x6400, s0;
	[dreg:$0xd] =	wrdreg s28  }
0xe: {  	s13 =	simm.s32 $0x15200;
	s7 =	smul.u32 $0x19000, s0;
	[dreg:$0xe] =	wrdreg s29  }
0xf: {  	s8 =	sadd.s32 $0x1A400, s5;
	s6 =	smul.u32 $0x3200, s4;
	[dreg:$0xf] =	wrdreg s30  }
0x10: {  	s15 =	sshll.u32 s0, $0x1;
	s9 =	smul.u32 $0xC800, s4;
	[dreg:$0x10] =	wrdreg s31  }
0x11: {  	s16 =	sor.u32 s4, s15;
	s4 =	ssub.s32 $0x2, s4;
	[dreg:$0x11] =	wrdreg s11  }
0x12: {  	s11 =	simm.s32 $0x13200;
	s15 =	simm.s32 $0x2;
	s14 =	sadd.s32 s7, s8  }
0x13: {  	s24 =	sshrl.u32 s4, $0x1;
	s3 =	sadd.s32 s6, s3;
	s6 =	sadd.s32 s9, s14  }
0x14: {  	s7 =	ssub.s32 s4, s24;
	s9 =	simm.s32 $0x1;
	s3 =	sshll.u32 s3, $0x2  }
0x15: {  	[dreg:$0x2] =	wrdreg s6;
	s6 =	smul.u32 $0x3200, s16;
	s3 =	sadd.s32 s8, s3  }
0x16: {  	s14 =	simm.s32 $0x16200;
	s16 =	simm.s32 $0x0;
	s3 =	sadd.s32 $0x1400, s3  }
0x17: {  	s8 =	simm.s32 $0x3200;
	s6 =	sshrl.u32 s6, $0x3;
	[dreg:$0x3] =	wrdreg s3  }
0x18: {  	s6 =	sadd.s32 s6, s5;
	s3 =	sadd.s32 $0xF43800, s5;
	s5 =	smax.u32 s7, $0x1  }
0x19: {  	s7 =	simm.s32 $0x80;
	s4 =	sadd.s32 $0xDC00, s6;
	s6 =	simm.s32 $0x3  }
.LBB2_1:
0x1a: {  	[tilespmem:s2], [sflag:$0x3] =	stream.linear.gather [hbm4b:s4+s2], $0x3200, $0x38;
	[tilespmem:$0x17200] =	vst v63  }
0x1b: {  	_ =	swait.ge [sflag:s6], $0x3200  }
0x1c: {  	p0 =	por $0x1, $0x1;
	[sflag:s6] =	ssyncset.done $0x0  }
0x1d: {  	s17 =	simm.s32 @!p0 $0x2;
	[sflag:s6] =	ssyncadd.s32 $0xFFFFCE00  }
0x1e: {  	_ =	swait.ge @!p0 [sflag:s17], $0xA000  }
0x1f: {  	[sflag:s17] =	ssyncset.done @!p0 $0x0  }
0x20: {  	s18 =	simm.s32 $0x0;
	[sflag:s17] =	ssyncadd.s32 @!p0 $0xFFFF6000  }
0x21: {  	[tilespmem:s8], [sflag:$0x1] =	stream.indirect.gather [hbm4b:s3+s7], $0x20, s18, s7, $0xb8;
	[tilespmem:$0x17200] =	vst v63  }
0x22: {  	s31 =	simm.s32 $0x80;
	s19 =	rddreg [dreg:$0x4]  }
0x23: {  	[tilespmem:s19], [sflag:$0x1] =	stream.indirect.gather [hbm4b:s3+s7], $0x20, s31, s7, $0xb8;
	[tilespmem:$0x17200] =	vst v63  }
0x24: {  	s21 =	simm.s32 $0x100;
	s20 =	rddreg [dreg:$0x5]  }
0x25: {  	[tilespmem:s20], [sflag:$0x1] =	stream.indirect.gather [hbm4b:s3+s7], $0x20, s21, s7, $0xb8;
	[tilespmem:$0x17200] =	vst v63  }
0x26: {  	s23 =	simm.s32 $0x180;
	s22 =	rddreg [dreg:$0x6]  }
0x27: {  	[tilespmem:s22], [sflag:$0x1] =	stream.indirect.gather [hbm4b:s3+s7], $0x20, s23, s7, $0xb8;
	[tilespmem:$0x17200] =	vst v63  }
0x28: {  	s25 =	simm.s32 $0x200;
	s24 =	rddreg [dreg:$0x7]  }
0x29: {  	[tilespmem:s24], [sflag:$0x1] =	stream.indirect.gather [hbm4b:s3+s7], $0x20, s25, s7, $0xb8;
	[tilespmem:$0x17200] =	vst v63  }
0x2a: {  	s28 =	simm.s32 $0x280;
	s26 =	rddreg [dreg:$0x8]  }
0x2b: {  	[tilespmem:s26], [sflag:$0x1] =	stream.indirect.gather [hbm4b:s3+s7], $0x20, s28, s7, $0xb8;
	[tilespmem:$0x17200] =	vst v63  }
0x2c: {  	s30 =	simm.s32 $0x300;
	s29 =	rddreg [dreg:$0x9]  }
0x2d: {  	[tilespmem:s29], [sflag:$0x1] =	stream.indirect.gather [hbm4b:s3+s7], $0x20, s30, s7, $0xb8;
	[tilespmem:$0x17200] =	vst v63  }
0x2e: {  	s31 =	rddreg [dreg:$0xa];
	s21 =	simm.s32 $0x380  }
0x2f: {  	[tilespmem:s31], [sflag:$0x1] =	stream.indirect.gather [hbm4b:s3+s7], $0x20, s21, s7, $0xb8;
	[tilespmem:$0x17200] =	vst v63  }
0x30: {  	s22 =	rddreg [dreg:$0xb];
	s23 =	simm.s32 $0x400  }
0x31: {  	[tilespmem:s22], [sflag:$0x1] =	stream.indirect.gather [hbm4b:s3+s7], $0x20, s23, s7, $0xb8;
	[tilespmem:$0x17200] =	vst v63  }
0x32: {  	s24 =	rddreg [dreg:$0xc];
	s25 =	simm.s32 $0x480  }
0x33: {  	[tilespmem:s24], [sflag:$0x1] =	stream.indirect.gather [hbm4b:s3+s7], $0x20, s25, s7, $0xb8;
	[tilespmem:$0x17200] =	vst v63  }
0x34: {  	_ =	swait.ge [sflag:s9], $0x1000  }
0x35: {  	[sflag:s9] =	ssyncset.done $0x0  }
0x36: {  	[sflag:s9] =	ssyncadd.s32 $0xFFFFF000  }
0x37: {  	_ =	swait.ge [sflag:s9], $0x1000  }
0x38: {  	[sflag:s9] =	ssyncset.done $0x0  }
0x39: {  	[sflag:s9] =	ssyncadd.s32 $0xFFFFF000  }
0x3a: {  	_ =	swait.ge [sflag:s9], $0x1000  }
0x3b: {  	[sflag:s9] =	ssyncset.done $0x0  }
0x3c: {  	[sflag:s9] =	ssyncadd.s32 $0xFFFFF000  }
0x3d: {  	_ =	swait.ge [sflag:s9], $0x1000  }
0x3e: {  	[sflag:s9] =	ssyncset.done $0x0  }
0x3f: {  	[sflag:s9] =	ssyncadd.s32 $0xFFFFF000  }
0x40: {  	_ =	swait.ge [sflag:s9], $0x1000  }
0x41: {  	[sflag:s9] =	ssyncset.done $0x0  }
0x42: {  	[sflag:s9] =	ssyncadd.s32 $0xFFFFF000  }
0x43: {  	_ =	swait.ge [sflag:s9], $0x1000  }
0x44: {  	[sflag:s9] =	ssyncset.done $0x0  }
0x45: {  	[sflag:s9] =	ssyncadd.s32 $0xFFFFF000  }
0x46: {  	_ =	swait.ge [sflag:s9], $0x1000  }
0x47: {  	[sflag:s9] =	ssyncset.done $0x0  }
0x48: {  	[sflag:s9] =	ssyncadd.s32 $0xFFFFF000  }
0x49: {  	_ =	swait.ge [sflag:s9], $0x1000  }
0x4a: {  	[sflag:s9] =	ssyncset.done $0x0  }
0x4b: {  	[sflag:s9] =	ssyncadd.s32 $0xFFFFF000  }
0x4c: {  	_ =	swait.ge [sflag:s9], $0x1000  }
0x4d: {  	[sflag:s9] =	ssyncset.done $0x0  }
0x4e: {  	[sflag:s9] =	ssyncadd.s32 $0xFFFFF000  }
0x4f: {  	_ =	swait.ge [sflag:s9], $0x1000  }
0x50: {  	s26 =	rddreg [dreg:$0x2];
	[sflag:s9] =	ssyncset.done $0x0  }
0x51: {  	[sflag:s9] =	ssyncadd.s32 $0xFFFFF000;
	s18 =	sadd.s32 $0x0, s26  }
0x52: {  	[hbm4b:s18+s2] =	stream.linear.scatter [tilespmem:s8], [sflag:$0x2], $0xA000, $0x38;
	[tilespmem:$0x17200] =	vst v63  }
0x53: {  	_ =	swait.ge @!p0 [sflag:s17], $0xA000  }
0x54: {  	[sflag:s17] =	ssyncset.done @!p0 $0x0  }
0x55: {  	s28 =	simm.s32 $0x500;
	[sflag:s17] =	ssyncadd.s32 @!p0 $0xFFFF6000  }
0x56: {  	[tilespmem:s10], [sflag:$0x1] =	stream.indirect.gather [hbm4b:s3+s7], $0x20, s28, s7, $0xb8;
	[tilespmem:$0x17200] =	vst v63  }
0x57: {  	s30 =	simm.s32 $0x580;
	s29 =	rddreg [dreg:$0xd]  }
0x58: {  	[tilespmem:s29], [sflag:$0x1] =	stream.indirect.gather [hbm4b:s3+s7], $0x20, s30, s7, $0xb8;
	[tilespmem:$0x17200] =	vst v63  }
0x59: {  	s20 =	simm.s32 $0x600;
	s31 =	rddreg [dreg:$0xe]  }
0x5a: {  	[tilespmem:s31], [sflag:$0x1] =	stream.indirect.gather [hbm4b:s3+s7], $0x20, s20, s7, $0xb8;
	[tilespmem:$0x17200] =	vst v63  }
0x5b: {  	s22 =	simm.s32 $0x680;
	s21 =	rddreg [dreg:$0xf]  }
0x5c: {  	[tilespmem:s21], [sflag:$0x1] =	stream.indirect.gather [hbm4b:s3+s7], $0x20, s22, s7, $0xb8;
	[tilespmem:$0x17200] =	vst v63  }
0x5d: {  	s24 =	simm.s32 $0x700;
	s23 =	rddreg [dreg:$0x10]  }
0x5e: {  	[tilespmem:s23], [sflag:$0x1] =	stream.indirect.gather [hbm4b:s3+s7], $0x20, s24, s7, $0xb8;
	[tilespmem:$0x17200] =	vst v63  }
0x5f: {  	s26 =	simm.s32 $0x780;
	s25 =	rddreg [dreg:$0x11]  }
0x60: {  	[tilespmem:s25], [sflag:$0x1] =	stream.indirect.gather [hbm4b:s3+s7], $0x20, s26, s7, $0xb8;
	[tilespmem:$0x17200] =	vst v63  }
0x61: {  	s28 =	simm.s32 $0x800  }
0x62: {  	[tilespmem:s11], [sflag:$0x1] =	stream.indirect.gather [hbm4b:s3+s7], $0x20, s28, s7, $0xb8;
	[tilespmem:$0x17200] =	vst v63  }
0x63: {  	s29 =	simm.s32 $0x880  }
0x64: {  	[tilespmem:s12], [sflag:$0x1] =	stream.indirect.gather [hbm4b:s3+s7], $0x20, s29, s7, $0xb8;
	[tilespmem:$0x17200] =	vst v63  }
0x65: {  	s30 =	simm.s32 $0x900  }
0x66: {  	[tilespmem:s13], [sflag:$0x1] =	stream.indirect.gather [hbm4b:s3+s7], $0x20, s30, s7, $0xb8;
	[tilespmem:$0x17200] =	vst v63  }
0x67: {  	s31 =	simm.s32 $0x980  }
0x68: {  	[tilespmem:s14], [sflag:$0x1] =	stream.indirect.gather [hbm4b:s3+s7], $0x20, s31, s7, $0xb8;
	[tilespmem:$0x17200] =	vst v63  }
0x69: {  	_ =	swait.ge [sflag:s9], $0x1000  }
0x6a: {  	[sflag:s9] =	ssyncset.done $0x0  }
0x6b: {  	[sflag:s9] =	ssyncadd.s32 $0xFFFFF000  }
0x6c: {  	_ =	swait.ge [sflag:s9], $0x1000  }
0x6d: {  	[sflag:s9] =	ssyncset.done $0x0  }
0x6e: {  	[sflag:s9] =	ssyncadd.s32 $0xFFFFF000  }
0x6f: {  	_ =	swait.ge [sflag:s9], $0x1000  }
0x70: {  	[sflag:s9] =	ssyncset.done $0x0  }
0x71: {  	[sflag:s9] =	ssyncadd.s32 $0xFFFFF000  }
0x72: {  	_ =	swait.ge [sflag:s9], $0x1000  }
0x73: {  	[sflag:s9] =	ssyncset.done $0x0  }
0x74: {  	[sflag:s9] =	ssyncadd.s32 $0xFFFFF000  }
0x75: {  	_ =	swait.ge [sflag:s9], $0x1000  }
0x76: {  	[sflag:s9] =	ssyncset.done $0x0  }
0x77: {  	[sflag:s9] =	ssyncadd.s32 $0xFFFFF000  }
0x78: {  	_ =	swait.ge [sflag:s9], $0x1000  }
0x79: {  	[sflag:s9] =	ssyncset.done $0x0  }
0x7a: {  	[sflag:s9] =	ssyncadd.s32 $0xFFFFF000  }
0x7b: {  	_ =	swait.ge [sflag:s9], $0x1000  }
0x7c: {  	[sflag:s9] =	ssyncset.done $0x0  }
0x7d: {  	[sflag:s9] =	ssyncadd.s32 $0xFFFFF000  }
0x7e: {  	_ =	swait.ge [sflag:s9], $0x1000  }
0x7f: {  	[sflag:s9] =	ssyncset.done $0x0  }
0x80: {  	[sflag:s9] =	ssyncadd.s32 $0xFFFFF000  }
0x81: {  	_ =	swait.ge [sflag:s9], $0x1000  }
0x82: {  	[sflag:s9] =	ssyncset.done $0x0  }
0x83: {  	[sflag:s9] =	ssyncadd.s32 $0xFFFFF000  }
0x84: {  	p1 =	por $0x0, $0x0;
	_ =	swait.ge [sflag:s9], $0x1000  }
0x85: {  	s19 =	simm.s32 $0x0;
	s18 =	simm.s32 $0x5000;
	[sflag:s9] =	ssyncset.done $0x0  }
0x86: {  	s17 =	simm.s32 $0x2800;
	s22 =	rddreg [dreg:$0x3];
	[sflag:s9] =	ssyncadd.s32 $0xFFFFF000  }
.LBB2_2:
0x87: {  	s21 =	simm.s32 @!p1 $0x2;
	s20 =	sadd.s32 s19, s22  }
0x88: {  	[hbm4b:s20+s2] =	stream.linear.scatter [tilespmem:s10], [sflag:$0x2], $0xA000, $0x38;
	[tilespmem:$0x17200] =	vst v63  }
0x89: {  	_ =	swait.ge @!p1 [sflag:s21], $0xA000  }
0x8a: {  	s19 =	smov.u32 s17;
	[sflag:s21] =	ssyncset.done @!p1 $0x0  }
0x8b: {  	s20 =	sshra.s32 s19, $0x2;
	[sflag:s21] =	ssyncadd.s32 @!p1 $0xFFFF6000  }
0x8c: {  	[tilespmem:s8], [sflag:$0x1] =	stream.indirect.gather [hbm4b:s3+s7], $0x20, s20, s7, $0xb8;
	[tilespmem:$0x17200] =	vst v63  }
0x8d: {  	s23 =	sadd.s32 $0x80, s20;
	s29 =	rddreg [dreg:$0x4]  }
0x8e: {  	[tilespmem:s29], [sflag:$0x1] =	stream.indirect.gather [hbm4b:s3+s7], $0x20, s23, s7, $0xb8;
	[tilespmem:$0x17200] =	vst v63  }
0x8f: {  	s30 =	sadd.s32 $0x100, s20;
	s24 =	rddreg [dreg:$0x5]  }
0x90: {  	[tilespmem:s24], [sflag:$0x1] =	stream.indirect.gather [hbm4b:s3+s7], $0x20, s30, s7, $0xb8;
	[tilespmem:$0x17200] =	vst v63  }
0x91: {  	s25 =	sadd.s32 $0x180, s20;
	s31 =	rddreg [dreg:$0x6]  }
0x92: {  	[tilespmem:s31], [sflag:$0x1] =	stream.indirect.gather [hbm4b:s3+s7], $0x20, s25, s7, $0xb8;
	[tilespmem:$0x17200] =	vst v63  }
0x93: {  	s28 =	sadd.s32 $0x200, s20;
	s26 =	rddreg [dreg:$0x7]  }
0x94: {  	[tilespmem:s26], [sflag:$0x1] =	stream.indirect.gather [hbm4b:s3+s7], $0x20, s28, s7, $0xb8;
	[tilespmem:$0x17200] =	vst v63  }
0x95: {  	s29 =	rddreg [dreg:$0x8];
	s30 =	sadd.s32 $0x280, s20  }
0x96: {  	[tilespmem:s29], [sflag:$0x1] =	stream.indirect.gather [hbm4b:s3+s7], $0x20, s30, s7, $0xb8;
	[tilespmem:$0x17200] =	vst v63  }
0x97: {  	s23 =	sadd.s32 $0x300, s20;
	s31 =	rddreg [dreg:$0x9]  }
0x98: {  	[tilespmem:s31], [sflag:$0x1] =	stream.indirect.gather [hbm4b:s3+s7], $0x20, s23, s7, $0xb8;
	[tilespmem:$0x17200] =	vst v63  }
0x99: {  	s25 =	rddreg [dreg:$0xa];
	s26 =	sadd.s32 $0x380, s20  }
0x9a: {  	[tilespmem:s25], [sflag:$0x1] =	stream.indirect.gather [hbm4b:s3+s7], $0x20, s26, s7, $0xb8;
	[tilespmem:$0x17200] =	vst v63  }
0x9b: {  	s28 =	rddreg [dreg:$0xb];
	s29 =	sadd.s32 $0x400, s20  }
0x9c: {  	[tilespmem:s28], [sflag:$0x1] =	stream.indirect.gather [hbm4b:s3+s7], $0x20, s29, s7, $0xb8;
	[tilespmem:$0x17200] =	vst v63  }
0x9d: {  	s30 =	rddreg [dreg:$0xc];
	s31 =	sadd.s32 $0x480, s20  }
0x9e: {  	[tilespmem:s30], [sflag:$0x1] =	stream.indirect.gather [hbm4b:s3+s7], $0x20, s31, s7, $0xb8;
	[tilespmem:$0x17200] =	vst v63  }
0x9f: {  	_ =	swait.ge [sflag:s9], $0x1000  }
0xa0: {  	[sflag:s9] =	ssyncset.done $0x0  }
0xa1: {  	[sflag:s9] =	ssyncadd.s32 $0xFFFFF000  }
0xa2: {  	_ =	swait.ge [sflag:s9], $0x1000  }
0xa3: {  	[sflag:s9] =	ssyncset.done $0x0  }
0xa4: {  	[sflag:s9] =	ssyncadd.s32 $0xFFFFF000  }
0xa5: {  	_ =	swait.ge [sflag:s9], $0x1000  }
0xa6: {  	[sflag:s9] =	ssyncset.done $0x0  }
0xa7: {  	[sflag:s9] =	ssyncadd.s32 $0xFFFFF000  }
0xa8: {  	_ =	swait.ge [sflag:s9], $0x1000  }
0xa9: {  	[sflag:s9] =	ssyncset.done $0x0  }
0xaa: {  	[sflag:s9] =	ssyncadd.s32 $0xFFFFF000  }
0xab: {  	_ =	swait.ge [sflag:s9], $0x1000  }
0xac: {  	[sflag:s9] =	ssyncset.done $0x0  }
0xad: {  	[sflag:s9] =	ssyncadd.s32 $0xFFFFF000  }
0xae: {  	_ =	swait.ge [sflag:s9], $0x1000  }
0xaf: {  	[sflag:s9] =	ssyncset.done $0x0  }
0xb0: {  	[sflag:s9] =	ssyncadd.s32 $0xFFFFF000  }
0xb1: {  	_ =	swait.ge [sflag:s9], $0x1000  }
0xb2: {  	[sflag:s9] =	ssyncset.done $0x0  }
0xb3: {  	[sflag:s9] =	ssyncadd.s32 $0xFFFFF000  }
0xb4: {  	_ =	swait.ge [sflag:s9], $0x1000  }
0xb5: {  	[sflag:s9] =	ssyncset.done $0x0  }
0xb6: {  	[sflag:s9] =	ssyncadd.s32 $0xFFFFF000  }
0xb7: {  	_ =	swait.ge [sflag:s9], $0x1000  }
0xb8: {  	[sflag:s9] =	ssyncset.done $0x0  }
0xb9: {  	[sflag:s9] =	ssyncadd.s32 $0xFFFFF000  }
0xba: {  	_ =	swait.ge [sflag:s9], $0x1000  }
0xbb: {  	s24 =	rddreg [dreg:$0x2];
	[sflag:s9] =	ssyncset.done $0x0  }
0xbc: {  	[sflag:s9] =	ssyncadd.s32 $0xFFFFF000;
	s22 =	sadd.s32 s19, s24  }
0xbd: {  	[hbm4b:s22+s2] =	stream.linear.scatter [tilespmem:s8], [sflag:$0x2], $0xA000, $0x38;
	[tilespmem:$0x17200] =	vst v63  }
0xbe: {  	_ =	swait.ge @!p1 [sflag:s21], $0xA000  }
0xbf: {  	[sflag:s21] =	ssyncset.done @!p1 $0x0  }
0xc0: {  	s25 =	sadd.s32 $0x500, s20;
	[sflag:s21] =	ssyncadd.s32 @!p1 $0xFFFF6000  }
0xc1: {  	[tilespmem:s10], [sflag:$0x1] =	stream.indirect.gather [hbm4b:s3+s7], $0x20, s25, s7, $0xb8;
	[tilespmem:$0x17200] =	vst v63  }
0xc2: {  	s28 =	sadd.s32 $0x580, s20;
	s26 =	rddreg [dreg:$0xd]  }
0xc3: {  	[tilespmem:s26], [sflag:$0x1] =	stream.indirect.gather [hbm4b:s3+s7], $0x20, s28, s7, $0xb8;
	[tilespmem:$0x17200] =	vst v63  }
0xc4: {  	s30 =	sadd.s32 $0x600, s20;
	s29 =	rddreg [dreg:$0xe]  }
0xc5: {  	[tilespmem:s29], [sflag:$0x1] =	stream.indirect.gather [hbm4b:s3+s7], $0x20, s30, s7, $0xb8;
	[tilespmem:$0x17200] =	vst v63  }
0xc6: {  	s23 =	sadd.s32 $0x680, s20;
	s31 =	rddreg [dreg:$0xf]  }
0xc7: {  	[tilespmem:s31], [sflag:$0x1] =	stream.indirect.gather [hbm4b:s3+s7], $0x20, s23, s7, $0xb8;
	[tilespmem:$0x17200] =	vst v63  }
0xc8: {  	s24 =	rddreg [dreg:$0x10];
	s25 =	sadd.s32 $0x700, s20  }
0xc9: {  	[tilespmem:s24], [sflag:$0x1] =	stream.indirect.gather [hbm4b:s3+s7], $0x20, s25, s7, $0xb8;
	[tilespmem:$0x17200] =	vst v63  }
0xca: {  	s26 =	rddreg [dreg:$0x11];
	s28 =	sadd.s32 $0x780, s20  }
0xcb: {  	[tilespmem:s26], [sflag:$0x1] =	stream.indirect.gather [hbm4b:s3+s7], $0x20, s28, s7, $0xb8;
	[tilespmem:$0x17200] =	vst v63  }
0xcc: {  	s29 =	sadd.s32 $0x800, s20  }
0xcd: {  	[tilespmem:s11], [sflag:$0x1] =	stream.indirect.gather [hbm4b:s3+s7], $0x20, s29, s7, $0xb8;
	[tilespmem:$0x17200] =	vst v63  }
0xce: {  	s30 =	sadd.s32 $0x880, s20  }
0xcf: {  	[tilespmem:s12], [sflag:$0x1] =	stream.indirect.gather [hbm4b:s3+s7], $0x20, s30, s7, $0xb8;
	[tilespmem:$0x17200] =	vst v63  }
0xd0: {  	s31 =	sadd.s32 $0x900, s20  }
0xd1: {  	[tilespmem:s13], [sflag:$0x1] =	stream.indirect.gather [hbm4b:s3+s7], $0x20, s31, s7, $0xb8;
	[tilespmem:$0x17200] =	vst v63  }
0xd2: {  	s20 =	sadd.s32 $0x980, s20  }
0xd3: {  	[tilespmem:s14], [sflag:$0x1] =	stream.indirect.gather [hbm4b:s3+s7], $0x20, s20, s7, $0xb8;
	[tilespmem:$0x17200] =	vst v63  }
0xd4: {  	_ =	swait.ge [sflag:s9], $0x1000  }
0xd5: {  	[sflag:s9] =	ssyncset.done $0x0  }
0xd6: {  	[sflag:s9] =	ssyncadd.s32 $0xFFFFF000  }
0xd7: {  	_ =	swait.ge [sflag:s9], $0x1000  }
0xd8: {  	[sflag:s9] =	ssyncset.done $0x0  }
0xd9: {  	[sflag:s9] =	ssyncadd.s32 $0xFFFFF000  }
0xda: {  	_ =	swait.ge [sflag:s9], $0x1000  }
0xdb: {  	[sflag:s9] =	ssyncset.done $0x0  }
0xdc: {  	[sflag:s9] =	ssyncadd.s32 $0xFFFFF000  }
0xdd: {  	_ =	swait.ge [sflag:s9], $0x1000  }
0xde: {  	[sflag:s9] =	ssyncset.done $0x0  }
0xdf: {  	[sflag:s9] =	ssyncadd.s32 $0xFFFFF000  }
0xe0: {  	_ =	swait.ge [sflag:s9], $0x1000  }
0xe1: {  	[sflag:s9] =	ssyncset.done $0x0  }
0xe2: {  	[sflag:s9] =	ssyncadd.s32 $0xFFFFF000  }
0xe3: {  	_ =	swait.ge [sflag:s9], $0x1000  }
0xe4: {  	[sflag:s9] =	ssyncset.done $0x0  }
0xe5: {  	[sflag:s9] =	ssyncadd.s32 $0xFFFFF000  }
0xe6: {  	_ =	swait.ge [sflag:s9], $0x1000  }
0xe7: {  	[sflag:s9] =	ssyncset.done $0x0  }
0xe8: {  	[sflag:s9] =	ssyncadd.s32 $0xFFFFF000  }
0xe9: {  	_ =	swait.ge [sflag:s9], $0x1000  }
0xea: {  	[sflag:s9] =	ssyncset.done $0x0  }
0xeb: {  	s17 =	smov.u32 s18;
	s18 =	sadd.s32 $0x2800, s18;
	[sflag:s9] =	ssyncadd.s32 $0xFFFFF000  }
0xec: {  	p0 =	sne.s32 s18, $0xC800;
	_ =	swait.ge [sflag:s9], $0x1000  }
.Ltmp0:
0xed: {  	[sflag:s9] =	ssyncset.done $0x0;
	(pc) =	sbr.rel @p0 .LBB2_2-.Ltmp0, $4  }
0xee: {  	[sflag:s9] =	ssyncadd.s32 $0xFFFFF000  }
0xef: {  	_ =	swait.ge [sflag:s9], $0x1000  }
0xf0: {  	[sflag:s9] =	ssyncset.done $0x0  }
0xf1: {  	p1 =	seq.s32 s17, $0x0;
	s22 =	rddreg [dreg:$0x3];
	[sflag:s9] =	ssyncadd.s32 $0xFFFFF000  }
0xf2: {  	s20 =	simm.s32 @!p1 $0x2;
	s18 =	sadd.s32 s19, s22  }
0xf3: {  	[hbm4b:s18+s2] =	stream.linear.scatter [tilespmem:s10], [sflag:$0x2], $0xA000, $0x38;
	[tilespmem:$0x17200] =	vst v63  }
0xf4: {  	_ =	swait.ge @!p1 [sflag:s20], $0xA000  }
0xf5: {  	[sflag:s20] =	ssyncset.done @!p1 $0x0  }
0xf6: {  	s18 =	sshra.s32 s17, $0x2;
	[sflag:s20] =	ssyncadd.s32 @!p1 $0xFFFF6000  }
0xf7: {  	[tilespmem:s8], [sflag:$0x1] =	stream.indirect.gather [hbm4b:s3+s7], $0x20, s18, s7, $0xb8;
	[tilespmem:$0x17200] =	vst v63  }
0xf8: {  	s21 =	sadd.s32 $0x80, s18;
	s23 =	rddreg [dreg:$0x4]  }
0xf9: {  	[tilespmem:s23], [sflag:$0x1] =	stream.indirect.gather [hbm4b:s3+s7], $0x20, s21, s7, $0xb8;
	[tilespmem:$0x17200] =	vst v63  }
0xfa: {  	s25 =	sadd.s32 $0x100, s18;
	s24 =	rddreg [dreg:$0x5]  }
0xfb: {  	[tilespmem:s24], [sflag:$0x1] =	stream.indirect.gather [hbm4b:s3+s7], $0x20, s25, s7, $0xb8;
	[tilespmem:$0x17200] =	vst v63  }
0xfc: {  	s28 =	sadd.s32 $0x180, s18;
	s26 =	rddreg [dreg:$0x6]  }
0xfd: {  	[tilespmem:s26], [sflag:$0x1] =	stream.indirect.gather [hbm4b:s3+s7], $0x20, s28, s7, $0xb8;
	[tilespmem:$0x17200] =	vst v63  }
0xfe: {  	s30 =	sadd.s32 $0x200, s18;
	s29 =	rddreg [dreg:$0x7]  }
0xff: {  	[tilespmem:s29], [sflag:$0x1] =	stream.indirect.gather [hbm4b:s3+s7], $0x20, s30, s7, $0xb8;
	[tilespmem:$0x17200] =	vst v63  }
0x100: {  	s31 =	rddreg [dreg:$0x8];
	s23 =	sadd.s32 $0x280, s18  }
0x101: {  	[tilespmem:s31], [sflag:$0x1] =	stream.indirect.gather [hbm4b:s3+s7], $0x20, s23, s7, $0xb8;
	[tilespmem:$0x17200] =	vst v63  }
0x102: {  	s24 =	rddreg [dreg:$0x9];
	s25 =	sadd.s32 $0x300, s18  }
0x103: {  	[tilespmem:s24], [sflag:$0x1] =	stream.indirect.gather [hbm4b:s3+s7], $0x20, s25, s7, $0xb8;
	[tilespmem:$0x17200] =	vst v63  }
0x104: {  	s26 =	rddreg [dreg:$0xa];
	s28 =	sadd.s32 $0x380, s18  }
0x105: {  	[tilespmem:s26], [sflag:$0x1] =	stream.indirect.gather [hbm4b:s3+s7], $0x20, s28, s7, $0xb8;
	[tilespmem:$0x17200] =	vst v63  }
0x106: {  	s29 =	rddreg [dreg:$0xb];
	s30 =	sadd.s32 $0x400, s18  }
0x107: {  	[tilespmem:s29], [sflag:$0x1] =	stream.indirect.gather [hbm4b:s3+s7], $0x20, s30, s7, $0xb8;
	[tilespmem:$0x17200] =	vst v63  }
0x108: {  	s31 =	rddreg [dreg:$0xc];
	s23 =	sadd.s32 $0x480, s18  }
0x109: {  	[tilespmem:s31], [sflag:$0x1] =	stream.indirect.gather [hbm4b:s3+s7], $0x20, s23, s7, $0xb8;
	[tilespmem:$0x17200] =	vst v63  }
0x10a: {  	_ =	swait.ge [sflag:s9], $0x1000  }
0x10b: {  	[sflag:s9] =	ssyncset.done $0x0  }
0x10c: {  	[sflag:s9] =	ssyncadd.s32 $0xFFFFF000  }
0x10d: {  	_ =	swait.ge [sflag:s9], $0x1000  }
0x10e: {  	[sflag:s9] =	ssyncset.done $0x0  }
0x10f: {  	[sflag:s9] =	ssyncadd.s32 $0xFFFFF000  }
0x110: {  	_ =	swait.ge [sflag:s9], $0x1000  }
0x111: {  	[sflag:s9] =	ssyncset.done $0x0  }
0x112: {  	[sflag:s9] =	ssyncadd.s32 $0xFFFFF000  }
0x113: {  	_ =	swait.ge [sflag:s9], $0x1000  }
0x114: {  	[sflag:s9] =	ssyncset.done $0x0  }
0x115: {  	[sflag:s9] =	ssyncadd.s32 $0xFFFFF000  }
0x116: {  	_ =	swait.ge [sflag:s9], $0x1000  }
0x117: {  	[sflag:s9] =	ssyncset.done $0x0  }
0x118: {  	[sflag:s9] =	ssyncadd.s32 $0xFFFFF000  }
0x119: {  	_ =	swait.ge [sflag:s9], $0x1000  }
0x11a: {  	[sflag:s9] =	ssyncset.done $0x0  }
0x11b: {  	[sflag:s9] =	ssyncadd.s32 $0xFFFFF000  }
0x11c: {  	_ =	swait.ge [sflag:s9], $0x1000  }
0x11d: {  	[sflag:s9] =	ssyncset.done $0x0  }
0x11e: {  	[sflag:s9] =	ssyncadd.s32 $0xFFFFF000  }
0x11f: {  	_ =	swait.ge [sflag:s9], $0x1000  }
0x120: {  	[sflag:s9] =	ssyncset.done $0x0  }
0x121: {  	[sflag:s9] =	ssyncadd.s32 $0xFFFFF000  }
0x122: {  	_ =	swait.ge [sflag:s9], $0x1000  }
0x123: {  	[sflag:s9] =	ssyncset.done $0x0  }
0x124: {  	[sflag:s9] =	ssyncadd.s32 $0xFFFFF000  }
0x125: {  	_ =	swait.ge [sflag:s9], $0x1000  }
0x126: {  	s24 =	rddreg [dreg:$0x2];
	[sflag:s9] =	ssyncset.done $0x0  }
0x127: {  	[sflag:s9] =	ssyncadd.s32 $0xFFFFF000;
	s19 =	sadd.s32 s17, s24  }
0x128: {  	[hbm4b:s19+s2] =	stream.linear.scatter [tilespmem:s8], [sflag:$0x2], $0xA000, $0x38;
	[tilespmem:$0x17200] =	vst v63  }
0x129: {  	_ =	swait.ge @!p1 [sflag:s20], $0xA000  }
0x12a: {  	[sflag:s20] =	ssyncset.done @!p1 $0x0  }
0x12b: {  	s25 =	sadd.s32 $0x500, s18;
	[sflag:s20] =	ssyncadd.s32 @!p1 $0xFFFF6000  }
0x12c: {  	[tilespmem:s10], [sflag:$0x1] =	stream.indirect.gather [hbm4b:s3+s7], $0x20, s25, s7, $0xb8;
	[tilespmem:$0x17200] =	vst v63  }
0x12d: {  	s28 =	sadd.s32 $0x580, s18;
	s26 =	rddreg [dreg:$0xd]  }
0x12e: {  	[tilespmem:s26], [sflag:$0x1] =	stream.indirect.gather [hbm4b:s3+s7], $0x20, s28, s7, $0xb8;
	[tilespmem:$0x17200] =	vst v63  }
0x12f: {  	s30 =	sadd.s32 $0x600, s18;
	s29 =	rddreg [dreg:$0xe]  }
0x130: {  	[tilespmem:s29], [sflag:$0x1] =	stream.indirect.gather [hbm4b:s3+s7], $0x20, s30, s7, $0xb8;
	[tilespmem:$0x17200] =	vst v63  }
0x131: {  	s21 =	sadd.s32 $0x680, s18;
	s31 =	rddreg [dreg:$0xf]  }
0x132: {  	[tilespmem:s31], [sflag:$0x1] =	stream.indirect.gather [hbm4b:s3+s7], $0x20, s21, s7, $0xb8;
	[tilespmem:$0x17200] =	vst v63  }
0x133: {  	s23 =	sadd.s32 $0x700, s18;
	s22 =	rddreg [dreg:$0x10]  }
0x134: {  	[tilespmem:s22], [sflag:$0x1] =	stream.indirect.gather [hbm4b:s3+s7], $0x20, s23, s7, $0xb8;
	[tilespmem:$0x17200] =	vst v63  }
0x135: {  	s24 =	rddreg [dreg:$0x11];
	s25 =	sadd.s32 $0x780, s18  }
0x136: {  	[tilespmem:s24], [sflag:$0x1] =	stream.indirect.gather [hbm4b:s3+s7], $0x20, s25, s7, $0xb8;
	[tilespmem:$0x17200] =	vst v63  }
0x137: {  	s26 =	sadd.s32 $0x800, s18  }
0x138: {  	[tilespmem:s11], [sflag:$0x1] =	stream.indirect.gather [hbm4b:s3+s7], $0x20, s26, s7, $0xb8;
	[tilespmem:$0x17200] =	vst v63  }
0x139: {  	s28 =	sadd.s32 $0x880, s18  }
0x13a: {  	[tilespmem:s12], [sflag:$0x1] =	stream.indirect.gather [hbm4b:s3+s7], $0x20, s28, s7, $0xb8;
	[tilespmem:$0x17200] =	vst v63  }
0x13b: {  	s29 =	sadd.s32 $0x900, s18  }
0x13c: {  	[tilespmem:s13], [sflag:$0x1] =	stream.indirect.gather [hbm4b:s3+s7], $0x20, s29, s7, $0xb8;
	[tilespmem:$0x17200] =	vst v63  }
0x13d: {  	s18 =	sadd.s32 $0x980, s18  }
0x13e: {  	[tilespmem:s14], [sflag:$0x1] =	stream.indirect.gather [hbm4b:s3+s7], $0x20, s18, s7, $0xb8;
	[tilespmem:$0x17200] =	vst v63  }
0x13f: {  	_ =	swait.ge [sflag:s9], $0x1000  }
0x140: {  	[sflag:s9] =	ssyncset.done $0x0  }
0x141: {  	[sflag:s9] =	ssyncadd.s32 $0xFFFFF000  }
0x142: {  	_ =	swait.ge [sflag:s9], $0x1000  }
0x143: {  	[sflag:s9] =	ssyncset.done $0x0  }
0x144: {  	[sflag:s9] =	ssyncadd.s32 $0xFFFFF000  }
0x145: {  	_ =	swait.ge [sflag:s9], $0x1000  }
0x146: {  	[sflag:s9] =	ssyncset.done $0x0  }
0x147: {  	[sflag:s9] =	ssyncadd.s32 $0xFFFFF000  }
0x148: {  	_ =	swait.ge [sflag:s9], $0x1000  }
0x149: {  	[sflag:s9] =	ssyncset.done $0x0  }
0x14a: {  	[sflag:s9] =	ssyncadd.s32 $0xFFFFF000  }
0x14b: {  	_ =	swait.ge [sflag:s9], $0x1000  }
0x14c: {  	[sflag:s9] =	ssyncset.done $0x0  }
0x14d: {  	[sflag:s9] =	ssyncadd.s32 $0xFFFFF000  }
0x14e: {  	_ =	swait.ge [sflag:s9], $0x1000  }
0x14f: {  	[sflag:s9] =	ssyncset.done $0x0  }
0x150: {  	[sflag:s9] =	ssyncadd.s32 $0xFFFFF000  }
0x151: {  	_ =	swait.ge [sflag:s9], $0x1000  }
0x152: {  	[sflag:s9] =	ssyncset.done $0x0  }
0x153: {  	[sflag:s9] =	ssyncadd.s32 $0xFFFFF000  }
0x154: {  	_ =	swait.ge [sflag:s9], $0x1000  }
0x155: {  	[sflag:s9] =	ssyncset.done $0x0  }
0x156: {  	[sflag:s9] =	ssyncadd.s32 $0xFFFFF000  }
0x157: {  	_ =	swait.ge [sflag:s9], $0x1000  }
0x158: {  	[sflag:s9] =	ssyncset.done $0x0  }
0x159: {  	[sflag:s9] =	ssyncadd.s32 $0xFFFFF000  }
0x15a: {  	_ =	swait.ge [sflag:s9], $0x1000  }
0x15b: {  	s30 =	rddreg [dreg:$0x3];
	[sflag:s9] =	ssyncset.done $0x0  }
0x15c: {  	s16 =	sadd.s32 $0x1, s16;
	[sflag:s9] =	ssyncadd.s32 $0xFFFFF000;
	s31 =	sadd.s32 s17, s30  }
0x15d: {  	[hbm4b:s31+s2] =	stream.linear.scatter [tilespmem:s10], [sflag:$0x2], $0xA000, $0x38;
	[tilespmem:$0x17200] =	vst v63  }
0x15e: {  	p0 =	sne.s32 s16, s5;
	_ =	swait.ge [sflag:s15], $0xA000  }
.Ltmp1:
0x15f: {  	[sflag:s15] =	ssyncset.done $0x0;
	(pc) =	sbr.rel @p0 .LBB2_1-.Ltmp1, $4  }
0x160: {  	[sflag:s15] =	ssyncadd.s32 $0xFFFF6000  }
0x161: {  	_ =	swait.ge [sflag:s15], $0xA000  }
0x162: {  	[sflag:s15] =	ssyncset.done $0x0  }
0x163: {  	[sflag:s15] =	ssyncadd.s32 $0xFFFF6000  }
0x164: {  	_ =	sfence.sel $0x180000  }
0x165: {  	[bflag:$0x0] =	sbarrier.arrive $0xFFFF  }
0x166: {  	p0 =	sne.s32 s0, $0x0;
	_ =	strace $0x90000047  }
0x167: {  	s0 =	sadd.s32 @!p0 $0x100000, s1;
	[bflag:$0x2] =	sbarrier.arrive $0xFFFF  }
0x168: {  	[sflag:s0] =	ssyncadd.tile.s32 @!p0 $0x1;
	_ =	shalt  }
.Lfunc_end2:
_tile_overlayer_lowered:
.L_overlay_start_2:
0x169: {  	(tag) =	ssettag $0x2  }
0x16a: {  	s0 =	rddreg [dreg:$0x0];
	s2 =	stileid.u32  }
0x16b: {  	s1 =	rddreg [dreg:$0x1];
	p0 =	sne.s32 s2, $0x0  }
0x16c: {  	s3 =	rddreg [dreg:$0x2];
	[bflag:$0x3] =	sbarrier.arrive $0xFFFF;
	s2 =	simm.s32 @!p0 $0x1C03  }
0x16d: {  	[timem:s3], [sflag:s2] =	dma.local @!p0 [hbm:s0], s1  }
0x16e: {  	s0 =	simm.s32 @!p0 $0x3  }
0x16f: {  	_ =	swait.ge @!p0 [sflag:s0], s1  }
0x170: {  	s1 =	ssub.s32 @!p0 $0x0, s1;
	[sflag:s0] =	ssyncset.done @!p0 $0x0  }
0x171: {  	[sflag:s0] =	ssyncadd.s32 @!p0 s1  }
0x172: {  	[bflag:$0x3] =	sbarrier.arrive $0xFFFF  }
0x173: {  	_ =	shalt  }

// kernel: kernel.9.cloned.1.call-start
scs
__scs_entry_jumppad:
0x0: {  	(pc) =	sbr.rel $0x88, $3  }
0x1: {  	(tag) =	ssettag $0x0;
	lr =	simm.s32 $0x1  }
0x2: {  	[smem:$0x3F9B] =	sst lr;
	_ =	strace $0xD0000000  }
0x3: {  	_ = 	snop  }
0x4: {  	_ = 	snop  }
0x5: {  	_ = 	snop  }
0x6: {  	_ = 	snop  }
0x7: {  	_ = 	snop  }
__scs_overlays_trampoline_lowered:
0x8: {  	[smem:$0x3FAA] =	sst s0  }
0x9: {  	[smem:$0x3FAB] =	sst s1  }
0xa: {  	[smem:$0x3FAC] =	sst s2  }
0xb: {  	[smem:$0x3FAD] =	sst s3  }
0xc: {  	[smem:$0x3FAE] =	sst s4  }
0xd: {  	[smem:$0x3FAF] =	sst s5  }
0xe: {  	[smem:$0x3FB0] =	sst s6  }
0xf: {  	[smem:$0x3FB1] =	sst s7  }
0x10: {  	[smem:$0x3FB2] =	sst s8  }
0x11: {  	[smem:$0x3FB3] =	sst s9;
	s0 =	simm.s32 @!p0 $0x0  }
0x12: {  	s1 =	sld [smem:$0x3F99];
	s0 =	simm.s32 @p0 $0x1  }
0x13: {  	[smem:$0x3FB4] =	sst s0;
	s0 =	simm.s32 @!p1 $0x0  }
0x14: {  	s2 =	sld [smem:$0x3F98];
	s0 =	simm.s32 @p1 $0x1  }
0x15: {  	[smem:$0x3FB5] =	sst s0;
	s0 =	simm.s32 @!p2 $0x0  }
0x16: {  	s3 =	sld [smem:$0x3FDB];
	s0 =	simm.s32 @p2 $0x1  }
0x17: {  	s4 =	simm.s32 $0x1BF5;
	[smem:$0x3FB7] =	sst s0  }
0x18: {  	s0 =	sld [smem:$0x3F9A];
	_ =	swait.ge [sflag:s4], $0x0  }
0x19: {  	s7 =	sld [smem:$0x3F9B]  }
0x1a: {  	s8 =	sadd.s32 $0xFFFFE003, lr  }
0x1b: {  	s9 =	sadd.s32 $0xFFFFFEF7, lr;
	s5 =	simm.s32 $0xFFFFFFFF;
	p2 =	slt.u32 s8, $0xFFFFF086  }
0x1c: {  	p1 =	slt.u32 s9, $0xF7A;
	s5 =	simm.s32 @!p2 $0x0  }
0x1d: {  	s5 =	simm.s32 @p1 $0x1;
	p0 =	seq.s32 s7, s2  }
0x1e: {  	s7 =	smul.u32 @!p0 $0xF7A, s2;
	p2 =	seq.s32 @!p0 s5, $0x0  }
0x1f: {  	s9 =	smul.u32 $0xF7A, s1;
	s8 =	simm.s32 @!p0 $0x1BF5;
	p2 =	por !p2, p0  }
0x20: {  	[sflag:s8] =	ssyncset.s32 @!p0 $0xFFFFF086;
	s6 =	sadd.s32 @!p0 s3, s7;
	s7 =	simm.s32 @!p0 $0x108  }
0x21: {  	s3 =	sadd.s32 s3, s9;
	s6 =	sadd.s32 @!p0 $0x88, s6;
	s7 =	simm.s32 @p2 $0x1082  }
0x22: {  	[simem:s7], [sflag:s8] =	dma.local @!p0 [hbm:s6], $0xF7A  }
0x23: {  	s9 =	sor.u32 $0xD0000000, s2;
	s6 =	simm.s32 $0x108;
	_ =	swait.ge @!p0 [sflag:s8], $0x0  }
0x24: {  	s3 =	sadd.s32 $0x88, s3;
	s6 =	simm.s32 @!p1 $0x1082;
	[sflag:s4] =	ssyncset.s32 $0xFFFFF086  }
0x25: {  	[simem:s6], [sflag:s4] =	dma.local [hbm:s3], $0xF7A  }
0x26: {  	[smem:$0x3F9B] =	sst s1;
	(tag) =	ssettag s2;
	_ =	strace s9  }
0x27: {  	s1 =	sld [smem:$0x3FAB]  }
0x28: {  	s2 =	sld [smem:$0x3FAC]  }
0x29: {  	s4 =	sld [smem:$0x3FAE]  }
0x2a: {  	p0 =	seq.s32 s5, $0x0;
	s5 =	sld [smem:$0x3FAF]  }
0x2b: {  	s6 =	sld [smem:$0x3FB0]  }
0x2c: {  	s7 =	sld [smem:$0x3FB1]  }
0x2d: {  	s3 =	simm.s32 $0x108;
	s8 =	sld [smem:$0x3FB2]  }
0x2e: {  	s3 =	simm.s32 @!p0 $0x1082;
	s9 =	sld [smem:$0x3FB3]  }
0x2f: {  	lr =	sadd.s32 s0, s3;
	s0 =	sld [smem:$0x3FAA]  }
0x30: {  	s3 =	sld [smem:$0x3FAD]  }
0x31: {  	[smem:$0x3FB6] =	sst s10  }
0x32: {  	s10 =	sld [smem:$0x3FB4];
	_ =	sdelay $0x3  }
0x33: {  	p0 =	seq.s32 s10, $0x1;
	s10 =	sld [smem:$0x3FB6];
	_ =	sdelay $0x3  }
0x34: {  	[smem:$0x3FB6] =	sst s10  }
0x35: {  	s10 =	sld [smem:$0x3FB5];
	_ =	sdelay $0x3  }
0x36: {  	p1 =	seq.s32 s10, $0x1;
	s10 =	sld [smem:$0x3FB6];
	_ =	sdelay $0x3  }
0x37: {  	[smem:$0x3FB6] =	sst s10  }
0x38: {  	s10 =	sld [smem:$0x3FB7]  }
0x39: {  	_ = 	snop;
	(pc) =	sbr.ind lr, $3  }
0x3a: {  	_ = 	snop  }
0x3b: {  	_ = 	snop  }
0x3c: {  	p2 =	seq.s32 s10, $0x1;
	s10 =	sld [smem:$0x3FB6]  }
0x3d: {  	_ =	shalt  }
0x3e: {  	_ =	shalt  }
0x3f: {  	_ =	shalt  }
0x40: {  	_ =	shalt  }
0x41: {  	_ =	shalt  }
0x42: {  	_ =	shalt  }
0x43: {  	_ =	shalt  }
0x44: {  	_ =	shalt  }
0x45: {  	_ =	shalt  }
0x46: {  	_ =	shalt  }
0x47: {  	_ =	shalt  }
0x48: {  	_ =	shalt  }
0x49: {  	_ =	shalt  }
0x4a: {  	_ =	shalt  }
0x4b: {  	_ =	shalt  }
0x4c: {  	_ =	shalt  }
0x4d: {  	_ =	shalt  }
0x4e: {  	_ =	shalt  }
0x4f: {  	_ =	shalt  }
0x50: {  	_ =	shalt  }
0x51: {  	_ =	shalt  }
0x52: {  	_ =	shalt  }
0x53: {  	_ =	shalt  }
0x54: {  	_ =	shalt  }
0x55: {  	_ =	shalt  }
0x56: {  	_ =	shalt  }
0x57: {  	_ =	shalt  }
0x58: {  	_ =	shalt  }
0x59: {  	_ =	shalt  }
0x5a: {  	_ =	shalt  }
0x5b: {  	_ =	shalt  }
0x5c: {  	_ =	shalt  }
0x5d: {  	_ =	shalt  }
0x5e: {  	_ =	shalt  }
0x5f: {  	_ =	shalt  }
0x60: {  	_ =	shalt  }
0x61: {  	_ =	shalt  }
0x62: {  	_ =	shalt  }
0x63: {  	_ =	shalt  }
0x64: {  	_ =	shalt  }
0x65: {  	_ =	shalt  }
0x66: {  	_ =	shalt  }
0x67: {  	_ =	shalt  }
0x68: {  	_ =	shalt  }
0x69: {  	_ =	shalt  }
0x6a: {  	_ =	shalt  }
0x6b: {  	_ =	shalt  }
0x6c: {  	_ =	shalt  }
0x6d: {  	_ =	shalt  }
0x6e: {  	_ =	shalt  }
0x6f: {  	_ =	shalt  }
0x70: {  	_ =	shalt  }
0x71: {  	_ =	shalt  }
0x72: {  	_ =	shalt  }
0x73: {  	_ =	shalt  }
0x74: {  	_ =	shalt  }
0x75: {  	_ =	shalt  }
0x76: {  	_ =	shalt  }
0x77: {  	_ =	shalt  }
0x78: {  	_ =	shalt  }
0x79: {  	_ =	shalt  }
0x7a: {  	_ =	shalt  }
0x7b: {  	_ =	shalt  }
0x7c: {  	_ =	shalt  }
0x7d: {  	_ =	shalt  }
0x7e: {  	_ =	shalt  }
0x7f: {  	_ =	shalt  }
0x80: {  	_ =	shalt  }
0x81: {  	_ =	shalt  }
0x82: {  	_ =	shalt  }
0x83: {  	_ =	shalt  }
0x84: {  	_ =	shalt  }
0x85: {  	_ =	shalt  }
0x86: {  	_ =	shalt  }
0x87: {  	_ =	shalt  }
.Lfunc_end0:
.L_simem_size_0:
called_computation.1_lowered:
.L_overlay_start_0:
0x88: {  	s2 =	sld [smem:$0x3FD9]  }
0x89: {  	s3 =	sld [smem:$0x3FFE];
	_ =	sdelay $0x1  }
0x8a: {  	s1 =	srdreg.scid  }
0x8b: {  	s0 =	sand.u32 $0x1, s1  }
0x8c: {  	s17 =	sshll.u32 s0, $0xA;
	s2 =	sadd.s32 s3, s2  }
0x8d: {  	s2 =	sadd.s32 s2, s17  }
0x8e: {  	[smem:$0x3FC2] =	sst s2  }
0x8f: {  	_ = 	snop  }
0x90: {  	(tm) =	ssettm $0x1  }
0x91: {  	s18 =	sld [smem:$0x3FFB];
	_ =	sdelay $0x3  }
0x92: {  	_ =	strace s18  }
0x93: {  	s2 =	sld [smem:$0x3FFC];
	_ =	sdelay $0x3  }
0x94: {  	_ =	strace s2  }
0x95: {  	s2 =	sld [smem:$0x3FFD];
	_ =	sdelay $0x3  }
0x96: {  	_ =	strace s2  }
0x97: {  	_ =	strace $0x8FFFFFFF  }
0x98: {  	s19 =	sld [smem:$0x3FDB];
	_ =	sdelay $0x1  }
0x99: {  	s20 =	simm.s32 $_scs_section_size  }
0x9a: {  	s4 =	simm.s32 $_size__tile_overlayer_lowered;
	s5 =	simm.s32 $_tile_overlayer_lowered  }
0x9b: {  	s6 =	simm.s32 $0x1BFF;
	s21 =	sshll.u32 s5, $0x1;
	s3 =	sadd.s32 s20, s19  }
0x9c: {  	s22 =	simm.s32 $0x0;
	s4 =	sshll.u32 s4, $0x1;
	s5 =	sadd.s32 s21, s3  }
0x9d: {  	[timem:s22], [sflag:s6] =	dma.local [hbm:s5], s4  }
0x9e: {  	_ =	swait.ge [sflag:s6], s4  }
0x9f: {  	s4 =	ssub.s32 $0x0, s4;
	[sflag:s6] =	ssyncset.done $0x0  }
0xa0: {  	[sflag:s6] =	ssyncadd.s32 s4;
	_ =	sdelay $0x1  }
0xa1: {  	s23 =	simm.s32 $0x1B8B  }
0xa2: {  	_ =	swait.ge [sflag:s23], $0x1  }
0xa3: {  	[sflag:s23] =	ssyncset.done $0x0  }
0xa4: {  	[sflag:s23] =	ssyncadd.s32 $0xFFFFFFFF  }
0xa5: {  	s4 =	sld [smem:$0x0]  }
0xa6: {  	s5 =	sand.u32 $0xFFFFFFFE, s1  }
0xa7: {  	p0 =	sne.s32 s1, s5  }
0xa8: {  	s5 =	sshll.u32 @p0 s5, $0xE  }
0xa9: {  	s5 =	sadd.s32 @p0 $0x11B8D, s5;
	s6 =	sshll.u32 @p0 s4, $0x11  }
0xaa: {  	s5 =	sor.u32 @p0 s6, s5  }
0xab: {  	[sflag:s5] =	ssyncadd.remote.s32 @p0 $0x1;
	_ =	sdelay $0x1  }
0xac: {  	s5 =	simm.s32 @p0 $0x1B8D  }
0xad: {  	_ =	swait.eq @p0 [sflag:s5], $0x1  }
0xae: {  	[sflag:s5] =	ssyncadd.s32 @p0 $0xFFFFFFFF  }
0xaf: {  	s6 =	sshll.u32 @!p0 s1, $0xE  }
0xb0: {  	s6 =	sor.u32 @!p0 $0x4000, s6;
	s5 =	simm.s32 @!p0 $0x1B8D  }
0xb1: {  	s4 =	sshll.u32 @!p0 s4, $0x11;
	s6 =	sadd.s32 @!p0 $0x11B8D, s6;
	_ =	swait.eq @!p0 [sflag:s5], $0x1  }
0xb2: {  	s4 =	sor.u32 @!p0 s4, s6;
	[sflag:s5] =	ssyncadd.s32 @!p0 $0xFFFFFFFF  }
0xb3: {  	s25 =	simm.s32 $0x1B8E;
	s24 =	sld [smem:$0x3FFE];
	[sflag:s4] =	ssyncadd.remote.s32 @!p0 $0x1  }
0xb4: {  	s26 =	simm.s32 $execute0_lowered;
	[smem:$0x3FD2] =	sst s25  }
0xb5: {  	s5 =	sshll.u32 s26, $0x1;
	_ =	strace $0x80000049;
	[dreg:$0x1] =	wrdreg $0xFFFFFFFF  }
0xb6: {  	s28 =	simm.s32 $_size_execute0_lowered;
	s3 =	sadd.s32 s3, s5;
	[dreg:$0x0] =	wrdreg $0x0  }
0xb7: {  	s5 =	sshll.u32 s28, $0x1;
	[dreg:$0x2] =	wrdreg s3  }
0xb8: {  	[dreg:$0x3] =	wrdreg s5  }
0xb9: {  	[dreg:$0x4] =	wrdreg $0xC0  }
0xba: {  	_ =	task [dreg:s22], $0x5FFFF  }
0xbb: {  	[dreg:$0x1] =	wrdreg $0xFFFFFFFF  }
0xbc: {  	[dreg:$0x0] =	wrdreg $0x60  }
0xbd: {  	[dreg:$0x2] =	wrdreg s24  }
0xbe: {  	[dreg:$0x3] =	wrdreg $0xA  }
0xbf: {  	_ =	task.clear_ibuf [dreg:s22], $0x4FFFF;
	_ =	strace $0x90000049  }
0xc0: {  	s29 =	simm.s32 $0xA;
	_ =	strace $0x8000004B  }
0xc1: {  	_ =	swait.ge [sflag:s29], $0x1  }
0xc2: {  	[sflag:s29] =	ssyncadd.s32 $0xFFFFFFFF  }
0xc3: {  	_ =	strace $0x9000004B  }
0xc4: {  	_ =	sfence  }
0xc5: {  	s30 =	sld [smem:$0x0];
	_ =	sdelay $0x2  }
0xc6: {  	s31 =	sshll.u32 s1, $0xD;
	s1 =	sshrl.u32 s1, $0x2  }
0xc7: {  	s4 =	sand.u32 $0x4000, s31;
	s1 =	sadd.s32 s1, s30  }
0xc8: {  	s0 =	sor.u32 s4, s0;
	s1 =	sshll.u32 s1, $0x11  }
0xc9: {  	s0 =	sor.u32 s1, s0  }
0xca: {  	s0 =	sadd.s32 $0x8F2B, s0  }
0xcb: {  	[sflag:s0] =	ssyncadd.remote.s32 $0x1  }
0xcc: {  	_ =	sfence.sel $0xFFFF  }
0xcd: {  	[dreg:$0x0] =	wrdreg $0xFFFFFFFF;
	(pc) =	sbr.abs _section_cstart, $3  }
0xce: {  	[dreg:$0x1] =	wrdreg $0xFFFFFFFF  }
0xcf: {  	_ =	task.clear_ibuf [dreg:s22], $0x2FFFF;
	_ =	strace $0x9FFFFFFF  }
0xd0: {  	(tm) =	ssettm $0x7FFFFFFF  }
0xd1: {  	_ =	shalt  }
tec
execute0_lowered:
.L_overlay_start_1:
0x0: {  	(tag) =	ssettag $0x1  }
0x1: {  	s1 =	srdreg.scid;
	s5 =	rddreg [dreg:$0x0]  }
0x2: {  	s2 =	simm.s32 $0x0;
	s4 =	sand.u32 $0x1, s1;
	s1 =	rddreg [dreg:$0x1]  }
0x3: {  	s17 =	simm.s32 $0x4200;
	[smem:$0x7FF] =	sst s2  }
0x4: {  	s18 =	simm.s32 $0x5200;
	_ =	strace $0x8000004A;
	[dreg:$0x4] =	wrdreg s17  }
0x5: {  	s19 =	simm.s32 $0x6200;
	[dreg:$0x5] =	wrdreg s18  }
0x6: {  	s20 =	simm.s32 $0x7200;
	[dreg:$0x6] =	wrdreg s19  }
0x7: {  	s0 =	stileid.u32;
	s21 =	simm.s32 $0x8200;
	[dreg:$0x7] =	wrdreg s20  }
0x8: {  	s22 =	simm.s32 $0x9200;
	s23 =	simm.s32 $0xA200;
	[dreg:$0x8] =	wrdreg s21  }
0x9: {  	s25 =	simm.s32 $0xB200;
	s26 =	simm.s32 $0xC200;
	[dreg:$0x9] =	wrdreg s22  }
0xa: {  	s28 =	simm.s32 $0xE200;
	s29 =	simm.s32 $0xF200;
	[dreg:$0xa] =	wrdreg s23  }
0xb: {  	s30 =	simm.s32 $0x10200;
	s31 =	simm.s32 $0x11200;
	[dreg:$0xb] =	wrdreg s25  }
0xc: {  	s11 =	simm.s32 $0x12200;
	s10 =	simm.s32 $0xD200;
	[dreg:$0xc] =	wrdreg s26  }
0xd: {  	s12 =	simm.s32 $0x14200;
	s3 =	smul.u32 $0x6400, s0;
	[dreg:$0xd] =	wrdreg s28  }
0xe: {  	s13 =	simm.s32 $0x15200;
	s7 =	smul.u32 $0x19000, s0;
	[dreg:$0xe] =	wrdreg s29  }
0xf: {  	s8 =	sadd.s32 $0x1AA400, s5;
	s6 =	smul.u32 $0x3200, s4;
	[dreg:$0xf] =	wrdreg s30  }
0x10: {  	s15 =	sshll.u32 s0, $0x1;
	s9 =	smul.u32 $0xC800, s4;
	[dreg:$0x10] =	wrdreg s31  }
0x11: {  	s16 =	sor.u32 s4, s15;
	s4 =	ssub.s32 $0x2, s4;
	[dreg:$0x11] =	wrdreg s11  }
0x12: {  	s11 =	simm.s32 $0x13200;
	s15 =	simm.s32 $0x2;
	s14 =	sadd.s32 s7, s8  }
0x13: {  	s24 =	sshrl.u32 s4, $0x1;
	s3 =	sadd.s32 s6, s3;
	s6 =	sadd.s32 s9, s14  }
0x14: {  	s7 =	ssub.s32 s4, s24;
	s9 =	simm.s32 $0x1;
	s3 =	sshll.u32 s3, $0x2  }
0x15: {  	[dreg:$0x2] =	wrdreg s6;
	s6 =	smul.u32 $0x3200, s16;
	s3 =	sadd.s32 s8, s3  }
0x16: {  	s14 =	simm.s32 $0x16200;
	s16 =	simm.s32 $0x0;
	s3 =	sadd.s32 $0x1400, s3  }
0x17: {  	s8 =	simm.s32 $0x3200;
	s6 =	sshrl.u32 s6, $0x3;
	[dreg:$0x3] =	wrdreg s3  }
0x18: {  	s6 =	sadd.s32 s6, s5;
	s3 =	sadd.s32 $0xF43800, s5;
	s5 =	smax.u32 s7, $0x1  }
0x19: {  	s7 =	simm.s32 $0x80;
	s4 =	sadd.s32 $0x1400, s6;
	s6 =	simm.s32 $0x3  }
.LBB2_1:
0x1a: {  	[tilespmem:s2], [sflag:$0x3] =	stream.linear.gather [hbm4b:s4+s2], $0x3200, $0x38;
	[tilespmem:$0x17200] =	vst v63  }
0x1b: {  	_ =	swait.ge [sflag:s6], $0x3200  }
0x1c: {  	p0 =	por $0x1, $0x1;
	[sflag:s6] =	ssyncset.done $0x0  }
0x1d: {  	s17 =	simm.s32 @!p0 $0x2;
	[sflag:s6] =	ssyncadd.s32 $0xFFFFCE00  }
0x1e: {  	_ =	swait.ge @!p0 [sflag:s17], $0xA000  }
0x1f: {  	[sflag:s17] =	ssyncset.done @!p0 $0x0  }
0x20: {  	s18 =	simm.s32 $0x0;
	[sflag:s17] =	ssyncadd.s32 @!p0 $0xFFFF6000  }
0x21: {  	[tilespmem:s8], [sflag:$0x1] =	stream.indirect.gather [hbm4b:s3+s7], $0x20, s18, s7, $0xb8;
	[tilespmem:$0x17200] =	vst v63  }
0x22: {  	s31 =	simm.s32 $0x80;
	s19 =	rddreg [dreg:$0x4]  }
0x23: {  	[tilespmem:s19], [sflag:$0x1] =	stream.indirect.gather [hbm4b:s3+s7], $0x20, s31, s7, $0xb8;
	[tilespmem:$0x17200] =	vst v63  }
0x24: {  	s21 =	simm.s32 $0x100;
	s20 =	rddreg [dreg:$0x5]  }
0x25: {  	[tilespmem:s20], [sflag:$0x1] =	stream.indirect.gather [hbm4b:s3+s7], $0x20, s21, s7, $0xb8;
	[tilespmem:$0x17200] =	vst v63  }
0x26: {  	s23 =	simm.s32 $0x180;
	s22 =	rddreg [dreg:$0x6]  }
0x27: {  	[tilespmem:s22], [sflag:$0x1] =	stream.indirect.gather [hbm4b:s3+s7], $0x20, s23, s7, $0xb8;
	[tilespmem:$0x17200] =	vst v63  }
0x28: {  	s25 =	simm.s32 $0x200;
	s24 =	rddreg [dreg:$0x7]  }
0x29: {  	[tilespmem:s24], [sflag:$0x1] =	stream.indirect.gather [hbm4b:s3+s7], $0x20, s25, s7, $0xb8;
	[tilespmem:$0x17200] =	vst v63  }
0x2a: {  	s28 =	simm.s32 $0x280;
	s26 =	rddreg [dreg:$0x8]  }
0x2b: {  	[tilespmem:s26], [sflag:$0x1] =	stream.indirect.gather [hbm4b:s3+s7], $0x20, s28, s7, $0xb8;
	[tilespmem:$0x17200] =	vst v63  }
0x2c: {  	s30 =	simm.s32 $0x300;
	s29 =	rddreg [dreg:$0x9]  }
0x2d: {  	[tilespmem:s29], [sflag:$0x1] =	stream.indirect.gather [hbm4b:s3+s7], $0x20, s30, s7, $0xb8;
	[tilespmem:$0x17200] =	vst v63  }
0x2e: {  	s31 =	rddreg [dreg:$0xa];
	s21 =	simm.s32 $0x380  }
0x2f: {  	[tilespmem:s31], [sflag:$0x1] =	stream.indirect.gather [hbm4b:s3+s7], $0x20, s21, s7, $0xb8;
	[tilespmem:$0x17200] =	vst v63  }
0x30: {  	s22 =	rddreg [dreg:$0xb];
	s23 =	simm.s32 $0x400  }
0x31: {  	[tilespmem:s22], [sflag:$0x1] =	stream.indirect.gather [hbm4b:s3+s7], $0x20, s23, s7, $0xb8;
	[tilespmem:$0x17200] =	vst v63  }
0x32: {  	s24 =	rddreg [dreg:$0xc];
	s25 =	simm.s32 $0x480  }
0x33: {  	[tilespmem:s24], [sflag:$0x1] =	stream.indirect.gather [hbm4b:s3+s7], $0x20, s25, s7, $0xb8;
	[tilespmem:$0x17200] =	vst v63  }
0x34: {  	_ =	swait.ge [sflag:s9], $0x1000  }
0x35: {  	[sflag:s9] =	ssyncset.done $0x0  }
0x36: {  	[sflag:s9] =	ssyncadd.s32 $0xFFFFF000  }
0x37: {  	_ =	swait.ge [sflag:s9], $0x1000  }
0x38: {  	[sflag:s9] =	ssyncset.done $0x0  }
0x39: {  	[sflag:s9] =	ssyncadd.s32 $0xFFFFF000  }
0x3a: {  	_ =	swait.ge [sflag:s9], $0x1000  }
0x3b: {  	[sflag:s9] =	ssyncset.done $0x0  }
0x3c: {  	[sflag:s9] =	ssyncadd.s32 $0xFFFFF000  }
0x3d: {  	_ =	swait.ge [sflag:s9], $0x1000  }
0x3e: {  	[sflag:s9] =	ssyncset.done $0x0  }
0x3f: {  	[sflag:s9] =	ssyncadd.s32 $0xFFFFF000  }
0x40: {  	_ =	swait.ge [sflag:s9], $0x1000  }
0x41: {  	[sflag:s9] =	ssyncset.done $0x0  }
0x42: {  	[sflag:s9] =	ssyncadd.s32 $0xFFFFF000  }
0x43: {  	_ =	swait.ge [sflag:s9], $0x1000  }
0x44: {  	[sflag:s9] =	ssyncset.done $0x0  }
0x45: {  	[sflag:s9] =	ssyncadd.s32 $0xFFFFF000  }
0x46: {  	_ =	swait.ge [sflag:s9], $0x1000  }
0x47: {  	[sflag:s9] =	ssyncset.done $0x0  }
0x48: {  	[sflag:s9] =	ssyncadd.s32 $0xFFFFF000  }
0x49: {  	_ =	swait.ge [sflag:s9], $0x1000  }
0x4a: {  	[sflag:s9] =	ssyncset.done $0x0  }
0x4b: {  	[sflag:s9] =	ssyncadd.s32 $0xFFFFF000  }
0x4c: {  	_ =	swait.ge [sflag:s9], $0x1000  }
0x4d: {  	[sflag:s9] =	ssyncset.done $0x0  }
0x4e: {  	[sflag:s9] =	ssyncadd.s32 $0xFFFFF000  }
0x4f: {  	_ =	swait.ge [sflag:s9], $0x1000  }
0x50: {  	s26 =	rddreg [dreg:$0x2];
	[sflag:s9] =	ssyncset.done $0x0  }
0x51: {  	[sflag:s9] =	ssyncadd.s32 $0xFFFFF000;
	s18 =	sadd.s32 $0x0, s26  }
0x52: {  	[hbm4b:s18+s2] =	stream.linear.scatter [tilespmem:s8], [sflag:$0x2], $0xA000, $0x38;
	[tilespmem:$0x17200] =	vst v63  }
0x53: {  	_ =	swait.ge @!p0 [sflag:s17], $0xA000  }
0x54: {  	[sflag:s17] =	ssyncset.done @!p0 $0x0  }
0x55: {  	s28 =	simm.s32 $0x500;
	[sflag:s17] =	ssyncadd.s32 @!p0 $0xFFFF6000  }
0x56: {  	[tilespmem:s10], [sflag:$0x1] =	stream.indirect.gather [hbm4b:s3+s7], $0x20, s28, s7, $0xb8;
	[tilespmem:$0x17200] =	vst v63  }
0x57: {  	s30 =	simm.s32 $0x580;
	s29 =	rddreg [dreg:$0xd]  }
0x58: {  	[tilespmem:s29], [sflag:$0x1] =	stream.indirect.gather [hbm4b:s3+s7], $0x20, s30, s7, $0xb8;
	[tilespmem:$0x17200] =	vst v63  }
0x59: {  	s20 =	simm.s32 $0x600;
	s31 =	rddreg [dreg:$0xe]  }
0x5a: {  	[tilespmem:s31], [sflag:$0x1] =	stream.indirect.gather [hbm4b:s3+s7], $0x20, s20, s7, $0xb8;
	[tilespmem:$0x17200] =	vst v63  }
0x5b: {  	s22 =	simm.s32 $0x680;
	s21 =	rddreg [dreg:$0xf]  }
0x5c: {  	[tilespmem:s21], [sflag:$0x1] =	stream.indirect.gather [hbm4b:s3+s7], $0x20, s22, s7, $0xb8;
	[tilespmem:$0x17200] =	vst v63  }
0x5d: {  	s24 =	simm.s32 $0x700;
	s23 =	rddreg [dreg:$0x10]  }
0x5e: {  	[tilespmem:s23], [sflag:$0x1] =	stream.indirect.gather [hbm4b:s3+s7], $0x20, s24, s7, $0xb8;
	[tilespmem:$0x17200] =	vst v63  }
0x5f: {  	s26 =	simm.s32 $0x780;
	s25 =	rddreg [dreg:$0x11]  }
0x60: {  	[tilespmem:s25], [sflag:$0x1] =	stream.indirect.gather [hbm4b:s3+s7], $0x20, s26, s7, $0xb8;
	[tilespmem:$0x17200] =	vst v63  }
0x61: {  	s28 =	simm.s32 $0x800  }
0x62: {  	[tilespmem:s11], [sflag:$0x1] =	stream.indirect.gather [hbm4b:s3+s7], $0x20, s28, s7, $0xb8;
	[tilespmem:$0x17200] =	vst v63  }
0x63: {  	s29 =	simm.s32 $0x880  }
0x64: {  	[tilespmem:s12], [sflag:$0x1] =	stream.indirect.gather [hbm4b:s3+s7], $0x20, s29, s7, $0xb8;
	[tilespmem:$0x17200] =	vst v63  }
0x65: {  	s30 =	simm.s32 $0x900  }
0x66: {  	[tilespmem:s13], [sflag:$0x1] =	stream.indirect.gather [hbm4b:s3+s7], $0x20, s30, s7, $0xb8;
	[tilespmem:$0x17200] =	vst v63  }
0x67: {  	s31 =	simm.s32 $0x980  }
0x68: {  	[tilespmem:s14], [sflag:$0x1] =	stream.indirect.gather [hbm4b:s3+s7], $0x20, s31, s7, $0xb8;
	[tilespmem:$0x17200] =	vst v63  }
0x69: {  	_ =	swait.ge [sflag:s9], $0x1000  }
0x6a: {  	[sflag:s9] =	ssyncset.done $0x0  }
0x6b: {  	[sflag:s9] =	ssyncadd.s32 $0xFFFFF000  }
0x6c: {  	_ =	swait.ge [sflag:s9], $0x1000  }
0x6d: {  	[sflag:s9] =	ssyncset.done $0x0  }
0x6e: {  	[sflag:s9] =	ssyncadd.s32 $0xFFFFF000  }
0x6f: {  	_ =	swait.ge [sflag:s9], $0x1000  }
0x70: {  	[sflag:s9] =	ssyncset.done $0x0  }
0x71: {  	[sflag:s9] =	ssyncadd.s32 $0xFFFFF000  }
0x72: {  	_ =	swait.ge [sflag:s9], $0x1000  }
0x73: {  	[sflag:s9] =	ssyncset.done $0x0  }
0x74: {  	[sflag:s9] =	ssyncadd.s32 $0xFFFFF000  }
0x75: {  	_ =	swait.ge [sflag:s9], $0x1000  }
0x76: {  	[sflag:s9] =	ssyncset.done $0x0  }
0x77: {  	[sflag:s9] =	ssyncadd.s32 $0xFFFFF000  }
0x78: {  	_ =	swait.ge [sflag:s9], $0x1000  }
0x79: {  	[sflag:s9] =	ssyncset.done $0x0  }
0x7a: {  	[sflag:s9] =	ssyncadd.s32 $0xFFFFF000  }
0x7b: {  	_ =	swait.ge [sflag:s9], $0x1000  }
0x7c: {  	[sflag:s9] =	ssyncset.done $0x0  }
0x7d: {  	[sflag:s9] =	ssyncadd.s32 $0xFFFFF000  }
0x7e: {  	_ =	swait.ge [sflag:s9], $0x1000  }
0x7f: {  	[sflag:s9] =	ssyncset.done $0x0  }
0x80: {  	[sflag:s9] =	ssyncadd.s32 $0xFFFFF000  }
0x81: {  	_ =	swait.ge [sflag:s9], $0x1000  }
0x82: {  	[sflag:s9] =	ssyncset.done $0x0  }
0x83: {  	[sflag:s9] =	ssyncadd.s32 $0xFFFFF000  }
0x84: {  	p1 =	por $0x0, $0x0;
	_ =	swait.ge [sflag:s9], $0x1000  }
0x85: {  	s19 =	simm.s32 $0x0;
	s18 =	simm.s32 $0x5000;
	[sflag:s9] =	ssyncset.done $0x0  }
0x86: {  	s17 =	simm.s32 $0x2800;
	s22 =	rddreg [dreg:$0x3];
	[sflag:s9] =	ssyncadd.s32 $0xFFFFF000  }
.LBB2_2:
0x87: {  	s21 =	simm.s32 @!p1 $0x2;
	s20 =	sadd.s32 s19, s22  }
0x88: {  	[hbm4b:s20+s2] =	stream.linear.scatter [tilespmem:s10], [sflag:$0x2], $0xA000, $0x38;
	[tilespmem:$0x17200] =	vst v63  }
0x89: {  	_ =	swait.ge @!p1 [sflag:s21], $0xA000  }
0x8a: {  	s19 =	smov.u32 s17;
	[sflag:s21] =	ssyncset.done @!p1 $0x0  }
0x8b: {  	s20 =	sshra.s32 s19, $0x2;
	[sflag:s21] =	ssyncadd.s32 @!p1 $0xFFFF6000  }
0x8c: {  	[tilespmem:s8], [sflag:$0x1] =	stream.indirect.gather [hbm4b:s3+s7], $0x20, s20, s7, $0xb8;
	[tilespmem:$0x17200] =	vst v63  }
0x8d: {  	s23 =	sadd.s32 $0x80, s20;
	s29 =	rddreg [dreg:$0x4]  }
0x8e: {  	[tilespmem:s29], [sflag:$0x1] =	stream.indirect.gather [hbm4b:s3+s7], $0x20, s23, s7, $0xb8;
	[tilespmem:$0x17200] =	vst v63  }
0x8f: {  	s30 =	sadd.s32 $0x100, s20;
	s24 =	rddreg [dreg:$0x5]  }
0x90: {  	[tilespmem:s24], [sflag:$0x1] =	stream.indirect.gather [hbm4b:s3+s7], $0x20, s30, s7, $0xb8;
	[tilespmem:$0x17200] =	vst v63  }
0x91: {  	s25 =	sadd.s32 $0x180, s20;
	s31 =	rddreg [dreg:$0x6]  }
0x92: {  	[tilespmem:s31], [sflag:$0x1] =	stream.indirect.gather [hbm4b:s3+s7], $0x20, s25, s7, $0xb8;
	[tilespmem:$0x17200] =	vst v63  }
0x93: {  	s28 =	sadd.s32 $0x200, s20;
	s26 =	rddreg [dreg:$0x7]  }
0x94: {  	[tilespmem:s26], [sflag:$0x1] =	stream.indirect.gather [hbm4b:s3+s7], $0x20, s28, s7, $0xb8;
	[tilespmem:$0x17200] =	vst v63  }
0x95: {  	s29 =	rddreg [dreg:$0x8];
	s30 =	sadd.s32 $0x280, s20  }
0x96: {  	[tilespmem:s29], [sflag:$0x1] =	stream.indirect.gather [hbm4b:s3+s7], $0x20, s30, s7, $0xb8;
	[tilespmem:$0x17200] =	vst v63  }
0x97: {  	s23 =	sadd.s32 $0x300, s20;
	s31 =	rddreg [dreg:$0x9]  }
0x98: {  	[tilespmem:s31], [sflag:$0x1] =	stream.indirect.gather [hbm4b:s3+s7], $0x20, s23, s7, $0xb8;
	[tilespmem:$0x17200] =	vst v63  }
0x99: {  	s25 =	rddreg [dreg:$0xa];
	s26 =	sadd.s32 $0x380, s20  }
0x9a: {  	[tilespmem:s25], [sflag:$0x1] =	stream.indirect.gather [hbm4b:s3+s7], $0x20, s26, s7, $0xb8;
	[tilespmem:$0x17200] =	vst v63  }
0x9b: {  	s28 =	rddreg [dreg:$0xb];
	s29 =	sadd.s32 $0x400, s20  }
0x9c: {  	[tilespmem:s28], [sflag:$0x1] =	stream.indirect.gather [hbm4b:s3+s7], $0x20, s29, s7, $0xb8;
	[tilespmem:$0x17200] =	vst v63  }
0x9d: {  	s30 =	rddreg [dreg:$0xc];
	s31 =	sadd.s32 $0x480, s20  }
0x9e: {  	[tilespmem:s30], [sflag:$0x1] =	stream.indirect.gather [hbm4b:s3+s7], $0x20, s31, s7, $0xb8;
	[tilespmem:$0x17200] =	vst v63  }
0x9f: {  	_ =	swait.ge [sflag:s9], $0x1000  }
0xa0: {  	[sflag:s9] =	ssyncset.done $0x0  }
0xa1: {  	[sflag:s9] =	ssyncadd.s32 $0xFFFFF000  }
0xa2: {  	_ =	swait.ge [sflag:s9], $0x1000  }
0xa3: {  	[sflag:s9] =	ssyncset.done $0x0  }
0xa4: {  	[sflag:s9] =	ssyncadd.s32 $0xFFFFF000  }
0xa5: {  	_ =	swait.ge [sflag:s9], $0x1000  }
0xa6: {  	[sflag:s9] =	ssyncset.done $0x0  }
0xa7: {  	[sflag:s9] =	ssyncadd.s32 $0xFFFFF000  }
0xa8: {  	_ =	swait.ge [sflag:s9], $0x1000  }
0xa9: {  	[sflag:s9] =	ssyncset.done $0x0  }
0xaa: {  	[sflag:s9] =	ssyncadd.s32 $0xFFFFF000  }
0xab: {  	_ =	swait.ge [sflag:s9], $0x1000  }
0xac: {  	[sflag:s9] =	ssyncset.done $0x0  }
0xad: {  	[sflag:s9] =	ssyncadd.s32 $0xFFFFF000  }
0xae: {  	_ =	swait.ge [sflag:s9], $0x1000  }
0xaf: {  	[sflag:s9] =	ssyncset.done $0x0  }
0xb0: {  	[sflag:s9] =	ssyncadd.s32 $0xFFFFF000  }
0xb1: {  	_ =	swait.ge [sflag:s9], $0x1000  }
0xb2: {  	[sflag:s9] =	ssyncset.done $0x0  }
0xb3: {  	[sflag:s9] =	ssyncadd.s32 $0xFFFFF000  }
0xb4: {  	_ =	swait.ge [sflag:s9], $0x1000  }
0xb5: {  	[sflag:s9] =	ssyncset.done $0x0  }
0xb6: {  	[sflag:s9] =	ssyncadd.s32 $0xFFFFF000  }
0xb7: {  	_ =	swait.ge [sflag:s9], $0x1000  }
0xb8: {  	[sflag:s9] =	ssyncset.done $0x0  }
0xb9: {  	[sflag:s9] =	ssyncadd.s32 $0xFFFFF000  }
0xba: {  	_ =	swait.ge [sflag:s9], $0x1000  }
0xbb: {  	s24 =	rddreg [dreg:$0x2];
	[sflag:s9] =	ssyncset.done $0x0  }
0xbc: {  	[sflag:s9] =	ssyncadd.s32 $0xFFFFF000;
	s22 =	sadd.s32 s19, s24  }
0xbd: {  	[hbm4b:s22+s2] =	stream.linear.scatter [tilespmem:s8], [sflag:$0x2], $0xA000, $0x38;
	[tilespmem:$0x17200] =	vst v63  }
0xbe: {  	_ =	swait.ge @!p1 [sflag:s21], $0xA000  }
0xbf: {  	[sflag:s21] =	ssyncset.done @!p1 $0x0  }
0xc0: {  	s25 =	sadd.s32 $0x500, s20;
	[sflag:s21] =	ssyncadd.s32 @!p1 $0xFFFF6000  }
0xc1: {  	[tilespmem:s10], [sflag:$0x1] =	stream.indirect.gather [hbm4b:s3+s7], $0x20, s25, s7, $0xb8;
	[tilespmem:$0x17200] =	vst v63  }
0xc2: {  	s28 =	sadd.s32 $0x580, s20;
	s26 =	rddreg [dreg:$0xd]  }
0xc3: {  	[tilespmem:s26], [sflag:$0x1] =	stream.indirect.gather [hbm4b:s3+s7], $0x20, s28, s7, $0xb8;
	[tilespmem:$0x17200] =	vst v63  }
0xc4: {  	s30 =	sadd.s32 $0x600, s20;
	s29 =	rddreg [dreg:$0xe]  }
0xc5: {  	[tilespmem:s29], [sflag:$0x1] =	stream.indirect.gather [hbm4b:s3+s7], $0x20, s30, s7, $0xb8;
	[tilespmem:$0x17200] =	vst v63  }
0xc6: {  	s23 =	sadd.s32 $0x680, s20;
	s31 =	rddreg [dreg:$0xf]  }
0xc7: {  	[tilespmem:s31], [sflag:$0x1] =	stream.indirect.gather [hbm4b:s3+s7], $0x20, s23, s7, $0xb8;
	[tilespmem:$0x17200] =	vst v63  }
0xc8: {  	s24 =	rddreg [dreg:$0x10];
	s25 =	sadd.s32 $0x700, s20  }
0xc9: {  	[tilespmem:s24], [sflag:$0x1] =	stream.indirect.gather [hbm4b:s3+s7], $0x20, s25, s7, $0xb8;
	[tilespmem:$0x17200] =	vst v63  }
0xca: {  	s26 =	rddreg [dreg:$0x11];
	s28 =	sadd.s32 $0x780, s20  }
0xcb: {  	[tilespmem:s26], [sflag:$0x1] =	stream.indirect.gather [hbm4b:s3+s7], $0x20, s28, s7, $0xb8;
	[tilespmem:$0x17200] =	vst v63  }
0xcc: {  	s29 =	sadd.s32 $0x800, s20  }
0xcd: {  	[tilespmem:s11], [sflag:$0x1] =	stream.indirect.gather [hbm4b:s3+s7], $0x20, s29, s7, $0xb8;
	[tilespmem:$0x17200] =	vst v63  }
0xce: {  	s30 =	sadd.s32 $0x880, s20  }
0xcf: {  	[tilespmem:s12], [sflag:$0x1] =	stream.indirect.gather [hbm4b:s3+s7], $0x20, s30, s7, $0xb8;
	[tilespmem:$0x17200] =	vst v63  }
0xd0: {  	s31 =	sadd.s32 $0x900, s20  }
0xd1: {  	[tilespmem:s13], [sflag:$0x1] =	stream.indirect.gather [hbm4b:s3+s7], $0x20, s31, s7, $0xb8;
	[tilespmem:$0x17200] =	vst v63  }
0xd2: {  	s20 =	sadd.s32 $0x980, s20  }
0xd3: {  	[tilespmem:s14], [sflag:$0x1] =	stream.indirect.gather [hbm4b:s3+s7], $0x20, s20, s7, $0xb8;
	[tilespmem:$0x17200] =	vst v63  }
0xd4: {  	_ =	swait.ge [sflag:s9], $0x1000  }
0xd5: {  	[sflag:s9] =	ssyncset.done $0x0  }
0xd6: {  	[sflag:s9] =	ssyncadd.s32 $0xFFFFF000  }
0xd7: {  	_ =	swait.ge [sflag:s9], $0x1000  }
0xd8: {  	[sflag:s9] =	ssyncset.done $0x0  }
0xd9: {  	[sflag:s9] =	ssyncadd.s32 $0xFFFFF000  }
0xda: {  	_ =	swait.ge [sflag:s9], $0x1000  }
0xdb: {  	[sflag:s9] =	ssyncset.done $0x0  }
0xdc: {  	[sflag:s9] =	ssyncadd.s32 $0xFFFFF000  }
0xdd: {  	_ =	swait.ge [sflag:s9], $0x1000  }
0xde: {  	[sflag:s9] =	ssyncset.done $0x0  }
0xdf: {  	[sflag:s9] =	ssyncadd.s32 $0xFFFFF000  }
0xe0: {  	_ =	swait.ge [sflag:s9], $0x1000  }
0xe1: {  	[sflag:s9] =	ssyncset.done $0x0  }
0xe2: {  	[sflag:s9] =	ssyncadd.s32 $0xFFFFF000  }
0xe3: {  	_ =	swait.ge [sflag:s9], $0x1000  }
0xe4: {  	[sflag:s9] =	ssyncset.done $0x0  }
0xe5: {  	[sflag:s9] =	ssyncadd.s32 $0xFFFFF000  }
0xe6: {  	_ =	swait.ge [sflag:s9], $0x1000  }
0xe7: {  	[sflag:s9] =	ssyncset.done $0x0  }
0xe8: {  	[sflag:s9] =	ssyncadd.s32 $0xFFFFF000  }
0xe9: {  	_ =	swait.ge [sflag:s9], $0x1000  }
0xea: {  	[sflag:s9] =	ssyncset.done $0x0  }
0xeb: {  	s17 =	smov.u32 s18;
	s18 =	sadd.s32 $0x2800, s18;
	[sflag:s9] =	ssyncadd.s32 $0xFFFFF000  }
0xec: {  	p0 =	sne.s32 s18, $0xC800;
	_ =	swait.ge [sflag:s9], $0x1000  }
.Ltmp0:
0xed: {  	[sflag:s9] =	ssyncset.done $0x0;
	(pc) =	sbr.rel @p0 .LBB2_2-.Ltmp0, $4  }
0xee: {  	[sflag:s9] =	ssyncadd.s32 $0xFFFFF000  }
0xef: {  	_ =	swait.ge [sflag:s9], $0x1000  }
0xf0: {  	[sflag:s9] =	ssyncset.done $0x0  }
0xf1: {  	p1 =	seq.s32 s17, $0x0;
	s22 =	rddreg [dreg:$0x3];
	[sflag:s9] =	ssyncadd.s32 $0xFFFFF000  }
0xf2: {  	s20 =	simm.s32 @!p1 $0x2;
	s18 =	sadd.s32 s19, s22  }
0xf3: {  	[hbm4b:s18+s2] =	stream.linear.scatter [tilespmem:s10], [sflag:$0x2], $0xA000, $0x38;
	[tilespmem:$0x17200] =	vst v63  }
0xf4: {  	_ =	swait.ge @!p1 [sflag:s20], $0xA000  }
0xf5: {  	[sflag:s20] =	ssyncset.done @!p1 $0x0  }
0xf6: {  	s18 =	sshra.s32 s17, $0x2;
	[sflag:s20] =	ssyncadd.s32 @!p1 $0xFFFF6000  }
0xf7: {  	[tilespmem:s8], [sflag:$0x1] =	stream.indirect.gather [hbm4b:s3+s7], $0x20, s18, s7, $0xb8;
	[tilespmem:$0x17200] =	vst v63  }
0xf8: {  	s21 =	sadd.s32 $0x80, s18;
	s23 =	rddreg [dreg:$0x4]  }
0xf9: {  	[tilespmem:s23], [sflag:$0x1] =	stream.indirect.gather [hbm4b:s3+s7], $0x20, s21, s7, $0xb8;
	[tilespmem:$0x17200] =	vst v63  }
0xfa: {  	s25 =	sadd.s32 $0x100, s18;
	s24 =	rddreg [dreg:$0x5]  }
0xfb: {  	[tilespmem:s24], [sflag:$0x1] =	stream.indirect.gather [hbm4b:s3+s7], $0x20, s25, s7, $0xb8;
	[tilespmem:$0x17200] =	vst v63  }
0xfc: {  	s28 =	sadd.s32 $0x180, s18;
	s26 =	rddreg [dreg:$0x6]  }
0xfd: {  	[tilespmem:s26], [sflag:$0x1] =	stream.indirect.gather [hbm4b:s3+s7], $0x20, s28, s7, $0xb8;
	[tilespmem:$0x17200] =	vst v63  }
0xfe: {  	s30 =	sadd.s32 $0x200, s18;
	s29 =	rddreg [dreg:$0x7]  }
0xff: {  	[tilespmem:s29], [sflag:$0x1] =	stream.indirect.gather [hbm4b:s3+s7], $0x20, s30, s7, $0xb8;
	[tilespmem:$0x17200] =	vst v63  }
0x100: {  	s31 =	rddreg [dreg:$0x8];
	s23 =	sadd.s32 $0x280, s18  }
0x101: {  	[tilespmem:s31], [sflag:$0x1] =	stream.indirect.gather [hbm4b:s3+s7], $0x20, s23, s7, $0xb8;
	[tilespmem:$0x17200] =	vst v63  }
0x102: {  	s24 =	rddreg [dreg:$0x9];
	s25 =	sadd.s32 $0x300, s18  }
0x103: {  	[tilespmem:s24], [sflag:$0x1] =	stream.indirect.gather [hbm4b:s3+s7], $0x20, s25, s7, $0xb8;
	[tilespmem:$0x17200] =	vst v63  }
0x104: {  	s26 =	rddreg [dreg:$0xa];
	s28 =	sadd.s32 $0x380, s18  }
0x105: {  	[tilespmem:s26], [sflag:$0x1] =	stream.indirect.gather [hbm4b:s3+s7], $0x20, s28, s7, $0xb8;
	[tilespmem:$0x17200] =	vst v63  }
0x106: {  	s29 =	rddreg [dreg:$0xb];
	s30 =	sadd.s32 $0x400, s18  }
0x107: {  	[tilespmem:s29], [sflag:$0x1] =	stream.indirect.gather [hbm4b:s3+s7], $0x20, s30, s7, $0xb8;
	[tilespmem:$0x17200] =	vst v63  }
0x108: {  	s31 =	rddreg [dreg:$0xc];
	s23 =	sadd.s32 $0x480, s18  }
0x109: {  	[tilespmem:s31], [sflag:$0x1] =	stream.indirect.gather [hbm4b:s3+s7], $0x20, s23, s7, $0xb8;
	[tilespmem:$0x17200] =	vst v63  }
0x10a: {  	_ =	swait.ge [sflag:s9], $0x1000  }
0x10b: {  	[sflag:s9] =	ssyncset.done $0x0  }
0x10c: {  	[sflag:s9] =	ssyncadd.s32 $0xFFFFF000  }
0x10d: {  	_ =	swait.ge [sflag:s9], $0x1000  }
0x10e: {  	[sflag:s9] =	ssyncset.done $0x0  }
0x10f: {  	[sflag:s9] =	ssyncadd.s32 $0xFFFFF000  }
0x110: {  	_ =	swait.ge [sflag:s9], $0x1000  }
0x111: {  	[sflag:s9] =	ssyncset.done $0x0  }
0x112: {  	[sflag:s9] =	ssyncadd.s32 $0xFFFFF000  }
0x113: {  	_ =	swait.ge [sflag:s9], $0x1000  }
0x114: {  	[sflag:s9] =	ssyncset.done $0x0  }
0x115: {  	[sflag:s9] =	ssyncadd.s32 $0xFFFFF000  }
0x116: {  	_ =	swait.ge [sflag:s9], $0x1000  }
0x117: {  	[sflag:s9] =	ssyncset.done $0x0  }
0x118: {  	[sflag:s9] =	ssyncadd.s32 $0xFFFFF000  }
0x119: {  	_ =	swait.ge [sflag:s9], $0x1000  }
0x11a: {  	[sflag:s9] =	ssyncset.done $0x0  }
0x11b: {  	[sflag:s9] =	ssyncadd.s32 $0xFFFFF000  }
0x11c: {  	_ =	swait.ge [sflag:s9], $0x1000  }
0x11d: {  	[sflag:s9] =	ssyncset.done $0x0  }
0x11e: {  	[sflag:s9] =	ssyncadd.s32 $0xFFFFF000  }
0x11f: {  	_ =	swait.ge [sflag:s9], $0x1000  }
0x120: {  	[sflag:s9] =	ssyncset.done $0x0  }
0x121: {  	[sflag:s9] =	ssyncadd.s32 $0xFFFFF000  }
0x122: {  	_ =	swait.ge [sflag:s9], $0x1000  }
0x123: {  	[sflag:s9] =	ssyncset.done $0x0  }
0x124: {  	[sflag:s9] =	ssyncadd.s32 $0xFFFFF000  }
0x125: {  	_ =	swait.ge [sflag:s9], $0x1000  }
0x126: {  	s24 =	rddreg [dreg:$0x2];
	[sflag:s9] =	ssyncset.done $0x0  }
0x127: {  	[sflag:s9] =	ssyncadd.s32 $0xFFFFF000;
	s19 =	sadd.s32 s17, s24  }
0x128: {  	[hbm4b:s19+s2] =	stream.linear.scatter [tilespmem:s8], [sflag:$0x2], $0xA000, $0x38;
	[tilespmem:$0x17200] =	vst v63  }
0x129: {  	_ =	swait.ge @!p1 [sflag:s20], $0xA000  }
0x12a: {  	[sflag:s20] =	ssyncset.done @!p1 $0x0  }
0x12b: {  	s25 =	sadd.s32 $0x500, s18;
	[sflag:s20] =	ssyncadd.s32 @!p1 $0xFFFF6000  }
0x12c: {  	[tilespmem:s10], [sflag:$0x1] =	stream.indirect.gather [hbm4b:s3+s7], $0x20, s25, s7, $0xb8;
	[tilespmem:$0x17200] =	vst v63  }
0x12d: {  	s28 =	sadd.s32 $0x580, s18;
	s26 =	rddreg [dreg:$0xd]  }
0x12e: {  	[tilespmem:s26], [sflag:$0x1] =	stream.indirect.gather [hbm4b:s3+s7], $0x20, s28, s7, $0xb8;
	[tilespmem:$0x17200] =	vst v63  }
0x12f: {  	s30 =	sadd.s32 $0x600, s18;
	s29 =	rddreg [dreg:$0xe]  }
0x130: {  	[tilespmem:s29], [sflag:$0x1] =	stream.indirect.gather [hbm4b:s3+s7], $0x20, s30, s7, $0xb8;
	[tilespmem:$0x17200] =	vst v63  }
0x131: {  	s21 =	sadd.s32 $0x680, s18;
	s31 =	rddreg [dreg:$0xf]  }
0x132: {  	[tilespmem:s31], [sflag:$0x1] =	stream.indirect.gather [hbm4b:s3+s7], $0x20, s21, s7, $0xb8;
	[tilespmem:$0x17200] =	vst v63  }
0x133: {  	s23 =	sadd.s32 $0x700, s18;
	s22 =	rddreg [dreg:$0x10]  }
0x134: {  	[tilespmem:s22], [sflag:$0x1] =	stream.indirect.gather [hbm4b:s3+s7], $0x20, s23, s7, $0xb8;
	[tilespmem:$0x17200] =	vst v63  }
0x135: {  	s24 =	rddreg [dreg:$0x11];
	s25 =	sadd.s32 $0x780, s18  }
0x136: {  	[tilespmem:s24], [sflag:$0x1] =	stream.indirect.gather [hbm4b:s3+s7], $0x20, s25, s7, $0xb8;
	[tilespmem:$0x17200] =	vst v63  }
0x137: {  	s26 =	sadd.s32 $0x800, s18  }
0x138: {  	[tilespmem:s11], [sflag:$0x1] =	stream.indirect.gather [hbm4b:s3+s7], $0x20, s26, s7, $0xb8;
	[tilespmem:$0x17200] =	vst v63  }
0x139: {  	s28 =	sadd.s32 $0x880, s18  }
0x13a: {  	[tilespmem:s12], [sflag:$0x1] =	stream.indirect.gather [hbm4b:s3+s7], $0x20, s28, s7, $0xb8;
	[tilespmem:$0x17200] =	vst v63  }
0x13b: {  	s29 =	sadd.s32 $0x900, s18  }
0x13c: {  	[tilespmem:s13], [sflag:$0x1] =	stream.indirect.gather [hbm4b:s3+s7], $0x20, s29, s7, $0xb8;
	[tilespmem:$0x17200] =	vst v63  }
0x13d: {  	s18 =	sadd.s32 $0x980, s18  }
0x13e: {  	[tilespmem:s14], [sflag:$0x1] =	stream.indirect.gather [hbm4b:s3+s7], $0x20, s18, s7, $0xb8;
	[tilespmem:$0x17200] =	vst v63  }
0x13f: {  	_ =	swait.ge [sflag:s9], $0x1000  }
0x140: {  	[sflag:s9] =	ssyncset.done $0x0  }
0x141: {  	[sflag:s9] =	ssyncadd.s32 $0xFFFFF000  }
0x142: {  	_ =	swait.ge [sflag:s9], $0x1000  }
0x143: {  	[sflag:s9] =	ssyncset.done $0x0  }
0x144: {  	[sflag:s9] =	ssyncadd.s32 $0xFFFFF000  }
0x145: {  	_ =	swait.ge [sflag:s9], $0x1000  }
0x146: {  	[sflag:s9] =	ssyncset.done $0x0  }
0x147: {  	[sflag:s9] =	ssyncadd.s32 $0xFFFFF000  }
0x148: {  	_ =	swait.ge [sflag:s9], $0x1000  }
0x149: {  	[sflag:s9] =	ssyncset.done $0x0  }
0x14a: {  	[sflag:s9] =	ssyncadd.s32 $0xFFFFF000  }
0x14b: {  	_ =	swait.ge [sflag:s9], $0x1000  }
0x14c: {  	[sflag:s9] =	ssyncset.done $0x0  }
0x14d: {  	[sflag:s9] =	ssyncadd.s32 $0xFFFFF000  }
0x14e: {  	_ =	swait.ge [sflag:s9], $0x1000  }
0x14f: {  	[sflag:s9] =	ssyncset.done $0x0  }
0x150: {  	[sflag:s9] =	ssyncadd.s32 $0xFFFFF000  }
0x151: {  	_ =	swait.ge [sflag:s9], $0x1000  }
0x152: {  	[sflag:s9] =	ssyncset.done $0x0  }
0x153: {  	[sflag:s9] =	ssyncadd.s32 $0xFFFFF000  }
0x154: {  	_ =	swait.ge [sflag:s9], $0x1000  }
0x155: {  	[sflag:s9] =	ssyncset.done $0x0  }
0x156: {  	[sflag:s9] =	ssyncadd.s32 $0xFFFFF000  }
0x157: {  	_ =	swait.ge [sflag:s9], $0x1000  }
0x158: {  	[sflag:s9] =	ssyncset.done $0x0  }
0x159: {  	[sflag:s9] =	ssyncadd.s32 $0xFFFFF000  }
0x15a: {  	_ =	swait.ge [sflag:s9], $0x1000  }
0x15b: {  	s30 =	rddreg [dreg:$0x3];
	[sflag:s9] =	ssyncset.done $0x0  }
0x15c: {  	s16 =	sadd.s32 $0x1, s16;
	[sflag:s9] =	ssyncadd.s32 $0xFFFFF000;
	s31 =	sadd.s32 s17, s30  }
0x15d: {  	[hbm4b:s31+s2] =	stream.linear.scatter [tilespmem:s10], [sflag:$0x2], $0xA000, $0x38;
	[tilespmem:$0x17200] =	vst v63  }
0x15e: {  	p0 =	sne.s32 s16, s5;
	_ =	swait.ge [sflag:s15], $0xA000  }
.Ltmp1:
0x15f: {  	[sflag:s15] =	ssyncset.done $0x0;
	(pc) =	sbr.rel @p0 .LBB2_1-.Ltmp1, $4  }
0x160: {  	[sflag:s15] =	ssyncadd.s32 $0xFFFF6000  }
0x161: {  	_ =	swait.ge [sflag:s15], $0xA000  }
0x162: {  	[sflag:s15] =	ssyncset.done $0x0  }
0x163: {  	[sflag:s15] =	ssyncadd.s32 $0xFFFF6000  }
0x164: {  	_ =	sfence.sel $0x180000  }
0x165: {  	[bflag:$0x0] =	sbarrier.arrive $0xFFFF  }
0x166: {  	p0 =	sne.s32 s0, $0x0;
	_ =	strace $0x9000004A  }
0x167: {  	s0 =	sadd.s32 @!p0 $0x100000, s1;
	[bflag:$0x2] =	sbarrier.arrive $0xFFFF  }
0x168: {  	[sflag:s0] =	ssyncadd.tile.s32 @!p0 $0x1;
	_ =	shalt  }
.Lfunc_end2:
_tile_overlayer_lowered:
.L_overlay_start_2:
0x169: {  	(tag) =	ssettag $0x2  }
0x16a: {  	s0 =	rddreg [dreg:$0x0];
	s2 =	stileid.u32  }
0x16b: {  	s1 =	rddreg [dreg:$0x1];
	p0 =	sne.s32 s2, $0x0  }
0x16c: {  	s3 =	rddreg [dreg:$0x2];
	[bflag:$0x3] =	sbarrier.arrive $0xFFFF;
	s2 =	simm.s32 @!p0 $0x1C03  }
0x16d: {  	[timem:s3], [sflag:s2] =	dma.local @!p0 [hbm:s0], s1  }
0x16e: {  	s0 =	simm.s32 @!p0 $0x3  }
0x16f: {  	_ =	swait.ge @!p0 [sflag:s0], s1  }
0x170: {  	s1 =	ssub.s32 @!p0 $0x0, s1;
	[sflag:s0] =	ssyncset.done @!p0 $0x0  }
0x171: {  	[sflag:s0] =	ssyncadd.s32 @!p0 s1  }
0x172: {  	[bflag:$0x3] =	sbarrier.arrive $0xFFFF  }
0x173: {  	_ =	shalt  }

</sc_bundles>
